<compile_context>
chip_gen: v7x
topology: tpu7x:2x2x1
jax: 0.10.2.dev20260603
libtpu: 0.0.44.dev20260713+nightly
codegen_flags: <defaults>
</compile_context>

<pallas_src>
import functools

import jax
import jax.numpy as jnp
from jax import lax
from jax.experimental import pallas as pl
from jax.experimental.pallas import tpu as pltpu
from jax.experimental.pallas import tpu_sc as plsc

N = 10000
D = 256
E = 160000
HALF = 128
NSUB = 16
CHUNK = 128
EPW = 10240
KCH = EPW // CHUNK
EPAD = NSUB * EPW

HN = N // 2
HZR = 320
HROWS = NSUB * HZR

NBUF = 4


def _sc_feat_body(table, gsrc, dstc, z128, tok, agg_out,
                  gsrc_v, dst_v, *rest):
    bufs = rest[:NBUF]
    acc = rest[NBUF]
    sems = rest[NBUF + 1:]
    c = lax.axis_index("c")
    s = lax.axis_index("s")

    pltpu.sync_copy(dstc.at[c, s], dst_v)

    for p in (0, 1):
        pltpu.sync_copy(z128, acc.at[pl.ds(s * HZR, HZR)])
        pltpu.sync_copy(gsrc.at[p, s], gsrc_v)
        plsc.subcore_barrier()

        def start(k, b):
            pltpu.async_copy(table.at[gsrc_v.at[k]], bufs[b], sems[b])

        def finish(k, b):
            pltpu.make_async_copy(table.at[gsrc_v.at[k]], bufs[b],
                                  sems[b]).wait()
            pltpu.sync_copy(bufs[b], acc.at[dst_v.at[k]], add=True)

        for b in range(NBUF):
            start(b, b)

        @pl.loop(0, KCH, step=NBUF)
        def _(k):
            for b in range(NBUF):
                finish(k + b, b)

                @pl.when(k + b + NBUF < KCH)
                def _():
                    start(k + b + NBUF, b)

        plsc.subcore_barrier()
        pltpu.sync_copy(acc.at[pl.ds(s * HZR, HZR)],
                        agg_out.at[p, c, pl.ds(s * HZR, HZR)])


def _sc_cnt_body(cdstc, onesh, z128, cnt_out, cdst_v, ones_v, cacc):
    c = lax.axis_index("c")
    s = lax.axis_index("s")
    pltpu.sync_copy(onesh, ones_v)

    for j in (0, 1):
        pltpu.sync_copy(z128, cacc.at[pl.ds(s * HZR, HZR)])
        pltpu.sync_copy(cdstc.at[j, c, s], cdst_v)
        plsc.subcore_barrier()

        @pl.loop(0, KCH)
        def _(k):
            pltpu.sync_copy(ones_v, cacc.at[cdst_v.at[k]], add=True)

        plsc.subcore_barrier()
        pltpu.sync_copy(cacc.at[pl.ds(s * HZR, HZR)],
                        cnt_out.at[j, c, pl.ds(s * HZR, HZR)])


@functools.cache
def _sc_feat_pass():
    mesh = plsc.VectorSubcoreMesh(core_axis_name="c", subcore_axis_name="s")
    return pl.kernel(
        _sc_feat_body,
        out_type=jax.ShapeDtypeStruct((2, 2, HROWS, HALF), jnp.float32),
        mesh=mesh,
        scratch_types=[
            pltpu.VMEM((KCH, CHUNK), jnp.int32),
            pltpu.VMEM((KCH, CHUNK), jnp.int32),
        ] + [pltpu.VMEM((CHUNK, HALF), jnp.float32)] * NBUF
          + [pltpu.VMEM_SHARED((HROWS, HALF), jnp.float32)]
          + [pltpu.SemaphoreType.DMA] * NBUF)


@functools.cache
def _sc_cnt_pass():
    mesh = plsc.VectorSubcoreMesh(core_axis_name="c", subcore_axis_name="s")
    return pl.kernel(
        _sc_cnt_body,
        out_type=jax.ShapeDtypeStruct((2, 2, HROWS, HALF), jnp.float32),
        mesh=mesh,
        scratch_types=[
            pltpu.VMEM((KCH, CHUNK), jnp.int32),
            pltpu.VMEM((CHUNK, HALF), jnp.float32),
            pltpu.VMEM_SHARED((HROWS, HALF), jnp.float32),
        ])


def _gelu(x):
    return 0.5 * x * (1.0 + lax.erf(x * 0.7071067811865476))


def _dot(a, b):
    return lax.dot_general(a, b, (((1,), (0,)), ((), ())),
                           preferred_element_type=jnp.float32,
                           precision=lax.Precision.HIGHEST)


BN = 1000


def _layer_body(classifier, h_ref, agg_ref, cnt_ref, Wsrc_ref,
                bsrc_ref, Wtop_ref, Wbot_ref, bfc_ref, gamma_ref, beta_ref,
                *rest):
    if classifier:
        Wc1_ref, bc1_ref, wc2_ref, bc2_ref, out_ref = rest
    else:
        (out_ref,) = rest
    cnt = cnt_ref[0, 0, :, 0:1]
    denom = jnp.maximum(cnt, 1.0)
    mask = jnp.minimum(cnt, 1.0)
    agg = jnp.concatenate([agg_ref[0, 0], agg_ref[1, 0]], axis=-1)
    avg = agg / denom
    neigh = _dot(avg, Wsrc_ref[...]) + mask * bsrc_ref[...]
    pre = (_dot(h_ref[...], Wtop_ref[...]) + _dot(neigh, Wbot_ref[...])
           + bfc_ref[...])
    g = _gelu(pre)
    mu = jnp.mean(g, axis=-1, keepdims=True)
    var = jnp.mean((g - mu) ** 2, axis=-1, keepdims=True)
    hn = (g - mu) * lax.rsqrt(var + 1e-5) * gamma_ref[...] + beta_ref[...]
    if classifier:
        z = _gelu(_dot(hn, Wc1_ref[...]) + bc1_ref[...])
        out_ref[...] = (jnp.sum(z * wc2_ref[...], axis=-1, keepdims=True)
                        + bc2_ref[...])
    else:
        out_ref[...] = hn


def _mk_specs(cidx, classifier):
    full = lambda shape: pl.BlockSpec(shape, lambda i: (0,) * len(shape))
    specs = [
        pl.BlockSpec((BN, D), lambda i: (i, 0)),
        pl.BlockSpec((2, 1, BN, HALF),
                     lambda i: (0, i // (HN // BN), i % (HN // BN), 0)),
        pl.BlockSpec((1, 1, BN, HALF),
                     lambda i: (cidx, i // (HN // BN), i % (HN // BN), 0)),
        full((D, D)), full((1, D)), full((D, D)), full((D, D)),
        full((1, D)), full((1, D)), full((1, D)),
    ]
    if classifier:
        specs += [full((D, D)), full((1, D)), full((1, D)), full((1, 1))]
    return specs


def _layer_tc(h, agg, cnt, Wsrc, bsrc, Wtop, Wbot, bfc, gamma, beta):
    return pl.pallas_call(
        functools.partial(_layer_body, False),
        grid=(N // BN,),
        in_specs=_mk_specs(0, False),
        out_specs=pl.BlockSpec((BN, D), lambda i: (i, 0)),
        out_shape=jax.ShapeDtypeStruct((N, D), jnp.float32),
    )(h, agg, cnt, Wsrc, bsrc, Wtop, Wbot, bfc, gamma, beta)


def _layer_cls_tc(h, agg, cnt, Wsrc, bsrc, Wtop, Wbot, bfc, gamma, beta,
                  Wc1, bc1, wc2, bc2):
    return pl.pallas_call(
        functools.partial(_layer_body, True),
        grid=(N // BN,),
        in_specs=_mk_specs(1, True),
        out_specs=pl.BlockSpec((BN, 1), lambda i: (i, 0)),
        out_shape=jax.ShapeDtypeStruct((N, 1), jnp.float32),
    )(h, agg, cnt, Wsrc, bsrc, Wtop, Wbot, bfc, gamma, beta,
      Wc1, bc1, wc2, bc2)


def kernel(x, edge_index1, edge_index2, W_src1, b_src1, W_fc1, b_fc1,
           W_src2, b_src2, W_fc2, b_fc2, gamma, beta, W_c1, b_c1, W_c2, b_c2):
    f32 = jnp.float32
    ei1 = edge_index1.astype(jnp.int32)
    ei2 = edge_index2.astype(jnp.int32)
    pad = EPAD - E

    def prep_gsrc(src):
        b = jnp.concatenate([src * 2, jnp.zeros((pad,), jnp.int32)])
        return jnp.stack([b, b + 1]).reshape(2, NSUB, KCH, CHUNK)

    def prep_dst(dst):
        d = jnp.concatenate([dst, jnp.full((pad,), N, jnp.int32)])
        loc = [jnp.where((d >= HN * c) & (d < HN * (c + 1)), d - HN * c, HN)
               for c in (0, 1)]
        return jnp.stack(loc).reshape(2, NSUB, KCH, CHUNK)

    gsrc1, gsrc2 = prep_gsrc(ei1[0]), prep_gsrc(ei2[0])
    dstc1 = prep_dst(ei1[1])
    dstc2 = prep_dst(ei2[1])
    cdstc = jnp.stack([dstc1, dstc2])
    z128 = jnp.zeros((HZR, HALF), f32)
    onesh = jnp.ones((CHUNK, HALF), f32)

    cnts = _sc_cnt_pass()(cdstc, onesh, z128)
    agg1 = _sc_feat_pass()(x.reshape(2 * N, HALF), gsrc1, dstc1, z128,
                           cnts[0, 0, :8, :16])
    h1 = _layer_tc(x, agg1, cnts, W_src1,
                   b_src1.reshape(1, D), W_fc1[:D], W_fc1[D:],
                   b_fc1.reshape(1, D), gamma.reshape(1, D),
                   beta.reshape(1, D))
    agg2 = _sc_feat_pass()(h1.reshape(2 * N, HALF), gsrc2, dstc2, z128,
                           cnts[1, 0, :8, :16])
    out = _layer_cls_tc(h1, agg2, cnts, W_src2,
                        b_src2.reshape(1, D), W_fc2[:D], W_fc2[D:],
                        b_fc2.reshape(1, D), gamma.reshape(1, D),
                        beta.reshape(1, D), W_c1, b_c1.reshape(1, D),
                        W_c2.reshape(1, D), b_c2.reshape(1, 1))
    return out

# --- scband reference (transcript-rebuilt; emitter-appended) ---
"""Pipeline reference for scband-hetero-graph-sage-69423851373028 (READ-ONLY COPY).

The authoritative reference and input builder live on the scoring server;
editing this copy changes nothing except your own understanding.
"""

import jax, jax.numpy as jnp
import numpy as np

N = 10000
E = 160000
D = 256
H = 256


def layer_norm(x, gamma, beta, eps=1e-5):
    mu = jnp.mean(x, axis=-1, keepdims=True)
    var = jnp.mean((x - mu) ** 2, axis=-1, keepdims=True)
    return (x - mu) / jnp.sqrt(var + eps) * gamma + beta


def setup_inputs(seed: int = 0) -> dict:
    key = jax.random.key(seed)
    ks = jax.random.split(key, 20)
    s = lambda i, shape, fan: jax.random.normal(ks[i], shape, dtype=jnp.float32) * (1.0 / np.sqrt(fan))
    inp = {}
    inp["x"] = jax.random.normal(ks[0], (N, D), dtype=jnp.float32)
    inp["edge_index1"] = jax.random.randint(ks[1], (2, E), 0, N, dtype=jnp.int64)
    inp["edge_index2"] = jax.random.randint(ks[2], (2, E), 0, N, dtype=jnp.int64)
    # conv1 params
    inp["W_src1"] = s(3, (D, D), D)
    inp["b_src1"] = jnp.zeros((D,), dtype=jnp.float32)
    inp["W_fc1"] = s(4, (2 * D, H), 2 * D)
    inp["b_fc1"] = jnp.zeros((H,), dtype=jnp.float32)
    # conv2 params
    inp["W_src2"] = s(5, (H, H), H)
    inp["b_src2"] = jnp.zeros((H,), dtype=jnp.float32)
    inp["W_fc2"] = s(6, (2 * H, H), 2 * H)
    inp["b_fc2"] = jnp.zeros((H,), dtype=jnp.float32)
    # shared LayerNorm params
    inp["gamma"] = jnp.ones((H,), dtype=jnp.float32)
    inp["beta"] = jnp.zeros((H,), dtype=jnp.float32)
    # classifier params
    inp["W_c1"] = s(7, (H, H), H)
    inp["b_c1"] = jnp.zeros((H,), dtype=jnp.float32)
    inp["W_c2"] = s(8, (H, 1), H)
    inp["b_c2"] = jnp.zeros((1,), dtype=jnp.float32)
    return inp


def sage_conv(h_src, h_dst, edge_index, W_src, b_src, W_fc, b_fc):
    src = edge_index[0]
    dst = edge_index[1]
    # message: src_fc applied to gathered source feats (dropout = identity in eval)
    m = h_src[src] @ W_src + b_src
    # reduce: mean over incoming messages per dst node
    msum = jax.ops.segment_sum(m, dst, num_segments=N)
    cnt = jax.ops.segment_sum(jnp.ones((m.shape[0],), dtype=m.dtype), dst, num_segments=N)
    neigh = msum / jnp.maximum(cnt, 1.0)[:, None]
    # apply: concat(dst, neigh) -> fc -> gelu
    h = jnp.concatenate([h_dst, neigh], axis=-1) @ W_fc + b_fc
    return jax.nn.gelu(h, approximate=False)


def reference(x, edge_index1, edge_index2, W_src1, b_src1, W_fc1, b_fc1,
              W_src2, b_src2, W_fc2, b_fc2, gamma, beta, W_c1, b_c1, W_c2, b_c2):
    h = sage_conv(x, x, edge_index1, W_src1, b_src1, W_fc1, b_fc1)
    h = layer_norm(h, gamma, beta)
    h = sage_conv(h, h, edge_index2, W_src2, b_src2, W_fc2, b_fc2)
    h = layer_norm(h, gamma, beta)
    out = jax.nn.gelu(h @ W_c1 + b_c1, approximate=False) @ W_c2 + b_c2
    return out

if __name__ == "__main__":
    import jax
    _d = setup_inputs()
    print(jax.jit(kernel)(*tuple(_d.values())))

</pallas_src>

<mosaic_0001>
#map = affine_map<(d0, d1) -> (0, 0)>
#map1 = affine_map<(d0, d1) -> (0, 0, 0, 0)>
module attributes {stable_mosaic.version = 14 : i64} {
  func.func @_sc_feat_body(%arg0: i32, %arg1: i32, %arg2: memref<20000x128xf32, #tpu.memory_space<hbm>>, %arg3: memref<2x16x80x128xi32, #tpu.memory_space<hbm>>, %arg4: memref<2x16x80x128xi32, #tpu.memory_space<hbm>>, %arg5: memref<320x128xf32, #tpu.memory_space<hbm>>, %arg6: memref<8x16xf32, #tpu.memory_space<hbm>>, %arg7: memref<2x2x5120x128xf32, #tpu.memory_space<hbm>>, %arg8: memref<80x128xi32, #tpu.memory_space<vmem>>, %arg9: memref<80x128xi32, #tpu.memory_space<vmem>>, %arg10: memref<128x128xf32, #tpu.memory_space<vmem>>, %arg11: memref<128x128xf32, #tpu.memory_space<vmem>>, %arg12: memref<128x128xf32, #tpu.memory_space<vmem>>, %arg13: memref<128x128xf32, #tpu.memory_space<vmem>>, %arg14: memref<5120x128xf32, #tpu.memory_space<vmem_shared>>, %arg15: memref<!tpu.dma_semaphore, #tpu.memory_space<semaphore_mem>>, %arg16: memref<!tpu.dma_semaphore, #tpu.memory_space<semaphore_mem>>, %arg17: memref<!tpu.dma_semaphore, #tpu.memory_space<semaphore_mem>>, %arg18: memref<!tpu.dma_semaphore, #tpu.memory_space<semaphore_mem>>) attributes {dimension_semantics = [#tpu.dimension_semantics<core_parallel>, #tpu.dimension_semantics<subcore_parallel>], iteration_bounds = array<i64: 2, 16>, scalar_prefetch = 0 : i64, scratch_operands = 11 : i64, tpu.core_type = #tpu.core_type<sc_vector_subcore>, window_params = [{transform_indices = #map}, {transform_indices = #map1}, {transform_indices = #map1}, {transform_indices = #map}, {transform_indices = #map}, {transform_indices = #map1}]} {
    "tpu.region"() ({
      %run_scoped3A_81 = tpu.sem_alloc : memref<!tpu.dma_semaphore, #tpu.memory_space<semaphore_mem>>
      %dma_start3A_82 = arith.constant 0 : i32
      %dma_start3A_83 = arith.constant 0 : i32
      %dma_start3A_84 = tpu.memref_slice %arg4[%arg0, %arg1, %dma_start3A_82, %dma_start3A_83] : memref<2x16x80x128xi32, #tpu.memory_space<hbm>> -> memref<1x1x80x128xi32, #tpu.memory_space<hbm>>
      %dma_start3A_85 = tpu.memref_squeeze %dma_start3A_84 : memref<1x1x80x128xi32, #tpu.memory_space<hbm>> -> memref<80x128xi32, #tpu.memory_space<hbm>>
      %dma_start3A_86 = arith.constant 0 : i32
      %dma_start3A_87 = arith.constant 0 : i32
      %dma_start3A_88 = tpu.memref_slice %arg4[%arg0, %arg1, %dma_start3A_86, %dma_start3A_87] : memref<2x16x80x128xi32, #tpu.memory_space<hbm>> -> memref<1x1x80x128xi32, #tpu.memory_space<hbm>>
      %dma_start3A_89 = tpu.memref_squeeze %dma_start3A_88 : memref<1x1x80x128xi32, #tpu.memory_space<hbm>> -> memref<80x128xi32, #tpu.memory_space<hbm>>
      tpu.enqueue_dma source(%dma_start3A_89 : memref<80x128xi32, #tpu.memory_space<hbm>>) target(%arg9 : memref<80x128xi32, #tpu.memory_space<vmem>>) target_semaphore(%run_scoped3A_81 : memref<!tpu.dma_semaphore, #tpu.memory_space<semaphore_mem>>)
      %dma_wait3A = arith.constant 0 : i32
      %dma_wait3A_90 = arith.constant 0 : i32
      %dma_wait3A_91 = tpu.memref_slice %arg4[%arg0, %arg1, %dma_wait3A, %dma_wait3A_90] : memref<2x16x80x128xi32, #tpu.memory_space<hbm>> -> memref<1x1x80x128xi32, #tpu.memory_space<hbm>>
      %dma_wait3A_92 = tpu.memref_squeeze %dma_wait3A_91 : memref<1x1x80x128xi32, #tpu.memory_space<hbm>> -> memref<80x128xi32, #tpu.memory_space<hbm>>
      %dma_wait3A_93 = arith.constant 0 : i32
      %dma_wait3A_94 = arith.constant 0 : i32
      %dma_wait3A_95 = tpu.memref_slice %arg4[%arg0, %arg1, %dma_wait3A_93, %dma_wait3A_94] : memref<2x16x80x128xi32, #tpu.memory_space<hbm>> -> memref<1x1x80x128xi32, #tpu.memory_space<hbm>>
      %dma_wait3A_96 = tpu.memref_squeeze %dma_wait3A_95 : memref<1x1x80x128xi32, #tpu.memory_space<hbm>> -> memref<80x128xi32, #tpu.memory_space<hbm>>
      tpu.wait_dma2 semaphore(%run_scoped3A_81 : memref<!tpu.dma_semaphore, #tpu.memory_space<semaphore_mem>>) src(%dma_wait3A_96 : memref<80x128xi32, #tpu.memory_space<hbm>>) dst(%arg9 : memref<80x128xi32, #tpu.memory_space<vmem>>)
      tpu.yield
    }) : () -> ()
    %mul3A = arith.constant 320 : i32
    %mul3A_0 = arith.muli %arg1, %mul3A : i32
    "tpu.region"() ({
      %run_scoped3A_81 = tpu.sem_alloc : memref<!tpu.dma_semaphore, #tpu.memory_space<semaphore_mem>>
      %dma_start3A_82 = arith.constant 0 : i32
      %dma_start3A_83 = tpu.memref_slice %arg14[%mul3A_0, %dma_start3A_82] : memref<5120x128xf32, #tpu.memory_space<vmem_shared>> -> memref<320x128xf32, #tpu.memory_space<vmem_shared>>
      tpu.enqueue_dma source(%arg5 : memref<320x128xf32, #tpu.memory_space<hbm>>) target(%dma_start3A_83 : memref<320x128xf32, #tpu.memory_space<vmem_shared>>) target_semaphore(%run_scoped3A_81 : memref<!tpu.dma_semaphore, #tpu.memory_space<semaphore_mem>>)
      %dma_wait3A = arith.constant 0 : i32
      %dma_wait3A_84 = tpu.memref_slice %arg14[%mul3A_0, %dma_wait3A] : memref<5120x128xf32, #tpu.memory_space<vmem_shared>> -> memref<320x128xf32, #tpu.memory_space<vmem_shared>>
      tpu.wait_dma2 semaphore(%run_scoped3A_81 : memref<!tpu.dma_semaphore, #tpu.memory_space<semaphore_mem>>) src(%arg5 : memref<320x128xf32, #tpu.memory_space<hbm>>) dst(%dma_wait3A_84 : memref<320x128xf32, #tpu.memory_space<vmem_shared>>)
      tpu.yield
    }) : () -> ()
    %run_scoped3A = arith.constant 0 : i32
    "tpu.region"() ({
      %run_scoped3A_81 = tpu.sem_alloc : memref<!tpu.dma_semaphore, #tpu.memory_space<semaphore_mem>>
      %dma_start3A_82 = arith.constant 0 : i32
      %dma_start3A_83 = arith.constant 0 : i32
      %dma_start3A_84 = tpu.memref_slice %arg3[%run_scoped3A, %arg1, %dma_start3A_82, %dma_start3A_83] : memref<2x16x80x128xi32, #tpu.memory_space<hbm>> -> memref<1x1x80x128xi32, #tpu.memory_space<hbm>>
      %dma_start3A_85 = tpu.memref_squeeze %dma_start3A_84 : memref<1x1x80x128xi32, #tpu.memory_space<hbm>> -> memref<80x128xi32, #tpu.memory_space<hbm>>
      %dma_start3A_86 = arith.constant 0 : i32
      %dma_start3A_87 = arith.constant 0 : i32
      %dma_start3A_88 = tpu.memref_slice %arg3[%run_scoped3A, %arg1, %dma_start3A_86, %dma_start3A_87] : memref<2x16x80x128xi32, #tpu.memory_space<hbm>> -> memref<1x1x80x128xi32, #tpu.memory_space<hbm>>
      %dma_start3A_89 = tpu.memref_squeeze %dma_start3A_88 : memref<1x1x80x128xi32, #tpu.memory_space<hbm>> -> memref<80x128xi32, #tpu.memory_space<hbm>>
      tpu.enqueue_dma source(%dma_start3A_89 : memref<80x128xi32, #tpu.memory_space<hbm>>) target(%arg8 : memref<80x128xi32, #tpu.memory_space<vmem>>) target_semaphore(%run_scoped3A_81 : memref<!tpu.dma_semaphore, #tpu.memory_space<semaphore_mem>>)
      %dma_wait3A = arith.constant 0 : i32
      %dma_wait3A_90 = arith.constant 0 : i32
      %dma_wait3A_91 = tpu.memref_slice %arg3[%run_scoped3A, %arg1, %dma_wait3A, %dma_wait3A_90] : memref<2x16x80x128xi32, #tpu.memory_space<hbm>> -> memref<1x1x80x128xi32, #tpu.memory_space<hbm>>
      %dma_wait3A_92 = tpu.memref_squeeze %dma_wait3A_91 : memref<1x1x80x128xi32, #tpu.memory_space<hbm>> -> memref<80x128xi32, #tpu.memory_space<hbm>>
      %dma_wait3A_93 = arith.constant 0 : i32
      %dma_wait3A_94 = arith.constant 0 : i32
      %dma_wait3A_95 = tpu.memref_slice %arg3[%run_scoped3A, %arg1, %dma_wait3A_93, %dma_wait3A_94] : memref<2x16x80x128xi32, #tpu.memory_space<hbm>> -> memref<1x1x80x128xi32, #tpu.memory_space<hbm>>
      %dma_wait3A_96 = tpu.memref_squeeze %dma_wait3A_95 : memref<1x1x80x128xi32, #tpu.memory_space<hbm>> -> memref<80x128xi32, #tpu.memory_space<hbm>>
      tpu.wait_dma2 semaphore(%run_scoped3A_81 : memref<!tpu.dma_semaphore, #tpu.memory_space<semaphore_mem>>) src(%dma_wait3A_96 : memref<80x128xi32, #tpu.memory_space<hbm>>) dst(%arg8 : memref<80x128xi32, #tpu.memory_space<vmem>>)
      tpu.yield
    }) : () -> ()
    %barrier3A = arith.constant 0 : index
    tpu.barrier barrier_id(%barrier3A)
    %dma_start3A = arith.constant 0 : i32
    %dma_start3A_1 = arith.constant 0 : i32
    %dma_start3A_2 = tpu.memref_slice %arg8[%dma_start3A, %dma_start3A_1] : memref<80x128xi32, #tpu.memory_space<vmem>> -> memref<1x128xi32, #tpu.memory_space<vmem>>
    %dma_start3A_3 = tpu.memref_squeeze %dma_start3A_2 : memref<1x128xi32, #tpu.memory_space<vmem>> -> memref<128xi32, #tpu.memory_space<vmem>>
    %dma_start3A_4 = arith.constant 0 : i32
    %dma_start3A_5 = arith.constant 0 : i32
    %dma_start3A_6 = tpu.memref_slice %arg2[%dma_start3A_4, %dma_start3A_5] : memref<20000x128xf32, #tpu.memory_space<hbm>> -> memref<20000x128xf32, #tpu.memory_space<hbm>>
    tpu.enqueue_indirect_dma source(%dma_start3A_6 : memref<20000x128xf32, #tpu.memory_space<hbm>>) target(%arg10 : memref<128x128xf32, #tpu.memory_space<vmem>>) offsets(%dma_start3A_3 : memref<128xi32, #tpu.memory_space<vmem>>) semaphore(%arg15 : memref<!tpu.dma_semaphore, #tpu.memory_space<semaphore_mem>>)
    %dma_start3A_7 = arith.constant 1 : i32
    %dma_start3A_8 = arith.constant 0 : i32
    %dma_start3A_9 = tpu.memref_slice %arg8[%dma_start3A_7, %dma_start3A_8] : memref<80x128xi32, #tpu.memory_space<vmem>> -> memref<1x128xi32, #tpu.memory_space<vmem>>
    %dma_start3A_10 = tpu.memref_squeeze %dma_start3A_9 : memref<1x128xi32, #tpu.memory_space<vmem>> -> memref<128xi32, #tpu.memory_space<vmem>>
    %dma_start3A_11 = arith.constant 0 : i32
    %dma_start3A_12 = arith.constant 0 : i32
    %dma_start3A_13 = tpu.memref_slice %arg2[%dma_start3A_11, %dma_start3A_12] : memref<20000x128xf32, #tpu.memory_space<hbm>> -> memref<20000x128xf32, #tpu.memory_space<hbm>>
    tpu.enqueue_indirect_dma source(%dma_start3A_13 : memref<20000x128xf32, #tpu.memory_space<hbm>>) target(%arg11 : memref<128x128xf32, #tpu.memory_space<vmem>>) offsets(%dma_start3A_10 : memref<128xi32, #tpu.memory_space<vmem>>) semaphore(%arg16 : memref<!tpu.dma_semaphore, #tpu.memory_space<semaphore_mem>>)
    %dma_start3A_14 = arith.constant 2 : i32
    %dma_start3A_15 = arith.constant 0 : i32
    %dma_start3A_16 = tpu.memref_slice %arg8[%dma_start3A_14, %dma_start3A_15] : memref<80x128xi32, #tpu.memory_space<vmem>> -> memref<1x128xi32, #tpu.memory_space<vmem>>
    %dma_start3A_17 = tpu.memref_squeeze %dma_start3A_16 : memref<1x128xi32, #tpu.memory_space<vmem>> -> memref<128xi32, #tpu.memory_space<vmem>>
    %dma_start3A_18 = arith.constant 0 : i32
    %dma_start3A_19 = arith.constant 0 : i32
    %dma_start3A_20 = tpu.memref_slice %arg2[%dma_start3A_18, %dma_start3A_19] : memref<20000x128xf32, #tpu.memory_space<hbm>> -> memref<20000x128xf32, #tpu.memory_space<hbm>>
    tpu.enqueue_indirect_dma source(%dma_start3A_20 : memref<20000x128xf32, #tpu.memory_space<hbm>>) target(%arg12 : memref<128x128xf32, #tpu.memory_space<vmem>>) offsets(%dma_start3A_17 : memref<128xi32, #tpu.memory_space<vmem>>) semaphore(%arg17 : memref<!tpu.dma_semaphore, #tpu.memory_space<semaphore_mem>>)
    %dma_start3A_21 = arith.constant 3 : i32
    %dma_start3A_22 = arith.constant 0 : i32
    %dma_start3A_23 = tpu.memref_slice %arg8[%dma_start3A_21, %dma_start3A_22] : memref<80x128xi32, #tpu.memory_space<vmem>> -> memref<1x128xi32, #tpu.memory_space<vmem>>
    %dma_start3A_24 = tpu.memref_squeeze %dma_start3A_23 : memref<1x128xi32, #tpu.memory_space<vmem>> -> memref<128xi32, #tpu.memory_space<vmem>>
    %dma_start3A_25 = arith.constant 0 : i32
    %dma_start3A_26 = arith.constant 0 : i32
    %dma_start3A_27 = tpu.memref_slice %arg2[%dma_start3A_25, %dma_start3A_26] : memref<20000x128xf32, #tpu.memory_space<hbm>> -> memref<20000x128xf32, #tpu.memory_space<hbm>>
    tpu.enqueue_indirect_dma source(%dma_start3A_27 : memref<20000x128xf32, #tpu.memory_space<hbm>>) target(%arg13 : memref<128x128xf32, #tpu.memory_space<vmem>>) offsets(%dma_start3A_24 : memref<128xi32, #tpu.memory_space<vmem>>) semaphore(%arg18 : memref<!tpu.dma_semaphore, #tpu.memory_space<semaphore_mem>>)
    %scan3A = arith.constant 0 : i32
    %scan3A_28 = arith.constant 20 : i32
    %scan3A_29 = arith.addi %scan3A, %scan3A_28 : i32
    %scan3A_30 = arith.constant 1 : i32
    scf.for %scan3A_81 = %scan3A to %scan3A_29 step %scan3A_30  : i32 {
      %mul3A_82 = arith.constant 4 : i32
      %mul3A_83 = arith.muli %scan3A_81, %mul3A_82 : i32
      %add3A = arith.constant 0 : i32
      %add3A_84 = arith.addi %add3A, %mul3A_83 : i32
      %add3A_85 = arith.constant 0 : i32
      %add3A_86 = arith.addi %add3A_84, %add3A_85 : i32
      %dma_wait3A = arith.constant 0 : i32
      %dma_wait3A_87 = tpu.memref_slice %arg8[%add3A_86, %dma_wait3A] : memref<80x128xi32, #tpu.memory_space<vmem>> -> memref<1x128xi32, #tpu.memory_space<vmem>>
      %dma_wait3A_88 = tpu.memref_squeeze %dma_wait3A_87 : memref<1x128xi32, #tpu.memory_space<vmem>> -> memref<128xi32, #tpu.memory_space<vmem>>
      %dma_wait3A_89 = arith.constant 0 : i32
      %dma_wait3A_90 = arith.constant 0 : i32
      %dma_wait3A_91 = tpu.memref_slice %arg2[%dma_wait3A_89, %dma_wait3A_90] : memref<20000x128xf32, #tpu.memory_space<hbm>> -> memref<20000x128xf32, #tpu.memory_space<hbm>>
      tpu.wait_indirect_dma semaphore(%arg15 : memref<!tpu.dma_semaphore, #tpu.memory_space<semaphore_mem>>) src(%dma_wait3A_91 : memref<20000x128xf32, #tpu.memory_space<hbm>>) dst(%arg10 : memref<128x128xf32, #tpu.memory_space<vmem>>)
      "tpu.region"() ({
        %run_scoped3A_149 = tpu.sem_alloc : memref<!tpu.dma_semaphore, #tpu.memory_space<semaphore_mem>>
        %dma_start3A_150 = arith.constant 0 : i32
        %dma_start3A_151 = tpu.memref_slice %arg9[%add3A_86, %dma_start3A_150] : memref<80x128xi32, #tpu.memory_space<vmem>> -> memref<1x128xi32, #tpu.memory_space<vmem>>
        %dma_start3A_152 = tpu.memref_squeeze %dma_start3A_151 : memref<1x128xi32, #tpu.memory_space<vmem>> -> memref<128xi32, #tpu.memory_space<vmem>>
        %dma_start3A_153 = arith.constant 0 : i32
        %dma_start3A_154 = arith.constant 0 : i32
        %dma_start3A_155 = tpu.memref_slice %arg14[%dma_start3A_153, %dma_start3A_154] : memref<5120x128xf32, #tpu.memory_space<vmem_shared>> -> memref<5120x128xf32, #tpu.memory_space<vmem_shared>>
        tpu.enqueue_indirect_dma source(%arg10 : memref<128x128xf32, #tpu.memory_space<vmem>>) target(%dma_start3A_155 : memref<5120x128xf32, #tpu.memory_space<vmem_shared>>) offsets(%dma_start3A_152 : memref<128xi32, #tpu.memory_space<vmem>>) semaphore(%run_scoped3A_149 : memref<!tpu.dma_semaphore, #tpu.memory_space<semaphore_mem>>) {add = true}
        %dma_wait3A_156 = arith.constant 0 : i32
        %dma_wait3A_157 = tpu.memref_slice %arg9[%add3A_86, %dma_wait3A_156] : memref<80x128xi32, #tpu.memory_space<vmem>> -> memref<1x128xi32, #tpu.memory_space<vmem>>
        %dma_wait3A_158 = tpu.memref_squeeze %dma_wait3A_157 : memref<1x128xi32, #tpu.memory_space<vmem>> -> memref<128xi32, #tpu.memory_space<vmem>>
        %dma_wait3A_159 = arith.constant 0 : i32
        %dma_wait3A_160 = arith.constant 0 : i32
        %dma_wait3A_161 = tpu.memref_slice %arg14[%dma_wait3A_159, %dma_wait3A_160] : memref<5120x128xf32, #tpu.memory_space<vmem_shared>> -> memref<5120x128xf32, #tpu.memory_space<vmem_shared>>
        tpu.wait_indirect_dma semaphore(%run_scoped3A_149 : memref<!tpu.dma_semaphore, #tpu.memory_space<semaphore_mem>>) src(%arg10 : memref<128x128xf32, #tpu.memory_space<vmem>>) dst(%dma_wait3A_161 : memref<5120x128xf32, #tpu.memory_space<vmem_shared>>)
        tpu.yield
      }) : () -> ()
      %add3A_92 = arith.constant 0 : i32
      %add3A_93 = arith.addi %add3A_84, %add3A_92 : i32
      %add3A_94 = arith.constant 4 : i32
      %add3A_95 = arith.addi %add3A_93, %add3A_94 : i32
      %lt3A = arith.constant 80 : i32
      %lt3A_96 = arith.cmpi slt, %add3A_95, %lt3A : i32
      %convert_element_type3A = arith.extui %lt3A_96 : i1 to i32
      %cond3A = arith.constant 0 : i32
      %cond3A_97 = arith.cmpi ne, %convert_element_type3A, %cond3A : i32
      scf.if %cond3A_97 {
        %add3A_149 = arith.constant 0 : i32
        %add3A_150 = arith.addi %add3A_84, %add3A_149 : i32
        %add3A_151 = arith.constant 4 : i32
        %add3A_152 = arith.addi %add3A_150, %add3A_151 : i32
        %dma_start3A_153 = arith.constant 0 : i32
        %dma_start3A_154 = tpu.memref_slice %arg8[%add3A_152, %dma_start3A_153] : memref<80x128xi32, #tpu.memory_space<vmem>> -> memref<1x128xi32, #tpu.memory_space<vmem>>
        %dma_start3A_155 = tpu.memref_squeeze %dma_start3A_154 : memref<1x128xi32, #tpu.memory_space<vmem>> -> memref<128xi32, #tpu.memory_space<vmem>>
        %dma_start3A_156 = arith.constant 0 : i32
        %dma_start3A_157 = arith.constant 0 : i32
        %dma_start3A_158 = tpu.memref_slice %arg2[%dma_start3A_156, %dma_start3A_157] : memref<20000x128xf32, #tpu.memory_space<hbm>> -> memref<20000x128xf32, #tpu.memory_space<hbm>>
        tpu.enqueue_indirect_dma source(%dma_start3A_158 : memref<20000x128xf32, #tpu.memory_space<hbm>>) target(%arg10 : memref<128x128xf32, #tpu.memory_space<vmem>>) offsets(%dma_start3A_155 : memref<128xi32, #tpu.memory_space<vmem>>) semaphore(%arg15 : memref<!tpu.dma_semaphore, #tpu.memory_space<semaphore_mem>>)
      } else {
      }
      %add3A_98 = arith.constant 1 : i32
      %add3A_99 = arith.addi %add3A_84, %add3A_98 : i32
      %dma_wait3A_100 = arith.constant 0 : i32
      %dma_wait3A_101 = tpu.memref_slice %arg8[%add3A_99, %dma_wait3A_100] : memref<80x128xi32, #tpu.memory_space<vmem>> -> memref<1x128xi32, #tpu.memory_space<vmem>>
      %dma_wait3A_102 = tpu.memref_squeeze %dma_wait3A_101 : memref<1x128xi32, #tpu.memory_space<vmem>> -> memref<128xi32, #tpu.memory_space<vmem>>
      %dma_wait3A_103 = arith.constant 0 : i32
      %dma_wait3A_104 = arith.constant 0 : i32
      %dma_wait3A_105 = tpu.memref_slice %arg2[%dma_wait3A_103, %dma_wait3A_104] : memref<20000x128xf32, #tpu.memory_space<hbm>> -> memref<20000x128xf32, #tpu.memory_space<hbm>>
      tpu.wait_indirect_dma semaphore(%arg16 : memref<!tpu.dma_semaphore, #tpu.memory_space<semaphore_mem>>) src(%dma_wait3A_105 : memref<20000x128xf32, #tpu.memory_space<hbm>>) dst(%arg11 : memref<128x128xf32, #tpu.memory_space<vmem>>)
      "tpu.region"() ({
        %run_scoped3A_149 = tpu.sem_alloc : memref<!tpu.dma_semaphore, #tpu.memory_space<semaphore_mem>>
        %dma_start3A_150 = arith.constant 0 : i32
        %dma_start3A_151 = tpu.memref_slice %arg9[%add3A_99, %dma_start3A_150] : memref<80x128xi32, #tpu.memory_space<vmem>> -> memref<1x128xi32, #tpu.memory_space<vmem>>
        %dma_start3A_152 = tpu.memref_squeeze %dma_start3A_151 : memref<1x128xi32, #tpu.memory_space<vmem>> -> memref<128xi32, #tpu.memory_space<vmem>>
        %dma_start3A_153 = arith.constant 0 : i32
        %dma_start3A_154 = arith.constant 0 : i32
        %dma_start3A_155 = tpu.memref_slice %arg14[%dma_start3A_153, %dma_start3A_154] : memref<5120x128xf32, #tpu.memory_space<vmem_shared>> -> memref<5120x128xf32, #tpu.memory_space<vmem_shared>>
        tpu.enqueue_indirect_dma source(%arg11 : memref<128x128xf32, #tpu.memory_space<vmem>>) target(%dma_start3A_155 : memref<5120x128xf32, #tpu.memory_space<vmem_shared>>) offsets(%dma_start3A_152 : memref<128xi32, #tpu.memory_space<vmem>>) semaphore(%run_scoped3A_149 : memref<!tpu.dma_semaphore, #tpu.memory_space<semaphore_mem>>) {add = true}
        %dma_wait3A_156 = arith.constant 0 : i32
        %dma_wait3A_157 = tpu.memref_slice %arg9[%add3A_99, %dma_wait3A_156] : memref<80x128xi32, #tpu.memory_space<vmem>> -> memref<1x128xi32, #tpu.memory_space<vmem>>
        %dma_wait3A_158 = tpu.memref_squeeze %dma_wait3A_157 : memref<1x128xi32, #tpu.memory_space<vmem>> -> memref<128xi32, #tpu.memory_space<vmem>>
        %dma_wait3A_159 = arith.constant 0 : i32
        %dma_wait3A_160 = arith.constant 0 : i32
        %dma_wait3A_161 = tpu.memref_slice %arg14[%dma_wait3A_159, %dma_wait3A_160] : memref<5120x128xf32, #tpu.memory_space<vmem_shared>> -> memref<5120x128xf32, #tpu.memory_space<vmem_shared>>
        tpu.wait_indirect_dma semaphore(%run_scoped3A_149 : memref<!tpu.dma_semaphore, #tpu.memory_space<semaphore_mem>>) src(%arg11 : memref<128x128xf32, #tpu.memory_space<vmem>>) dst(%dma_wait3A_161 : memref<5120x128xf32, #tpu.memory_space<vmem_shared>>)
        tpu.yield
      }) : () -> ()
      %add3A_106 = arith.constant 1 : i32
      %add3A_107 = arith.addi %add3A_84, %add3A_106 : i32
      %add3A_108 = arith.constant 4 : i32
      %add3A_109 = arith.addi %add3A_107, %add3A_108 : i32
      %lt3A_110 = arith.constant 80 : i32
      %lt3A_111 = arith.cmpi slt, %add3A_109, %lt3A_110 : i32
      %convert_element_type3A_112 = arith.extui %lt3A_111 : i1 to i32
      %cond3A_113 = arith.constant 0 : i32
      %cond3A_114 = arith.cmpi ne, %convert_element_type3A_112, %cond3A_113 : i32
      scf.if %cond3A_114 {
        %add3A_149 = arith.constant 1 : i32
        %add3A_150 = arith.addi %add3A_84, %add3A_149 : i32
        %add3A_151 = arith.constant 4 : i32
        %add3A_152 = arith.addi %add3A_150, %add3A_151 : i32
        %dma_start3A_153 = arith.constant 0 : i32
        %dma_start3A_154 = tpu.memref_slice %arg8[%add3A_152, %dma_start3A_153] : memref<80x128xi32, #tpu.memory_space<vmem>> -> memref<1x128xi32, #tpu.memory_space<vmem>>
        %dma_start3A_155 = tpu.memref_squeeze %dma_start3A_154 : memref<1x128xi32, #tpu.memory_space<vmem>> -> memref<128xi32, #tpu.memory_space<vmem>>
        %dma_start3A_156 = arith.constant 0 : i32
        %dma_start3A_157 = arith.constant 0 : i32
        %dma_start3A_158 = tpu.memref_slice %arg2[%dma_start3A_156, %dma_start3A_157] : memref<20000x128xf32, #tpu.memory_space<hbm>> -> memref<20000x128xf32, #tpu.memory_space<hbm>>
        tpu.enqueue_indirect_dma source(%dma_start3A_158 : memref<20000x128xf32, #tpu.memory_space<hbm>>) target(%arg11 : memref<128x128xf32, #tpu.memory_space<vmem>>) offsets(%dma_start3A_155 : memref<128xi32, #tpu.memory_space<vmem>>) semaphore(%arg16 : memref<!tpu.dma_semaphore, #tpu.memory_space<semaphore_mem>>)
      } else {
      }
      %add3A_115 = arith.constant 2 : i32
      %add3A_116 = arith.addi %add3A_84, %add3A_115 : i32
      %dma_wait3A_117 = arith.constant 0 : i32
      %dma_wait3A_118 = tpu.memref_slice %arg8[%add3A_116, %dma_wait3A_117] : memref<80x128xi32, #tpu.memory_space<vmem>> -> memref<1x128xi32, #tpu.memory_space<vmem>>
      %dma_wait3A_119 = tpu.memref_squeeze %dma_wait3A_118 : memref<1x128xi32, #tpu.memory_space<vmem>> -> memref<128xi32, #tpu.memory_space<vmem>>
      %dma_wait3A_120 = arith.constant 0 : i32
      %dma_wait3A_121 = arith.constant 0 : i32
      %dma_wait3A_122 = tpu.memref_slice %arg2[%dma_wait3A_120, %dma_wait3A_121] : memref<20000x128xf32, #tpu.memory_space<hbm>> -> memref<20000x128xf32, #tpu.memory_space<hbm>>
      tpu.wait_indirect_dma semaphore(%arg17 : memref<!tpu.dma_semaphore, #tpu.memory_space<semaphore_mem>>) src(%dma_wait3A_122 : memref<20000x128xf32, #tpu.memory_space<hbm>>) dst(%arg12 : memref<128x128xf32, #tpu.memory_space<vmem>>)
      "tpu.region"() ({
        %run_scoped3A_149 = tpu.sem_alloc : memref<!tpu.dma_semaphore, #tpu.memory_space<semaphore_mem>>
        %dma_start3A_150 = arith.constant 0 : i32
        %dma_start3A_151 = tpu.memref_slice %arg9[%add3A_116, %dma_start3A_150] : memref<80x128xi32, #tpu.memory_space<vmem>> -> memref<1x128xi32, #tpu.memory_space<vmem>>
        %dma_start3A_152 = tpu.memref_squeeze %dma_start3A_151 : memref<1x128xi32, #tpu.memory_space<vmem>> -> memref<128xi32, #tpu.memory_space<vmem>>
        %dma_start3A_153 = arith.constant 0 : i32
        %dma_start3A_154 = arith.constant 0 : i32
        %dma_start3A_155 = tpu.memref_slice %arg14[%dma_start3A_153, %dma_start3A_154] : memref<5120x128xf32, #tpu.memory_space<vmem_shared>> -> memref<5120x128xf32, #tpu.memory_space<vmem_shared>>
        tpu.enqueue_indirect_dma source(%arg12 : memref<128x128xf32, #tpu.memory_space<vmem>>) target(%dma_start3A_155 : memref<5120x128xf32, #tpu.memory_space<vmem_shared>>) offsets(%dma_start3A_152 : memref<128xi32, #tpu.memory_space<vmem>>) semaphore(%run_scoped3A_149 : memref<!tpu.dma_semaphore, #tpu.memory_space<semaphore_mem>>) {add = true}
        %dma_wait3A_156 = arith.constant 0 : i32
        %dma_wait3A_157 = tpu.memref_slice %arg9[%add3A_116, %dma_wait3A_156] : memref<80x128xi32, #tpu.memory_space<vmem>> -> memref<1x128xi32, #tpu.memory_space<vmem>>
        %dma_wait3A_158 = tpu.memref_squeeze %dma_wait3A_157 : memref<1x128xi32, #tpu.memory_space<vmem>> -> memref<128xi32, #tpu.memory_space<vmem>>
        %dma_wait3A_159 = arith.constant 0 : i32
        %dma_wait3A_160 = arith.constant 0 : i32
        %dma_wait3A_161 = tpu.memref_slice %arg14[%dma_wait3A_159, %dma_wait3A_160] : memref<5120x128xf32, #tpu.memory_space<vmem_shared>> -> memref<5120x128xf32, #tpu.memory_space<vmem_shared>>
        tpu.wait_indirect_dma semaphore(%run_scoped3A_149 : memref<!tpu.dma_semaphore, #tpu.memory_space<semaphore_mem>>) src(%arg12 : memref<128x128xf32, #tpu.memory_space<vmem>>) dst(%dma_wait3A_161 : memref<5120x128xf32, #tpu.memory_space<vmem_shared>>)
        tpu.yield
      }) : () -> ()
      %add3A_123 = arith.constant 2 : i32
      %add3A_124 = arith.addi %add3A_84, %add3A_123 : i32
      %add3A_125 = arith.constant 4 : i32
      %add3A_126 = arith.addi %add3A_124, %add3A_125 : i32
      %lt3A_127 = arith.constant 80 : i32
      %lt3A_128 = arith.cmpi slt, %add3A_126, %lt3A_127 : i32
      %convert_element_type3A_129 = arith.extui %lt3A_128 : i1 to i32
      %cond3A_130 = arith.constant 0 : i32
      %cond3A_131 = arith.cmpi ne, %convert_element_type3A_129, %cond3A_130 : i32
      scf.if %cond3A_131 {
        %add3A_149 = arith.constant 2 : i32
        %add3A_150 = arith.addi %add3A_84, %add3A_149 : i32
        %add3A_151 = arith.constant 4 : i32
        %add3A_152 = arith.addi %add3A_150, %add3A_151 : i32
        %dma_start3A_153 = arith.constant 0 : i32
        %dma_start3A_154 = tpu.memref_slice %arg8[%add3A_152, %dma_start3A_153] : memref<80x128xi32, #tpu.memory_space<vmem>> -> memref<1x128xi32, #tpu.memory_space<vmem>>
        %dma_start3A_155 = tpu.memref_squeeze %dma_start3A_154 : memref<1x128xi32, #tpu.memory_space<vmem>> -> memref<128xi32, #tpu.memory_space<vmem>>
        %dma_start3A_156 = arith.constant 0 : i32
        %dma_start3A_157 = arith.constant 0 : i32
        %dma_start3A_158 = tpu.memref_slice %arg2[%dma_start3A_156, %dma_start3A_157] : memref<20000x128xf32, #tpu.memory_space<hbm>> -> memref<20000x128xf32, #tpu.memory_space<hbm>>
        tpu.enqueue_indirect_dma source(%dma_start3A_158 : memref<20000x128xf32, #tpu.memory_space<hbm>>) target(%arg12 : memref<128x128xf32, #tpu.memory_space<vmem>>) offsets(%dma_start3A_155 : memref<128xi32, #tpu.memory_space<vmem>>) semaphore(%arg17 : memref<!tpu.dma_semaphore, #tpu.memory_space<semaphore_mem>>)
      } else {
      }
      %add3A_132 = arith.constant 3 : i32
      %add3A_133 = arith.addi %add3A_84, %add3A_132 : i32
      %dma_wait3A_134 = arith.constant 0 : i32
      %dma_wait3A_135 = tpu.memref_slice %arg8[%add3A_133, %dma_wait3A_134] : memref<80x128xi32, #tpu.memory_space<vmem>> -> memref<1x128xi32, #tpu.memory_space<vmem>>
      %dma_wait3A_136 = tpu.memref_squeeze %dma_wait3A_135 : memref<1x128xi32, #tpu.memory_space<vmem>> -> memref<128xi32, #tpu.memory_space<vmem>>
      %dma_wait3A_137 = arith.constant 0 : i32
      %dma_wait3A_138 = arith.constant 0 : i32
      %dma_wait3A_139 = tpu.memref_slice %arg2[%dma_wait3A_137, %dma_wait3A_138] : memref<20000x128xf32, #tpu.memory_space<hbm>> -> memref<20000x128xf32, #tpu.memory_space<hbm>>
      tpu.wait_indirect_dma semaphore(%arg18 : memref<!tpu.dma_semaphore, #tpu.memory_space<semaphore_mem>>) src(%dma_wait3A_139 : memref<20000x128xf32, #tpu.memory_space<hbm>>) dst(%arg13 : memref<128x128xf32, #tpu.memory_space<vmem>>)
      "tpu.region"() ({
        %run_scoped3A_149 = tpu.sem_alloc : memref<!tpu.dma_semaphore, #tpu.memory_space<semaphore_mem>>
        %dma_start3A_150 = arith.constant 0 : i32
        %dma_start3A_151 = tpu.memref_slice %arg9[%add3A_133, %dma_start3A_150] : memref<80x128xi32, #tpu.memory_space<vmem>> -> memref<1x128xi32, #tpu.memory_space<vmem>>
        %dma_start3A_152 = tpu.memref_squeeze %dma_start3A_151 : memref<1x128xi32, #tpu.memory_space<vmem>> -> memref<128xi32, #tpu.memory_space<vmem>>
        %dma_start3A_153 = arith.constant 0 : i32
        %dma_start3A_154 = arith.constant 0 : i32
        %dma_start3A_155 = tpu.memref_slice %arg14[%dma_start3A_153, %dma_start3A_154] : memref<5120x128xf32, #tpu.memory_space<vmem_shared>> -> memref<5120x128xf32, #tpu.memory_space<vmem_shared>>
        tpu.enqueue_indirect_dma source(%arg13 : memref<128x128xf32, #tpu.memory_space<vmem>>) target(%dma_start3A_155 : memref<5120x128xf32, #tpu.memory_space<vmem_shared>>) offsets(%dma_start3A_152 : memref<128xi32, #tpu.memory_space<vmem>>) semaphore(%run_scoped3A_149 : memref<!tpu.dma_semaphore, #tpu.memory_space<semaphore_mem>>) {add = true}
        %dma_wait3A_156 = arith.constant 0 : i32
        %dma_wait3A_157 = tpu.memref_slice %arg9[%add3A_133, %dma_wait3A_156] : memref<80x128xi32, #tpu.memory_space<vmem>> -> memref<1x128xi32, #tpu.memory_space<vmem>>
        %dma_wait3A_158 = tpu.memref_squeeze %dma_wait3A_157 : memref<1x128xi32, #tpu.memory_space<vmem>> -> memref<128xi32, #tpu.memory_space<vmem>>
        %dma_wait3A_159 = arith.constant 0 : i32
        %dma_wait3A_160 = arith.constant 0 : i32
        %dma_wait3A_161 = tpu.memref_slice %arg14[%dma_wait3A_159, %dma_wait3A_160] : memref<5120x128xf32, #tpu.memory_space<vmem_shared>> -> memref<5120x128xf32, #tpu.memory_space<vmem_shared>>
        tpu.wait_indirect_dma semaphore(%run_scoped3A_149 : memref<!tpu.dma_semaphore, #tpu.memory_space<semaphore_mem>>) src(%arg13 : memref<128x128xf32, #tpu.memory_space<vmem>>) dst(%dma_wait3A_161 : memref<5120x128xf32, #tpu.memory_space<vmem_shared>>)
        tpu.yield
      }) : () -> ()
      %add3A_140 = arith.constant 3 : i32
      %add3A_141 = arith.addi %add3A_84, %add3A_140 : i32
      %add3A_142 = arith.constant 4 : i32
      %add3A_143 = arith.addi %add3A_141, %add3A_142 : i32
      %lt3A_144 = arith.constant 80 : i32
      %lt3A_145 = arith.cmpi slt, %add3A_143, %lt3A_144 : i32
      %convert_element_type3A_146 = arith.extui %lt3A_145 : i1 to i32
      %cond3A_147 = arith.constant 0 : i32
      %cond3A_148 = arith.cmpi ne, %convert_element_type3A_146, %cond3A_147 : i32
      scf.if %cond3A_148 {
        %add3A_149 = arith.constant 3 : i32
        %add3A_150 = arith.addi %add3A_84, %add3A_149 : i32
        %add3A_151 = arith.constant 4 : i32
        %add3A_152 = arith.addi %add3A_150, %add3A_151 : i32
        %dma_start3A_153 = arith.constant 0 : i32
        %dma_start3A_154 = tpu.memref_slice %arg8[%add3A_152, %dma_start3A_153] : memref<80x128xi32, #tpu.memory_space<vmem>> -> memref<1x128xi32, #tpu.memory_space<vmem>>
        %dma_start3A_155 = tpu.memref_squeeze %dma_start3A_154 : memref<1x128xi32, #tpu.memory_space<vmem>> -> memref<128xi32, #tpu.memory_space<vmem>>
        %dma_start3A_156 = arith.constant 0 : i32
        %dma_start3A_157 = arith.constant 0 : i32
        %dma_start3A_158 = tpu.memref_slice %arg2[%dma_start3A_156, %dma_start3A_157] : memref<20000x128xf32, #tpu.memory_space<hbm>> -> memref<20000x128xf32, #tpu.memory_space<hbm>>
        tpu.enqueue_indirect_dma source(%dma_start3A_158 : memref<20000x128xf32, #tpu.memory_space<hbm>>) target(%arg13 : memref<128x128xf32, #tpu.memory_space<vmem>>) offsets(%dma_start3A_155 : memref<128xi32, #tpu.memory_space<vmem>>) semaphore(%arg18 : memref<!tpu.dma_semaphore, #tpu.memory_space<semaphore_mem>>)
      } else {
      }
    }
    %scan3A_31 = arith.constant 20 : i32
    %barrier3A_32 = arith.constant 0 : index
    tpu.barrier barrier_id(%barrier3A_32)
    %mul3A_33 = arith.constant 320 : i32
    %mul3A_34 = arith.muli %arg1, %mul3A_33 : i32
    %mul3A_35 = arith.constant 320 : i32
    %mul3A_36 = arith.muli %arg1, %mul3A_35 : i32
    %run_scoped3A_37 = arith.constant 0 : i32
    "tpu.region"() ({
      %run_scoped3A_81 = tpu.sem_alloc : memref<!tpu.dma_semaphore, #tpu.memory_space<semaphore_mem>>
      %dma_start3A_82 = arith.constant 0 : i32
      %dma_start3A_83 = tpu.memref_slice %arg7[%run_scoped3A_37, %arg0, %mul3A_36, %dma_start3A_82] : memref<2x2x5120x128xf32, #tpu.memory_space<hbm>> -> memref<1x1x320x128xf32, #tpu.memory_space<hbm>>
      %dma_start3A_84 = tpu.memref_squeeze %dma_start3A_83 : memref<1x1x320x128xf32, #tpu.memory_space<hbm>> -> memref<320x128xf32, #tpu.memory_space<hbm>>
      %dma_start3A_85 = arith.constant 0 : i32
      %dma_start3A_86 = tpu.memref_slice %arg14[%mul3A_34, %dma_start3A_85] : memref<5120x128xf32, #tpu.memory_space<vmem_shared>> -> memref<320x128xf32, #tpu.memory_space<vmem_shared>>
      tpu.enqueue_dma source(%dma_start3A_86 : memref<320x128xf32, #tpu.memory_space<vmem_shared>>) target(%dma_start3A_84 : memref<320x128xf32, #tpu.memory_space<hbm>>) target_semaphore(%run_scoped3A_81 : memref<!tpu.dma_semaphore, #tpu.memory_space<semaphore_mem>>)
      %dma_wait3A = arith.constant 0 : i32
      %dma_wait3A_87 = tpu.memref_slice %arg7[%run_scoped3A_37, %arg0, %mul3A_36, %dma_wait3A] : memref<2x2x5120x128xf32, #tpu.memory_space<hbm>> -> memref<1x1x320x128xf32, #tpu.memory_space<hbm>>
      %dma_wait3A_88 = tpu.memref_squeeze %dma_wait3A_87 : memref<1x1x320x128xf32, #tpu.memory_space<hbm>> -> memref<320x128xf32, #tpu.memory_space<hbm>>
      %dma_wait3A_89 = arith.constant 0 : i32
      %dma_wait3A_90 = tpu.memref_slice %arg14[%mul3A_34, %dma_wait3A_89] : memref<5120x128xf32, #tpu.memory_space<vmem_shared>> -> memref<320x128xf32, #tpu.memory_space<vmem_shared>>
      tpu.wait_dma2 semaphore(%run_scoped3A_81 : memref<!tpu.dma_semaphore, #tpu.memory_space<semaphore_mem>>) src(%dma_wait3A_90 : memref<320x128xf32, #tpu.memory_space<vmem_shared>>) dst(%dma_wait3A_88 : memref<320x128xf32, #tpu.memory_space<hbm>>)
      tpu.yield
    }) : () -> ()
    %mul3A_38 = arith.constant 320 : i32
    %mul3A_39 = arith.muli %arg1, %mul3A_38 : i32
    "tpu.region"() ({
      %run_scoped3A_81 = tpu.sem_alloc : memref<!tpu.dma_semaphore, #tpu.memory_space<semaphore_mem>>
      %dma_start3A_82 = arith.constant 0 : i32
      %dma_start3A_83 = tpu.memref_slice %arg14[%mul3A_39, %dma_start3A_82] : memref<5120x128xf32, #tpu.memory_space<vmem_shared>> -> memref<320x128xf32, #tpu.memory_space<vmem_shared>>
      tpu.enqueue_dma source(%arg5 : memref<320x128xf32, #tpu.memory_space<hbm>>) target(%dma_start3A_83 : memref<320x128xf32, #tpu.memory_space<vmem_shared>>) target_semaphore(%run_scoped3A_81 : memref<!tpu.dma_semaphore, #tpu.memory_space<semaphore_mem>>)
      %dma_wait3A = arith.constant 0 : i32
      %dma_wait3A_84 = tpu.memref_slice %arg14[%mul3A_39, %dma_wait3A] : memref<5120x128xf32, #tpu.memory_space<vmem_shared>> -> memref<320x128xf32, #tpu.memory_space<vmem_shared>>
      tpu.wait_dma2 semaphore(%run_scoped3A_81 : memref<!tpu.dma_semaphore, #tpu.memory_space<semaphore_mem>>) src(%arg5 : memref<320x128xf32, #tpu.memory_space<hbm>>) dst(%dma_wait3A_84 : memref<320x128xf32, #tpu.memory_space<vmem_shared>>)
      tpu.yield
    }) : () -> ()
    %run_scoped3A_40 = arith.constant 1 : i32
    "tpu.region"() ({
      %run_scoped3A_81 = tpu.sem_alloc : memref<!tpu.dma_semaphore, #tpu.memory_space<semaphore_mem>>
      %dma_start3A_82 = arith.constant 0 : i32
      %dma_start3A_83 = arith.constant 0 : i32
      %dma_start3A_84 = tpu.memref_slice %arg3[%run_scoped3A_40, %arg1, %dma_start3A_82, %dma_start3A_83] : memref<2x16x80x128xi32, #tpu.memory_space<hbm>> -> memref<1x1x80x128xi32, #tpu.memory_space<hbm>>
      %dma_start3A_85 = tpu.memref_squeeze %dma_start3A_84 : memref<1x1x80x128xi32, #tpu.memory_space<hbm>> -> memref<80x128xi32, #tpu.memory_space<hbm>>
      %dma_start3A_86 = arith.constant 0 : i32
      %dma_start3A_87 = arith.constant 0 : i32
      %dma_start3A_88 = tpu.memref_slice %arg3[%run_scoped3A_40, %arg1, %dma_start3A_86, %dma_start3A_87] : memref<2x16x80x128xi32, #tpu.memory_space<hbm>> -> memref<1x1x80x128xi32, #tpu.memory_space<hbm>>
      %dma_start3A_89 = tpu.memref_squeeze %dma_start3A_88 : memref<1x1x80x128xi32, #tpu.memory_space<hbm>> -> memref<80x128xi32, #tpu.memory_space<hbm>>
      tpu.enqueue_dma source(%dma_start3A_89 : memref<80x128xi32, #tpu.memory_space<hbm>>) target(%arg8 : memref<80x128xi32, #tpu.memory_space<vmem>>) target_semaphore(%run_scoped3A_81 : memref<!tpu.dma_semaphore, #tpu.memory_space<semaphore_mem>>)
      %dma_wait3A = arith.constant 0 : i32
      %dma_wait3A_90 = arith.constant 0 : i32
      %dma_wait3A_91 = tpu.memref_slice %arg3[%run_scoped3A_40, %arg1, %dma_wait3A, %dma_wait3A_90] : memref<2x16x80x128xi32, #tpu.memory_space<hbm>> -> memref<1x1x80x128xi32, #tpu.memory_space<hbm>>
      %dma_wait3A_92 = tpu.memref_squeeze %dma_wait3A_91 : memref<1x1x80x128xi32, #tpu.memory_space<hbm>> -> memref<80x128xi32, #tpu.memory_space<hbm>>
      %dma_wait3A_93 = arith.constant 0 : i32
      %dma_wait3A_94 = arith.constant 0 : i32
      %dma_wait3A_95 = tpu.memref_slice %arg3[%run_scoped3A_40, %arg1, %dma_wait3A_93, %dma_wait3A_94] : memref<2x16x80x128xi32, #tpu.memory_space<hbm>> -> memref<1x1x80x128xi32, #tpu.memory_space<hbm>>
      %dma_wait3A_96 = tpu.memref_squeeze %dma_wait3A_95 : memref<1x1x80x128xi32, #tpu.memory_space<hbm>> -> memref<80x128xi32, #tpu.memory_space<hbm>>
      tpu.wait_dma2 semaphore(%run_scoped3A_81 : memref<!tpu.dma_semaphore, #tpu.memory_space<semaphore_mem>>) src(%dma_wait3A_96 : memref<80x128xi32, #tpu.memory_space<hbm>>) dst(%arg8 : memref<80x128xi32, #tpu.memory_space<vmem>>)
      tpu.yield
    }) : () -> ()
    %barrier3A_41 = arith.constant 0 : index
    tpu.barrier barrier_id(%barrier3A_41)
    %dma_start3A_42 = arith.constant 0 : i32
    %dma_start3A_43 = arith.constant 0 : i32
    %dma_start3A_44 = tpu.memref_slice %arg8[%dma_start3A_42, %dma_start3A_43] : memref<80x128xi32, #tpu.memory_space<vmem>> -> memref<1x128xi32, #tpu.memory_space<vmem>>
    %dma_start3A_45 = tpu.memref_squeeze %dma_start3A_44 : memref<1x128xi32, #tpu.memory_space<vmem>> -> memref<128xi32, #tpu.memory_space<vmem>>
    %dma_start3A_46 = arith.constant 0 : i32
    %dma_start3A_47 = arith.constant 0 : i32
    %dma_start3A_48 = tpu.memref_slice %arg2[%dma_start3A_46, %dma_start3A_47] : memref<20000x128xf32, #tpu.memory_space<hbm>> -> memref<20000x128xf32, #tpu.memory_space<hbm>>
    tpu.enqueue_indirect_dma source(%dma_start3A_48 : memref<20000x128xf32, #tpu.memory_space<hbm>>) target(%arg10 : memref<128x128xf32, #tpu.memory_space<vmem>>) offsets(%dma_start3A_45 : memref<128xi32, #tpu.memory_space<vmem>>) semaphore(%arg15 : memref<!tpu.dma_semaphore, #tpu.memory_space<semaphore_mem>>)
    %dma_start3A_49 = arith.constant 1 : i32
    %dma_start3A_50 = arith.constant 0 : i32
    %dma_start3A_51 = tpu.memref_slice %arg8[%dma_start3A_49, %dma_start3A_50] : memref<80x128xi32, #tpu.memory_space<vmem>> -> memref<1x128xi32, #tpu.memory_space<vmem>>
    %dma_start3A_52 = tpu.memref_squeeze %dma_start3A_51 : memref<1x128xi32, #tpu.memory_space<vmem>> -> memref<128xi32, #tpu.memory_space<vmem>>
    %dma_start3A_53 = arith.constant 0 : i32
    %dma_start3A_54 = arith.constant 0 : i32
    %dma_start3A_55 = tpu.memref_slice %arg2[%dma_start3A_53, %dma_start3A_54] : memref<20000x128xf32, #tpu.memory_space<hbm>> -> memref<20000x128xf32, #tpu.memory_space<hbm>>
    tpu.enqueue_indirect_dma source(%dma_start3A_55 : memref<20000x128xf32, #tpu.memory_space<hbm>>) target(%arg11 : memref<128x128xf32, #tpu.memory_space<vmem>>) offsets(%dma_start3A_52 : memref<128xi32, #tpu.memory_space<vmem>>) semaphore(%arg16 : memref<!tpu.dma_semaphore, #tpu.memory_space<semaphore_mem>>)
    %dma_start3A_56 = arith.constant 2 : i32
    %dma_start3A_57 = arith.constant 0 : i32
    %dma_start3A_58 = tpu.memref_slice %arg8[%dma_start3A_56, %dma_start3A_57] : memref<80x128xi32, #tpu.memory_space<vmem>> -> memref<1x128xi32, #tpu.memory_space<vmem>>
    %dma_start3A_59 = tpu.memref_squeeze %dma_start3A_58 : memref<1x128xi32, #tpu.memory_space<vmem>> -> memref<128xi32, #tpu.memory_space<vmem>>
    %dma_start3A_60 = arith.constant 0 : i32
    %dma_start3A_61 = arith.constant 0 : i32
    %dma_start3A_62 = tpu.memref_slice %arg2[%dma_start3A_60, %dma_start3A_61] : memref<20000x128xf32, #tpu.memory_space<hbm>> -> memref<20000x128xf32, #tpu.memory_space<hbm>>
    tpu.enqueue_indirect_dma source(%dma_start3A_62 : memref<20000x128xf32, #tpu.memory_space<hbm>>) target(%arg12 : memref<128x128xf32, #tpu.memory_space<vmem>>) offsets(%dma_start3A_59 : memref<128xi32, #tpu.memory_space<vmem>>) semaphore(%arg17 : memref<!tpu.dma_semaphore, #tpu.memory_space<semaphore_mem>>)
    %dma_start3A_63 = arith.constant 3 : i32
    %dma_start3A_64 = arith.constant 0 : i32
    %dma_start3A_65 = tpu.memref_slice %arg8[%dma_start3A_63, %dma_start3A_64] : memref<80x128xi32, #tpu.memory_space<vmem>> -> memref<1x128xi32, #tpu.memory_space<vmem>>
    %dma_start3A_66 = tpu.memref_squeeze %dma_start3A_65 : memref<1x128xi32, #tpu.memory_space<vmem>> -> memref<128xi32, #tpu.memory_space<vmem>>
    %dma_start3A_67 = arith.constant 0 : i32
    %dma_start3A_68 = arith.constant 0 : i32
    %dma_start3A_69 = tpu.memref_slice %arg2[%dma_start3A_67, %dma_start3A_68] : memref<20000x128xf32, #tpu.memory_space<hbm>> -> memref<20000x128xf32, #tpu.memory_space<hbm>>
    tpu.enqueue_indirect_dma source(%dma_start3A_69 : memref<20000x128xf32, #tpu.memory_space<hbm>>) target(%arg13 : memref<128x128xf32, #tpu.memory_space<vmem>>) offsets(%dma_start3A_66 : memref<128xi32, #tpu.memory_space<vmem>>) semaphore(%arg18 : memref<!tpu.dma_semaphore, #tpu.memory_space<semaphore_mem>>)
    %scan3A_70 = arith.constant 0 : i32
    %scan3A_71 = arith.constant 20 : i32
    %scan3A_72 = arith.addi %scan3A_70, %scan3A_71 : i32
    %scan3A_73 = arith.constant 1 : i32
    scf.for %scan3A_81 = %scan3A_70 to %scan3A_72 step %scan3A_73  : i32 {
      %mul3A_82 = arith.constant 4 : i32
      %mul3A_83 = arith.muli %scan3A_81, %mul3A_82 : i32
      %add3A = arith.constant 0 : i32
      %add3A_84 = arith.addi %add3A, %mul3A_83 : i32
      %add3A_85 = arith.constant 0 : i32
      %add3A_86 = arith.addi %add3A_84, %add3A_85 : i32
      %dma_wait3A = arith.constant 0 : i32
      %dma_wait3A_87 = tpu.memref_slice %arg8[%add3A_86, %dma_wait3A] : memref<80x128xi32, #tpu.memory_space<vmem>> -> memref<1x128xi32, #tpu.memory_space<vmem>>
      %dma_wait3A_88 = tpu.memref_squeeze %dma_wait3A_87 : memref<1x128xi32, #tpu.memory_space<vmem>> -> memref<128xi32, #tpu.memory_space<vmem>>
      %dma_wait3A_89 = arith.constant 0 : i32
      %dma_wait3A_90 = arith.constant 0 : i32
      %dma_wait3A_91 = tpu.memref_slice %arg2[%dma_wait3A_89, %dma_wait3A_90] : memref<20000x128xf32, #tpu.memory_space<hbm>> -> memref<20000x128xf32, #tpu.memory_space<hbm>>
      tpu.wait_indirect_dma semaphore(%arg15 : memref<!tpu.dma_semaphore, #tpu.memory_space<semaphore_mem>>) src(%dma_wait3A_91 : memref<20000x128xf32, #tpu.memory_space<hbm>>) dst(%arg10 : memref<128x128xf32, #tpu.memory_space<vmem>>)
      "tpu.region"() ({
        %run_scoped3A_149 = tpu.sem_alloc : memref<!tpu.dma_semaphore, #tpu.memory_space<semaphore_mem>>
        %dma_start3A_150 = arith.constant 0 : i32
        %dma_start3A_151 = tpu.memref_slice %arg9[%add3A_86, %dma_start3A_150] : memref<80x128xi32, #tpu.memory_space<vmem>> -> memref<1x128xi32, #tpu.memory_space<vmem>>
        %dma_start3A_152 = tpu.memref_squeeze %dma_start3A_151 : memref<1x128xi32, #tpu.memory_space<vmem>> -> memref<128xi32, #tpu.memory_space<vmem>>
        %dma_start3A_153 = arith.constant 0 : i32
        %dma_start3A_154 = arith.constant 0 : i32
        %dma_start3A_155 = tpu.memref_slice %arg14[%dma_start3A_153, %dma_start3A_154] : memref<5120x128xf32, #tpu.memory_space<vmem_shared>> -> memref<5120x128xf32, #tpu.memory_space<vmem_shared>>
        tpu.enqueue_indirect_dma source(%arg10 : memref<128x128xf32, #tpu.memory_space<vmem>>) target(%dma_start3A_155 : memref<5120x128xf32, #tpu.memory_space<vmem_shared>>) offsets(%dma_start3A_152 : memref<128xi32, #tpu.memory_space<vmem>>) semaphore(%run_scoped3A_149 : memref<!tpu.dma_semaphore, #tpu.memory_space<semaphore_mem>>) {add = true}
        %dma_wait3A_156 = arith.constant 0 : i32
        %dma_wait3A_157 = tpu.memref_slice %arg9[%add3A_86, %dma_wait3A_156] : memref<80x128xi32, #tpu.memory_space<vmem>> -> memref<1x128xi32, #tpu.memory_space<vmem>>
        %dma_wait3A_158 = tpu.memref_squeeze %dma_wait3A_157 : memref<1x128xi32, #tpu.memory_space<vmem>> -> memref<128xi32, #tpu.memory_space<vmem>>
        %dma_wait3A_159 = arith.constant 0 : i32
        %dma_wait3A_160 = arith.constant 0 : i32
        %dma_wait3A_161 = tpu.memref_slice %arg14[%dma_wait3A_159, %dma_wait3A_160] : memref<5120x128xf32, #tpu.memory_space<vmem_shared>> -> memref<5120x128xf32, #tpu.memory_space<vmem_shared>>
        tpu.wait_indirect_dma semaphore(%run_scoped3A_149 : memref<!tpu.dma_semaphore, #tpu.memory_space<semaphore_mem>>) src(%arg10 : memref<128x128xf32, #tpu.memory_space<vmem>>) dst(%dma_wait3A_161 : memref<5120x128xf32, #tpu.memory_space<vmem_shared>>)
        tpu.yield
      }) : () -> ()
      %add3A_92 = arith.constant 0 : i32
      %add3A_93 = arith.addi %add3A_84, %add3A_92 : i32
      %add3A_94 = arith.constant 4 : i32
      %add3A_95 = arith.addi %add3A_93, %add3A_94 : i32
      %lt3A = arith.constant 80 : i32
      %lt3A_96 = arith.cmpi slt, %add3A_95, %lt3A : i32
      %convert_element_type3A = arith.extui %lt3A_96 : i1 to i32
      %cond3A = arith.constant 0 : i32
      %cond3A_97 = arith.cmpi ne, %convert_element_type3A, %cond3A : i32
      scf.if %cond3A_97 {
        %add3A_149 = arith.constant 0 : i32
        %add3A_150 = arith.addi %add3A_84, %add3A_149 : i32
        %add3A_151 = arith.constant 4 : i32
        %add3A_152 = arith.addi %add3A_150, %add3A_151 : i32
        %dma_start3A_153 = arith.constant 0 : i32
        %dma_start3A_154 = tpu.memref_slice %arg8[%add3A_152, %dma_start3A_153] : memref<80x128xi32, #tpu.memory_space<vmem>> -> memref<1x128xi32, #tpu.memory_space<vmem>>
        %dma_start3A_155 = tpu.memref_squeeze %dma_start3A_154 : memref<1x128xi32, #tpu.memory_space<vmem>> -> memref<128xi32, #tpu.memory_space<vmem>>
        %dma_start3A_156 = arith.constant 0 : i32
        %dma_start3A_157 = arith.constant 0 : i32
        %dma_start3A_158 = tpu.memref_slice %arg2[%dma_start3A_156, %dma_start3A_157] : memref<20000x128xf32, #tpu.memory_space<hbm>> -> memref<20000x128xf32, #tpu.memory_space<hbm>>
        tpu.enqueue_indirect_dma source(%dma_start3A_158 : memref<20000x128xf32, #tpu.memory_space<hbm>>) target(%arg10 : memref<128x128xf32, #tpu.memory_space<vmem>>) offsets(%dma_start3A_155 : memref<128xi32, #tpu.memory_space<vmem>>) semaphore(%arg15 : memref<!tpu.dma_semaphore, #tpu.memory_space<semaphore_mem>>)
      } else {
      }
      %add3A_98 = arith.constant 1 : i32
      %add3A_99 = arith.addi %add3A_84, %add3A_98 : i32
      %dma_wait3A_100 = arith.constant 0 : i32
      %dma_wait3A_101 = tpu.memref_slice %arg8[%add3A_99, %dma_wait3A_100] : memref<80x128xi32, #tpu.memory_space<vmem>> -> memref<1x128xi32, #tpu.memory_space<vmem>>
      %dma_wait3A_102 = tpu.memref_squeeze %dma_wait3A_101 : memref<1x128xi32, #tpu.memory_space<vmem>> -> memref<128xi32, #tpu.memory_space<vmem>>
      %dma_wait3A_103 = arith.constant 0 : i32
      %dma_wait3A_104 = arith.constant 0 : i32
      %dma_wait3A_105 = tpu.memref_slice %arg2[%dma_wait3A_103, %dma_wait3A_104] : memref<20000x128xf32, #tpu.memory_space<hbm>> -> memref<20000x128xf32, #tpu.memory_space<hbm>>
      tpu.wait_indirect_dma semaphore(%arg16 : memref<!tpu.dma_semaphore, #tpu.memory_space<semaphore_mem>>) src(%dma_wait3A_105 : memref<20000x128xf32, #tpu.memory_space<hbm>>) dst(%arg11 : memref<128x128xf32, #tpu.memory_space<vmem>>)
      "tpu.region"() ({
        %run_scoped3A_149 = tpu.sem_alloc : memref<!tpu.dma_semaphore, #tpu.memory_space<semaphore_mem>>
        %dma_start3A_150 = arith.constant 0 : i32
        %dma_start3A_151 = tpu.memref_slice %arg9[%add3A_99, %dma_start3A_150] : memref<80x128xi32, #tpu.memory_space<vmem>> -> memref<1x128xi32, #tpu.memory_space<vmem>>
        %dma_start3A_152 = tpu.memref_squeeze %dma_start3A_151 : memref<1x128xi32, #tpu.memory_space<vmem>> -> memref<128xi32, #tpu.memory_space<vmem>>
        %dma_start3A_153 = arith.constant 0 : i32
        %dma_start3A_154 = arith.constant 0 : i32
        %dma_start3A_155 = tpu.memref_slice %arg14[%dma_start3A_153, %dma_start3A_154] : memref<5120x128xf32, #tpu.memory_space<vmem_shared>> -> memref<5120x128xf32, #tpu.memory_space<vmem_shared>>
        tpu.enqueue_indirect_dma source(%arg11 : memref<128x128xf32, #tpu.memory_space<vmem>>) target(%dma_start3A_155 : memref<5120x128xf32, #tpu.memory_space<vmem_shared>>) offsets(%dma_start3A_152 : memref<128xi32, #tpu.memory_space<vmem>>) semaphore(%run_scoped3A_149 : memref<!tpu.dma_semaphore, #tpu.memory_space<semaphore_mem>>) {add = true}
        %dma_wait3A_156 = arith.constant 0 : i32
        %dma_wait3A_157 = tpu.memref_slice %arg9[%add3A_99, %dma_wait3A_156] : memref<80x128xi32, #tpu.memory_space<vmem>> -> memref<1x128xi32, #tpu.memory_space<vmem>>
        %dma_wait3A_158 = tpu.memref_squeeze %dma_wait3A_157 : memref<1x128xi32, #tpu.memory_space<vmem>> -> memref<128xi32, #tpu.memory_space<vmem>>
        %dma_wait3A_159 = arith.constant 0 : i32
        %dma_wait3A_160 = arith.constant 0 : i32
        %dma_wait3A_161 = tpu.memref_slice %arg14[%dma_wait3A_159, %dma_wait3A_160] : memref<5120x128xf32, #tpu.memory_space<vmem_shared>> -> memref<5120x128xf32, #tpu.memory_space<vmem_shared>>
        tpu.wait_indirect_dma semaphore(%run_scoped3A_149 : memref<!tpu.dma_semaphore, #tpu.memory_space<semaphore_mem>>) src(%arg11 : memref<128x128xf32, #tpu.memory_space<vmem>>) dst(%dma_wait3A_161 : memref<5120x128xf32, #tpu.memory_space<vmem_shared>>)
        tpu.yield
      }) : () -> ()
      %add3A_106 = arith.constant 1 : i32
      %add3A_107 = arith.addi %add3A_84, %add3A_106 : i32
      %add3A_108 = arith.constant 4 : i32
      %add3A_109 = arith.addi %add3A_107, %add3A_108 : i32
      %lt3A_110 = arith.constant 80 : i32
      %lt3A_111 = arith.cmpi slt, %add3A_109, %lt3A_110 : i32
      %convert_element_type3A_112 = arith.extui %lt3A_111 : i1 to i32
      %cond3A_113 = arith.constant 0 : i32
      %cond3A_114 = arith.cmpi ne, %convert_element_type3A_112, %cond3A_113 : i32
      scf.if %cond3A_114 {
        %add3A_149 = arith.constant 1 : i32
        %add3A_150 = arith.addi %add3A_84, %add3A_149 : i32
        %add3A_151 = arith.constant 4 : i32
        %add3A_152 = arith.addi %add3A_150, %add3A_151 : i32
        %dma_start3A_153 = arith.constant 0 : i32
        %dma_start3A_154 = tpu.memref_slice %arg8[%add3A_152, %dma_start3A_153] : memref<80x128xi32, #tpu.memory_space<vmem>> -> memref<1x128xi32, #tpu.memory_space<vmem>>
        %dma_start3A_155 = tpu.memref_squeeze %dma_start3A_154 : memref<1x128xi32, #tpu.memory_space<vmem>> -> memref<128xi32, #tpu.memory_space<vmem>>
        %dma_start3A_156 = arith.constant 0 : i32
        %dma_start3A_157 = arith.constant 0 : i32
        %dma_start3A_158 = tpu.memref_slice %arg2[%dma_start3A_156, %dma_start3A_157] : memref<20000x128xf32, #tpu.memory_space<hbm>> -> memref<20000x128xf32, #tpu.memory_space<hbm>>
        tpu.enqueue_indirect_dma source(%dma_start3A_158 : memref<20000x128xf32, #tpu.memory_space<hbm>>) target(%arg11 : memref<128x128xf32, #tpu.memory_space<vmem>>) offsets(%dma_start3A_155 : memref<128xi32, #tpu.memory_space<vmem>>) semaphore(%arg16 : memref<!tpu.dma_semaphore, #tpu.memory_space<semaphore_mem>>)
      } else {
      }
      %add3A_115 = arith.constant 2 : i32
      %add3A_116 = arith.addi %add3A_84, %add3A_115 : i32
      %dma_wait3A_117 = arith.constant 0 : i32
      %dma_wait3A_118 = tpu.memref_slice %arg8[%add3A_116, %dma_wait3A_117] : memref<80x128xi32, #tpu.memory_space<vmem>> -> memref<1x128xi32, #tpu.memory_space<vmem>>
      %dma_wait3A_119 = tpu.memref_squeeze %dma_wait3A_118 : memref<1x128xi32, #tpu.memory_space<vmem>> -> memref<128xi32, #tpu.memory_space<vmem>>
      %dma_wait3A_120 = arith.constant 0 : i32
      %dma_wait3A_121 = arith.constant 0 : i32
      %dma_wait3A_122 = tpu.memref_slice %arg2[%dma_wait3A_120, %dma_wait3A_121] : memref<20000x128xf32, #tpu.memory_space<hbm>> -> memref<20000x128xf32, #tpu.memory_space<hbm>>
      tpu.wait_indirect_dma semaphore(%arg17 : memref<!tpu.dma_semaphore, #tpu.memory_space<semaphore_mem>>) src(%dma_wait3A_122 : memref<20000x128xf32, #tpu.memory_space<hbm>>) dst(%arg12 : memref<128x128xf32, #tpu.memory_space<vmem>>)
      "tpu.region"() ({
        %run_scoped3A_149 = tpu.sem_alloc : memref<!tpu.dma_semaphore, #tpu.memory_space<semaphore_mem>>
        %dma_start3A_150 = arith.constant 0 : i32
        %dma_start3A_151 = tpu.memref_slice %arg9[%add3A_116, %dma_start3A_150] : memref<80x128xi32, #tpu.memory_space<vmem>> -> memref<1x128xi32, #tpu.memory_space<vmem>>
        %dma_start3A_152 = tpu.memref_squeeze %dma_start3A_151 : memref<1x128xi32, #tpu.memory_space<vmem>> -> memref<128xi32, #tpu.memory_space<vmem>>
        %dma_start3A_153 = arith.constant 0 : i32
        %dma_start3A_154 = arith.constant 0 : i32
        %dma_start3A_155 = tpu.memref_slice %arg14[%dma_start3A_153, %dma_start3A_154] : memref<5120x128xf32, #tpu.memory_space<vmem_shared>> -> memref<5120x128xf32, #tpu.memory_space<vmem_shared>>
        tpu.enqueue_indirect_dma source(%arg12 : memref<128x128xf32, #tpu.memory_space<vmem>>) target(%dma_start3A_155 : memref<5120x128xf32, #tpu.memory_space<vmem_shared>>) offsets(%dma_start3A_152 : memref<128xi32, #tpu.memory_space<vmem>>) semaphore(%run_scoped3A_149 : memref<!tpu.dma_semaphore, #tpu.memory_space<semaphore_mem>>) {add = true}
        %dma_wait3A_156 = arith.constant 0 : i32
        %dma_wait3A_157 = tpu.memref_slice %arg9[%add3A_116, %dma_wait3A_156] : memref<80x128xi32, #tpu.memory_space<vmem>> -> memref<1x128xi32, #tpu.memory_space<vmem>>
        %dma_wait3A_158 = tpu.memref_squeeze %dma_wait3A_157 : memref<1x128xi32, #tpu.memory_space<vmem>> -> memref<128xi32, #tpu.memory_space<vmem>>
        %dma_wait3A_159 = arith.constant 0 : i32
        %dma_wait3A_160 = arith.constant 0 : i32
        %dma_wait3A_161 = tpu.memref_slice %arg14[%dma_wait3A_159, %dma_wait3A_160] : memref<5120x128xf32, #tpu.memory_space<vmem_shared>> -> memref<5120x128xf32, #tpu.memory_space<vmem_shared>>
        tpu.wait_indirect_dma semaphore(%run_scoped3A_149 : memref<!tpu.dma_semaphore, #tpu.memory_space<semaphore_mem>>) src(%arg12 : memref<128x128xf32, #tpu.memory_space<vmem>>) dst(%dma_wait3A_161 : memref<5120x128xf32, #tpu.memory_space<vmem_shared>>)
        tpu.yield
      }) : () -> ()
      %add3A_123 = arith.constant 2 : i32
      %add3A_124 = arith.addi %add3A_84, %add3A_123 : i32
      %add3A_125 = arith.constant 4 : i32
      %add3A_126 = arith.addi %add3A_124, %add3A_125 : i32
      %lt3A_127 = arith.constant 80 : i32
      %lt3A_128 = arith.cmpi slt, %add3A_126, %lt3A_127 : i32
      %convert_element_type3A_129 = arith.extui %lt3A_128 : i1 to i32
      %cond3A_130 = arith.constant 0 : i32
      %cond3A_131 = arith.cmpi ne, %convert_element_type3A_129, %cond3A_130 : i32
      scf.if %cond3A_131 {
        %add3A_149 = arith.constant 2 : i32
        %add3A_150 = arith.addi %add3A_84, %add3A_149 : i32
        %add3A_151 = arith.constant 4 : i32
        %add3A_152 = arith.addi %add3A_150, %add3A_151 : i32
        %dma_start3A_153 = arith.constant 0 : i32
        %dma_start3A_154 = tpu.memref_slice %arg8[%add3A_152, %dma_start3A_153] : memref<80x128xi32, #tpu.memory_space<vmem>> -> memref<1x128xi32, #tpu.memory_space<vmem>>
        %dma_start3A_155 = tpu.memref_squeeze %dma_start3A_154 : memref<1x128xi32, #tpu.memory_space<vmem>> -> memref<128xi32, #tpu.memory_space<vmem>>
        %dma_start3A_156 = arith.constant 0 : i32
        %dma_start3A_157 = arith.constant 0 : i32
        %dma_start3A_158 = tpu.memref_slice %arg2[%dma_start3A_156, %dma_start3A_157] : memref<20000x128xf32, #tpu.memory_space<hbm>> -> memref<20000x128xf32, #tpu.memory_space<hbm>>
        tpu.enqueue_indirect_dma source(%dma_start3A_158 : memref<20000x128xf32, #tpu.memory_space<hbm>>) target(%arg12 : memref<128x128xf32, #tpu.memory_space<vmem>>) offsets(%dma_start3A_155 : memref<128xi32, #tpu.memory_space<vmem>>) semaphore(%arg17 : memref<!tpu.dma_semaphore, #tpu.memory_space<semaphore_mem>>)
      } else {
      }
      %add3A_132 = arith.constant 3 : i32
      %add3A_133 = arith.addi %add3A_84, %add3A_132 : i32
      %dma_wait3A_134 = arith.constant 0 : i32
      %dma_wait3A_135 = tpu.memref_slice %arg8[%add3A_133, %dma_wait3A_134] : memref<80x128xi32, #tpu.memory_space<vmem>> -> memref<1x128xi32, #tpu.memory_space<vmem>>
      %dma_wait3A_136 = tpu.memref_squeeze %dma_wait3A_135 : memref<1x128xi32, #tpu.memory_space<vmem>> -> memref<128xi32, #tpu.memory_space<vmem>>
      %dma_wait3A_137 = arith.constant 0 : i32
      %dma_wait3A_138 = arith.constant 0 : i32
      %dma_wait3A_139 = tpu.memref_slice %arg2[%dma_wait3A_137, %dma_wait3A_138] : memref<20000x128xf32, #tpu.memory_space<hbm>> -> memref<20000x128xf32, #tpu.memory_space<hbm>>
      tpu.wait_indirect_dma semaphore(%arg18 : memref<!tpu.dma_semaphore, #tpu.memory_space<semaphore_mem>>) src(%dma_wait3A_139 : memref<20000x128xf32, #tpu.memory_space<hbm>>) dst(%arg13 : memref<128x128xf32, #tpu.memory_space<vmem>>)
      "tpu.region"() ({
        %run_scoped3A_149 = tpu.sem_alloc : memref<!tpu.dma_semaphore, #tpu.memory_space<semaphore_mem>>
        %dma_start3A_150 = arith.constant 0 : i32
        %dma_start3A_151 = tpu.memref_slice %arg9[%add3A_133, %dma_start3A_150] : memref<80x128xi32, #tpu.memory_space<vmem>> -> memref<1x128xi32, #tpu.memory_space<vmem>>
        %dma_start3A_152 = tpu.memref_squeeze %dma_start3A_151 : memref<1x128xi32, #tpu.memory_space<vmem>> -> memref<128xi32, #tpu.memory_space<vmem>>
        %dma_start3A_153 = arith.constant 0 : i32
        %dma_start3A_154 = arith.constant 0 : i32
        %dma_start3A_155 = tpu.memref_slice %arg14[%dma_start3A_153, %dma_start3A_154] : memref<5120x128xf32, #tpu.memory_space<vmem_shared>> -> memref<5120x128xf32, #tpu.memory_space<vmem_shared>>
        tpu.enqueue_indirect_dma source(%arg13 : memref<128x128xf32, #tpu.memory_space<vmem>>) target(%dma_start3A_155 : memref<5120x128xf32, #tpu.memory_space<vmem_shared>>) offsets(%dma_start3A_152 : memref<128xi32, #tpu.memory_space<vmem>>) semaphore(%run_scoped3A_149 : memref<!tpu.dma_semaphore, #tpu.memory_space<semaphore_mem>>) {add = true}
        %dma_wait3A_156 = arith.constant 0 : i32
        %dma_wait3A_157 = tpu.memref_slice %arg9[%add3A_133, %dma_wait3A_156] : memref<80x128xi32, #tpu.memory_space<vmem>> -> memref<1x128xi32, #tpu.memory_space<vmem>>
        %dma_wait3A_158 = tpu.memref_squeeze %dma_wait3A_157 : memref<1x128xi32, #tpu.memory_space<vmem>> -> memref<128xi32, #tpu.memory_space<vmem>>
        %dma_wait3A_159 = arith.constant 0 : i32
        %dma_wait3A_160 = arith.constant 0 : i32
        %dma_wait3A_161 = tpu.memref_slice %arg14[%dma_wait3A_159, %dma_wait3A_160] : memref<5120x128xf32, #tpu.memory_space<vmem_shared>> -> memref<5120x128xf32, #tpu.memory_space<vmem_shared>>
        tpu.wait_indirect_dma semaphore(%run_scoped3A_149 : memref<!tpu.dma_semaphore, #tpu.memory_space<semaphore_mem>>) src(%arg13 : memref<128x128xf32, #tpu.memory_space<vmem>>) dst(%dma_wait3A_161 : memref<5120x128xf32, #tpu.memory_space<vmem_shared>>)
        tpu.yield
      }) : () -> ()
      %add3A_140 = arith.constant 3 : i32
      %add3A_141 = arith.addi %add3A_84, %add3A_140 : i32
      %add3A_142 = arith.constant 4 : i32
      %add3A_143 = arith.addi %add3A_141, %add3A_142 : i32
      %lt3A_144 = arith.constant 80 : i32
      %lt3A_145 = arith.cmpi slt, %add3A_143, %lt3A_144 : i32
      %convert_element_type3A_146 = arith.extui %lt3A_145 : i1 to i32
      %cond3A_147 = arith.constant 0 : i32
      %cond3A_148 = arith.cmpi ne, %convert_element_type3A_146, %cond3A_147 : i32
      scf.if %cond3A_148 {
        %add3A_149 = arith.constant 3 : i32
        %add3A_150 = arith.addi %add3A_84, %add3A_149 : i32
        %add3A_151 = arith.constant 4 : i32
        %add3A_152 = arith.addi %add3A_150, %add3A_151 : i32
        %dma_start3A_153 = arith.constant 0 : i32
        %dma_start3A_154 = tpu.memref_slice %arg8[%add3A_152, %dma_start3A_153] : memref<80x128xi32, #tpu.memory_space<vmem>> -> memref<1x128xi32, #tpu.memory_space<vmem>>
        %dma_start3A_155 = tpu.memref_squeeze %dma_start3A_154 : memref<1x128xi32, #tpu.memory_space<vmem>> -> memref<128xi32, #tpu.memory_space<vmem>>
        %dma_start3A_156 = arith.constant 0 : i32
        %dma_start3A_157 = arith.constant 0 : i32
        %dma_start3A_158 = tpu.memref_slice %arg2[%dma_start3A_156, %dma_start3A_157] : memref<20000x128xf32, #tpu.memory_space<hbm>> -> memref<20000x128xf32, #tpu.memory_space<hbm>>
        tpu.enqueue_indirect_dma source(%dma_start3A_158 : memref<20000x128xf32, #tpu.memory_space<hbm>>) target(%arg13 : memref<128x128xf32, #tpu.memory_space<vmem>>) offsets(%dma_start3A_155 : memref<128xi32, #tpu.memory_space<vmem>>) semaphore(%arg18 : memref<!tpu.dma_semaphore, #tpu.memory_space<semaphore_mem>>)
      } else {
      }
    }
    %scan3A_74 = arith.constant 20 : i32
    %barrier3A_75 = arith.constant 0 : index
    tpu.barrier barrier_id(%barrier3A_75)
    %mul3A_76 = arith.constant 320 : i32
    %mul3A_77 = arith.muli %arg1, %mul3A_76 : i32
    %mul3A_78 = arith.constant 320 : i32
    %mul3A_79 = arith.muli %arg1, %mul3A_78 : i32
    %run_scoped3A_80 = arith.constant 1 : i32
    "tpu.region"() ({
      %run_scoped3A_81 = tpu.sem_alloc : memref<!tpu.dma_semaphore, #tpu.memory_space<semaphore_mem>>
      %dma_start3A_82 = arith.constant 0 : i32
      %dma_start3A_83 = tpu.memref_slice %arg7[%run_scoped3A_80, %arg0, %mul3A_79, %dma_start3A_82] : memref<2x2x5120x128xf32, #tpu.memory_space<hbm>> -> memref<1x1x320x128xf32, #tpu.memory_space<hbm>>
      %dma_start3A_84 = tpu.memref_squeeze %dma_start3A_83 : memref<1x1x320x128xf32, #tpu.memory_space<hbm>> -> memref<320x128xf32, #tpu.memory_space<hbm>>
      %dma_start3A_85 = arith.constant 0 : i32
      %dma_start3A_86 = tpu.memref_slice %arg14[%mul3A_77, %dma_start3A_85] : memref<5120x128xf32, #tpu.memory_space<vmem_shared>> -> memref<320x128xf32, #tpu.memory_space<vmem_shared>>
      tpu.enqueue_dma source(%dma_start3A_86 : memref<320x128xf32, #tpu.memory_space<vmem_shared>>) target(%dma_start3A_84 : memref<320x128xf32, #tpu.memory_space<hbm>>) target_semaphore(%run_scoped3A_81 : memref<!tpu.dma_semaphore, #tpu.memory_space<semaphore_mem>>)
      %dma_wait3A = arith.constant 0 : i32
      %dma_wait3A_87 = tpu.memref_slice %arg7[%run_scoped3A_80, %arg0, %mul3A_79, %dma_wait3A] : memref<2x2x5120x128xf32, #tpu.memory_space<hbm>> -> memref<1x1x320x128xf32, #tpu.memory_space<hbm>>
      %dma_wait3A_88 = tpu.memref_squeeze %dma_wait3A_87 : memref<1x1x320x128xf32, #tpu.memory_space<hbm>> -> memref<320x128xf32, #tpu.memory_space<hbm>>
      %dma_wait3A_89 = arith.constant 0 : i32
      %dma_wait3A_90 = tpu.memref_slice %arg14[%mul3A_77, %dma_wait3A_89] : memref<5120x128xf32, #tpu.memory_space<vmem_shared>> -> memref<320x128xf32, #tpu.memory_space<vmem_shared>>
      tpu.wait_dma2 semaphore(%run_scoped3A_81 : memref<!tpu.dma_semaphore, #tpu.memory_space<semaphore_mem>>) src(%dma_wait3A_90 : memref<320x128xf32, #tpu.memory_space<vmem_shared>>) dst(%dma_wait3A_88 : memref<320x128xf32, #tpu.memory_space<hbm>>)
      tpu.yield
    }) : () -> ()
    return
  }
}

#map = affine_map<(d0, d1) -> (0, 0, 0, 0, 0)>
#map1 = affine_map<(d0, d1) -> (0, 0)>
#map2 = affine_map<(d0, d1) -> (0, 0, 0, 0)>
module attributes {stable_mosaic.version = 14 : i64} {
  func.func @_sc_cnt_body(%arg0: i32, %arg1: i32, %arg2: memref<2x2x16x80x128xi32, #tpu.memory_space<hbm>>, %arg3: memref<128x128xf32, #tpu.memory_space<hbm>>, %arg4: memref<320x128xf32, #tpu.memory_space<hbm>>, %arg5: memref<2x2x5120x128xf32, #tpu.memory_space<hbm>>, %arg6: memref<80x128xi32, #tpu.memory_space<vmem>>, %arg7: memref<128x128xf32, #tpu.memory_space<vmem>>, %arg8: memref<5120x128xf32, #tpu.memory_space<vmem_shared>>) attributes {dimension_semantics = [#tpu.dimension_semantics<core_parallel>, #tpu.dimension_semantics<subcore_parallel>], iteration_bounds = array<i64: 2, 16>, scalar_prefetch = 0 : i64, scratch_operands = 3 : i64, tpu.core_type = #tpu.core_type<sc_vector_subcore>, window_params = [{transform_indices = #map}, {transform_indices = #map1}, {transform_indices = #map1}, {transform_indices = #map2}]} {
    "tpu.region"() ({
      %run_scoped3A_26 = tpu.sem_alloc : memref<!tpu.dma_semaphore, #tpu.memory_space<semaphore_mem>>
      tpu.enqueue_dma source(%arg3 : memref<128x128xf32, #tpu.memory_space<hbm>>) target(%arg7 : memref<128x128xf32, #tpu.memory_space<vmem>>) target_semaphore(%run_scoped3A_26 : memref<!tpu.dma_semaphore, #tpu.memory_space<semaphore_mem>>)
      tpu.wait_dma2 semaphore(%run_scoped3A_26 : memref<!tpu.dma_semaphore, #tpu.memory_space<semaphore_mem>>) src(%arg3 : memref<128x128xf32, #tpu.memory_space<hbm>>) dst(%arg7 : memref<128x128xf32, #tpu.memory_space<vmem>>)
      tpu.yield
    }) : () -> ()
    %mul3A = arith.constant 320 : i32
    %mul3A_0 = arith.muli %arg1, %mul3A : i32
    "tpu.region"() ({
      %run_scoped3A_26 = tpu.sem_alloc : memref<!tpu.dma_semaphore, #tpu.memory_space<semaphore_mem>>
      %dma_start3A = arith.constant 0 : i32
      %dma_start3A_27 = tpu.memref_slice %arg8[%mul3A_0, %dma_start3A] : memref<5120x128xf32, #tpu.memory_space<vmem_shared>> -> memref<320x128xf32, #tpu.memory_space<vmem_shared>>
      tpu.enqueue_dma source(%arg4 : memref<320x128xf32, #tpu.memory_space<hbm>>) target(%dma_start3A_27 : memref<320x128xf32, #tpu.memory_space<vmem_shared>>) target_semaphore(%run_scoped3A_26 : memref<!tpu.dma_semaphore, #tpu.memory_space<semaphore_mem>>)
      %dma_wait3A = arith.constant 0 : i32
      %dma_wait3A_28 = tpu.memref_slice %arg8[%mul3A_0, %dma_wait3A] : memref<5120x128xf32, #tpu.memory_space<vmem_shared>> -> memref<320x128xf32, #tpu.memory_space<vmem_shared>>
      tpu.wait_dma2 semaphore(%run_scoped3A_26 : memref<!tpu.dma_semaphore, #tpu.memory_space<semaphore_mem>>) src(%arg4 : memref<320x128xf32, #tpu.memory_space<hbm>>) dst(%dma_wait3A_28 : memref<320x128xf32, #tpu.memory_space<vmem_shared>>)
      tpu.yield
    }) : () -> ()
    %run_scoped3A = arith.constant 0 : i32
    "tpu.region"() ({
      %run_scoped3A_26 = tpu.sem_alloc : memref<!tpu.dma_semaphore, #tpu.memory_space<semaphore_mem>>
      %dma_start3A = arith.constant 0 : i32
      %dma_start3A_27 = arith.constant 0 : i32
      %dma_start3A_28 = tpu.memref_slice %arg2[%run_scoped3A, %arg0, %arg1, %dma_start3A, %dma_start3A_27] : memref<2x2x16x80x128xi32, #tpu.memory_space<hbm>> -> memref<1x1x1x80x128xi32, #tpu.memory_space<hbm>>
      %dma_start3A_29 = tpu.memref_squeeze %dma_start3A_28 : memref<1x1x1x80x128xi32, #tpu.memory_space<hbm>> -> memref<80x128xi32, #tpu.memory_space<hbm>>
      %dma_start3A_30 = arith.constant 0 : i32
      %dma_start3A_31 = arith.constant 0 : i32
      %dma_start3A_32 = tpu.memref_slice %arg2[%run_scoped3A, %arg0, %arg1, %dma_start3A_30, %dma_start3A_31] : memref<2x2x16x80x128xi32, #tpu.memory_space<hbm>> -> memref<1x1x1x80x128xi32, #tpu.memory_space<hbm>>
      %dma_start3A_33 = tpu.memref_squeeze %dma_start3A_32 : memref<1x1x1x80x128xi32, #tpu.memory_space<hbm>> -> memref<80x128xi32, #tpu.memory_space<hbm>>
      tpu.enqueue_dma source(%dma_start3A_33 : memref<80x128xi32, #tpu.memory_space<hbm>>) target(%arg6 : memref<80x128xi32, #tpu.memory_space<vmem>>) target_semaphore(%run_scoped3A_26 : memref<!tpu.dma_semaphore, #tpu.memory_space<semaphore_mem>>)
      %dma_wait3A = arith.constant 0 : i32
      %dma_wait3A_34 = arith.constant 0 : i32
      %dma_wait3A_35 = tpu.memref_slice %arg2[%run_scoped3A, %arg0, %arg1, %dma_wait3A, %dma_wait3A_34] : memref<2x2x16x80x128xi32, #tpu.memory_space<hbm>> -> memref<1x1x1x80x128xi32, #tpu.memory_space<hbm>>
      %dma_wait3A_36 = tpu.memref_squeeze %dma_wait3A_35 : memref<1x1x1x80x128xi32, #tpu.memory_space<hbm>> -> memref<80x128xi32, #tpu.memory_space<hbm>>
      %dma_wait3A_37 = arith.constant 0 : i32
      %dma_wait3A_38 = arith.constant 0 : i32
      %dma_wait3A_39 = tpu.memref_slice %arg2[%run_scoped3A, %arg0, %arg1, %dma_wait3A_37, %dma_wait3A_38] : memref<2x2x16x80x128xi32, #tpu.memory_space<hbm>> -> memref<1x1x1x80x128xi32, #tpu.memory_space<hbm>>
      %dma_wait3A_40 = tpu.memref_squeeze %dma_wait3A_39 : memref<1x1x1x80x128xi32, #tpu.memory_space<hbm>> -> memref<80x128xi32, #tpu.memory_space<hbm>>
      tpu.wait_dma2 semaphore(%run_scoped3A_26 : memref<!tpu.dma_semaphore, #tpu.memory_space<semaphore_mem>>) src(%dma_wait3A_40 : memref<80x128xi32, #tpu.memory_space<hbm>>) dst(%arg6 : memref<80x128xi32, #tpu.memory_space<vmem>>)
      tpu.yield
    }) : () -> ()
    %barrier3A = arith.constant 0 : index
    tpu.barrier barrier_id(%barrier3A)
    %scan3A = arith.constant 0 : i32
    %scan3A_1 = arith.constant 80 : i32
    %scan3A_2 = arith.addi %scan3A, %scan3A_1 : i32
    %scan3A_3 = arith.constant 1 : i32
    scf.for %scan3A_26 = %scan3A to %scan3A_2 step %scan3A_3  : i32 {
      %mul3A_27 = arith.constant 1 : i32
      %mul3A_28 = arith.muli %scan3A_26, %mul3A_27 : i32
      %add3A = arith.constant 0 : i32
      %add3A_29 = arith.addi %add3A, %mul3A_28 : i32
      "tpu.region"() ({
        %run_scoped3A_30 = tpu.sem_alloc : memref<!tpu.dma_semaphore, #tpu.memory_space<semaphore_mem>>
        %dma_start3A = arith.constant 0 : i32
        %dma_start3A_31 = tpu.memref_slice %arg6[%add3A_29, %dma_start3A] : memref<80x128xi32, #tpu.memory_space<vmem>> -> memref<1x128xi32, #tpu.memory_space<vmem>>
        %dma_start3A_32 = tpu.memref_squeeze %dma_start3A_31 : memref<1x128xi32, #tpu.memory_space<vmem>> -> memref<128xi32, #tpu.memory_space<vmem>>
        %dma_start3A_33 = arith.constant 0 : i32
        %dma_start3A_34 = arith.constant 0 : i32
        %dma_start3A_35 = tpu.memref_slice %arg8[%dma_start3A_33, %dma_start3A_34] : memref<5120x128xf32, #tpu.memory_space<vmem_shared>> -> memref<5120x128xf32, #tpu.memory_space<vmem_shared>>
        tpu.enqueue_indirect_dma source(%arg7 : memref<128x128xf32, #tpu.memory_space<vmem>>) target(%dma_start3A_35 : memref<5120x128xf32, #tpu.memory_space<vmem_shared>>) offsets(%dma_start3A_32 : memref<128xi32, #tpu.memory_space<vmem>>) semaphore(%run_scoped3A_30 : memref<!tpu.dma_semaphore, #tpu.memory_space<semaphore_mem>>) {add = true}
        %dma_wait3A = arith.constant 0 : i32
        %dma_wait3A_36 = tpu.memref_slice %arg6[%add3A_29, %dma_wait3A] : memref<80x128xi32, #tpu.memory_space<vmem>> -> memref<1x128xi32, #tpu.memory_space<vmem>>
        %dma_wait3A_37 = tpu.memref_squeeze %dma_wait3A_36 : memref<1x128xi32, #tpu.memory_space<vmem>> -> memref<128xi32, #tpu.memory_space<vmem>>
        %dma_wait3A_38 = arith.constant 0 : i32
        %dma_wait3A_39 = arith.constant 0 : i32
        %dma_wait3A_40 = tpu.memref_slice %arg8[%dma_wait3A_38, %dma_wait3A_39] : memref<5120x128xf32, #tpu.memory_space<vmem_shared>> -> memref<5120x128xf32, #tpu.memory_space<vmem_shared>>
        tpu.wait_indirect_dma semaphore(%run_scoped3A_30 : memref<!tpu.dma_semaphore, #tpu.memory_space<semaphore_mem>>) src(%arg7 : memref<128x128xf32, #tpu.memory_space<vmem>>) dst(%dma_wait3A_40 : memref<5120x128xf32, #tpu.memory_space<vmem_shared>>)
        tpu.yield
      }) : () -> ()
    }
    %scan3A_4 = arith.constant 80 : i32
    %barrier3A_5 = arith.constant 0 : index
    tpu.barrier barrier_id(%barrier3A_5)
    %mul3A_6 = arith.constant 320 : i32
    %mul3A_7 = arith.muli %arg1, %mul3A_6 : i32
    %mul3A_8 = arith.constant 320 : i32
    %mul3A_9 = arith.muli %arg1, %mul3A_8 : i32
    %run_scoped3A_10 = arith.constant 0 : i32
    "tpu.region"() ({
      %run_scoped3A_26 = tpu.sem_alloc : memref<!tpu.dma_semaphore, #tpu.memory_space<semaphore_mem>>
      %dma_start3A = arith.constant 0 : i32
      %dma_start3A_27 = tpu.memref_slice %arg5[%run_scoped3A_10, %arg0, %mul3A_9, %dma_start3A] : memref<2x2x5120x128xf32, #tpu.memory_space<hbm>> -> memref<1x1x320x128xf32, #tpu.memory_space<hbm>>
      %dma_start3A_28 = tpu.memref_squeeze %dma_start3A_27 : memref<1x1x320x128xf32, #tpu.memory_space<hbm>> -> memref<320x128xf32, #tpu.memory_space<hbm>>
      %dma_start3A_29 = arith.constant 0 : i32
      %dma_start3A_30 = tpu.memref_slice %arg8[%mul3A_7, %dma_start3A_29] : memref<5120x128xf32, #tpu.memory_space<vmem_shared>> -> memref<320x128xf32, #tpu.memory_space<vmem_shared>>
      tpu.enqueue_dma source(%dma_start3A_30 : memref<320x128xf32, #tpu.memory_space<vmem_shared>>) target(%dma_start3A_28 : memref<320x128xf32, #tpu.memory_space<hbm>>) target_semaphore(%run_scoped3A_26 : memref<!tpu.dma_semaphore, #tpu.memory_space<semaphore_mem>>)
      %dma_wait3A = arith.constant 0 : i32
      %dma_wait3A_31 = tpu.memref_slice %arg5[%run_scoped3A_10, %arg0, %mul3A_9, %dma_wait3A] : memref<2x2x5120x128xf32, #tpu.memory_space<hbm>> -> memref<1x1x320x128xf32, #tpu.memory_space<hbm>>
      %dma_wait3A_32 = tpu.memref_squeeze %dma_wait3A_31 : memref<1x1x320x128xf32, #tpu.memory_space<hbm>> -> memref<320x128xf32, #tpu.memory_space<hbm>>
      %dma_wait3A_33 = arith.constant 0 : i32
      %dma_wait3A_34 = tpu.memref_slice %arg8[%mul3A_7, %dma_wait3A_33] : memref<5120x128xf32, #tpu.memory_space<vmem_shared>> -> memref<320x128xf32, #tpu.memory_space<vmem_shared>>
      tpu.wait_dma2 semaphore(%run_scoped3A_26 : memref<!tpu.dma_semaphore, #tpu.memory_space<semaphore_mem>>) src(%dma_wait3A_34 : memref<320x128xf32, #tpu.memory_space<vmem_shared>>) dst(%dma_wait3A_32 : memref<320x128xf32, #tpu.memory_space<hbm>>)
      tpu.yield
    }) : () -> ()
    %mul3A_11 = arith.constant 320 : i32
    %mul3A_12 = arith.muli %arg1, %mul3A_11 : i32
    "tpu.region"() ({
      %run_scoped3A_26 = tpu.sem_alloc : memref<!tpu.dma_semaphore, #tpu.memory_space<semaphore_mem>>
      %dma_start3A = arith.constant 0 : i32
      %dma_start3A_27 = tpu.memref_slice %arg8[%mul3A_12, %dma_start3A] : memref<5120x128xf32, #tpu.memory_space<vmem_shared>> -> memref<320x128xf32, #tpu.memory_space<vmem_shared>>
      tpu.enqueue_dma source(%arg4 : memref<320x128xf32, #tpu.memory_space<hbm>>) target(%dma_start3A_27 : memref<320x128xf32, #tpu.memory_space<vmem_shared>>) target_semaphore(%run_scoped3A_26 : memref<!tpu.dma_semaphore, #tpu.memory_space<semaphore_mem>>)
      %dma_wait3A = arith.constant 0 : i32
      %dma_wait3A_28 = tpu.memref_slice %arg8[%mul3A_12, %dma_wait3A] : memref<5120x128xf32, #tpu.memory_space<vmem_shared>> -> memref<320x128xf32, #tpu.memory_space<vmem_shared>>
      tpu.wait_dma2 semaphore(%run_scoped3A_26 : memref<!tpu.dma_semaphore, #tpu.memory_space<semaphore_mem>>) src(%arg4 : memref<320x128xf32, #tpu.memory_space<hbm>>) dst(%dma_wait3A_28 : memref<320x128xf32, #tpu.memory_space<vmem_shared>>)
      tpu.yield
    }) : () -> ()
    %run_scoped3A_13 = arith.constant 1 : i32
    "tpu.region"() ({
      %run_scoped3A_26 = tpu.sem_alloc : memref<!tpu.dma_semaphore, #tpu.memory_space<semaphore_mem>>
      %dma_start3A = arith.constant 0 : i32
      %dma_start3A_27 = arith.constant 0 : i32
      %dma_start3A_28 = tpu.memref_slice %arg2[%run_scoped3A_13, %arg0, %arg1, %dma_start3A, %dma_start3A_27] : memref<2x2x16x80x128xi32, #tpu.memory_space<hbm>> -> memref<1x1x1x80x128xi32, #tpu.memory_space<hbm>>
      %dma_start3A_29 = tpu.memref_squeeze %dma_start3A_28 : memref<1x1x1x80x128xi32, #tpu.memory_space<hbm>> -> memref<80x128xi32, #tpu.memory_space<hbm>>
      %dma_start3A_30 = arith.constant 0 : i32
      %dma_start3A_31 = arith.constant 0 : i32
      %dma_start3A_32 = tpu.memref_slice %arg2[%run_scoped3A_13, %arg0, %arg1, %dma_start3A_30, %dma_start3A_31] : memref<2x2x16x80x128xi32, #tpu.memory_space<hbm>> -> memref<1x1x1x80x128xi32, #tpu.memory_space<hbm>>
      %dma_start3A_33 = tpu.memref_squeeze %dma_start3A_32 : memref<1x1x1x80x128xi32, #tpu.memory_space<hbm>> -> memref<80x128xi32, #tpu.memory_space<hbm>>
      tpu.enqueue_dma source(%dma_start3A_33 : memref<80x128xi32, #tpu.memory_space<hbm>>) target(%arg6 : memref<80x128xi32, #tpu.memory_space<vmem>>) target_semaphore(%run_scoped3A_26 : memref<!tpu.dma_semaphore, #tpu.memory_space<semaphore_mem>>)
      %dma_wait3A = arith.constant 0 : i32
      %dma_wait3A_34 = arith.constant 0 : i32
      %dma_wait3A_35 = tpu.memref_slice %arg2[%run_scoped3A_13, %arg0, %arg1, %dma_wait3A, %dma_wait3A_34] : memref<2x2x16x80x128xi32, #tpu.memory_space<hbm>> -> memref<1x1x1x80x128xi32, #tpu.memory_space<hbm>>
      %dma_wait3A_36 = tpu.memref_squeeze %dma_wait3A_35 : memref<1x1x1x80x128xi32, #tpu.memory_space<hbm>> -> memref<80x128xi32, #tpu.memory_space<hbm>>
      %dma_wait3A_37 = arith.constant 0 : i32
      %dma_wait3A_38 = arith.constant 0 : i32
      %dma_wait3A_39 = tpu.memref_slice %arg2[%run_scoped3A_13, %arg0, %arg1, %dma_wait3A_37, %dma_wait3A_38] : memref<2x2x16x80x128xi32, #tpu.memory_space<hbm>> -> memref<1x1x1x80x128xi32, #tpu.memory_space<hbm>>
      %dma_wait3A_40 = tpu.memref_squeeze %dma_wait3A_39 : memref<1x1x1x80x128xi32, #tpu.memory_space<hbm>> -> memref<80x128xi32, #tpu.memory_space<hbm>>
      tpu.wait_dma2 semaphore(%run_scoped3A_26 : memref<!tpu.dma_semaphore, #tpu.memory_space<semaphore_mem>>) src(%dma_wait3A_40 : memref<80x128xi32, #tpu.memory_space<hbm>>) dst(%arg6 : memref<80x128xi32, #tpu.memory_space<vmem>>)
      tpu.yield
    }) : () -> ()
    %barrier3A_14 = arith.constant 0 : index
    tpu.barrier barrier_id(%barrier3A_14)
    %scan3A_15 = arith.constant 0 : i32
    %scan3A_16 = arith.constant 80 : i32
    %scan3A_17 = arith.addi %scan3A_15, %scan3A_16 : i32
    %scan3A_18 = arith.constant 1 : i32
    scf.for %scan3A_26 = %scan3A_15 to %scan3A_17 step %scan3A_18  : i32 {
      %mul3A_27 = arith.constant 1 : i32
      %mul3A_28 = arith.muli %scan3A_26, %mul3A_27 : i32
      %add3A = arith.constant 0 : i32
      %add3A_29 = arith.addi %add3A, %mul3A_28 : i32
      "tpu.region"() ({
        %run_scoped3A_30 = tpu.sem_alloc : memref<!tpu.dma_semaphore, #tpu.memory_space<semaphore_mem>>
        %dma_start3A = arith.constant 0 : i32
        %dma_start3A_31 = tpu.memref_slice %arg6[%add3A_29, %dma_start3A] : memref<80x128xi32, #tpu.memory_space<vmem>> -> memref<1x128xi32, #tpu.memory_space<vmem>>
        %dma_start3A_32 = tpu.memref_squeeze %dma_start3A_31 : memref<1x128xi32, #tpu.memory_space<vmem>> -> memref<128xi32, #tpu.memory_space<vmem>>
        %dma_start3A_33 = arith.constant 0 : i32
        %dma_start3A_34 = arith.constant 0 : i32
        %dma_start3A_35 = tpu.memref_slice %arg8[%dma_start3A_33, %dma_start3A_34] : memref<5120x128xf32, #tpu.memory_space<vmem_shared>> -> memref<5120x128xf32, #tpu.memory_space<vmem_shared>>
        tpu.enqueue_indirect_dma source(%arg7 : memref<128x128xf32, #tpu.memory_space<vmem>>) target(%dma_start3A_35 : memref<5120x128xf32, #tpu.memory_space<vmem_shared>>) offsets(%dma_start3A_32 : memref<128xi32, #tpu.memory_space<vmem>>) semaphore(%run_scoped3A_30 : memref<!tpu.dma_semaphore, #tpu.memory_space<semaphore_mem>>) {add = true}
        %dma_wait3A = arith.constant 0 : i32
        %dma_wait3A_36 = tpu.memref_slice %arg6[%add3A_29, %dma_wait3A] : memref<80x128xi32, #tpu.memory_space<vmem>> -> memref<1x128xi32, #tpu.memory_space<vmem>>
        %dma_wait3A_37 = tpu.memref_squeeze %dma_wait3A_36 : memref<1x128xi32, #tpu.memory_space<vmem>> -> memref<128xi32, #tpu.memory_space<vmem>>
        %dma_wait3A_38 = arith.constant 0 : i32
        %dma_wait3A_39 = arith.constant 0 : i32
        %dma_wait3A_40 = tpu.memref_slice %arg8[%dma_wait3A_38, %dma_wait3A_39] : memref<5120x128xf32, #tpu.memory_space<vmem_shared>> -> memref<5120x128xf32, #tpu.memory_space<vmem_shared>>
        tpu.wait_indirect_dma semaphore(%run_scoped3A_30 : memref<!tpu.dma_semaphore, #tpu.memory_space<semaphore_mem>>) src(%arg7 : memref<128x128xf32, #tpu.memory_space<vmem>>) dst(%dma_wait3A_40 : memref<5120x128xf32, #tpu.memory_space<vmem_shared>>)
        tpu.yield
      }) : () -> ()
    }
    %scan3A_19 = arith.constant 80 : i32
    %barrier3A_20 = arith.constant 0 : index
    tpu.barrier barrier_id(%barrier3A_20)
    %mul3A_21 = arith.constant 320 : i32
    %mul3A_22 = arith.muli %arg1, %mul3A_21 : i32
    %mul3A_23 = arith.constant 320 : i32
    %mul3A_24 = arith.muli %arg1, %mul3A_23 : i32
    %run_scoped3A_25 = arith.constant 1 : i32
    "tpu.region"() ({
      %run_scoped3A_26 = tpu.sem_alloc : memref<!tpu.dma_semaphore, #tpu.memory_space<semaphore_mem>>
      %dma_start3A = arith.constant 0 : i32
      %dma_start3A_27 = tpu.memref_slice %arg5[%run_scoped3A_25, %arg0, %mul3A_24, %dma_start3A] : memref<2x2x5120x128xf32, #tpu.memory_space<hbm>> -> memref<1x1x320x128xf32, #tpu.memory_space<hbm>>
      %dma_start3A_28 = tpu.memref_squeeze %dma_start3A_27 : memref<1x1x320x128xf32, #tpu.memory_space<hbm>> -> memref<320x128xf32, #tpu.memory_space<hbm>>
      %dma_start3A_29 = arith.constant 0 : i32
      %dma_start3A_30 = tpu.memref_slice %arg8[%mul3A_22, %dma_start3A_29] : memref<5120x128xf32, #tpu.memory_space<vmem_shared>> -> memref<320x128xf32, #tpu.memory_space<vmem_shared>>
      tpu.enqueue_dma source(%dma_start3A_30 : memref<320x128xf32, #tpu.memory_space<vmem_shared>>) target(%dma_start3A_28 : memref<320x128xf32, #tpu.memory_space<hbm>>) target_semaphore(%run_scoped3A_26 : memref<!tpu.dma_semaphore, #tpu.memory_space<semaphore_mem>>)
      %dma_wait3A = arith.constant 0 : i32
      %dma_wait3A_31 = tpu.memref_slice %arg5[%run_scoped3A_25, %arg0, %mul3A_24, %dma_wait3A] : memref<2x2x5120x128xf32, #tpu.memory_space<hbm>> -> memref<1x1x320x128xf32, #tpu.memory_space<hbm>>
      %dma_wait3A_32 = tpu.memref_squeeze %dma_wait3A_31 : memref<1x1x320x128xf32, #tpu.memory_space<hbm>> -> memref<320x128xf32, #tpu.memory_space<hbm>>
      %dma_wait3A_33 = arith.constant 0 : i32
      %dma_wait3A_34 = tpu.memref_slice %arg8[%mul3A_22, %dma_wait3A_33] : memref<5120x128xf32, #tpu.memory_space<vmem_shared>> -> memref<320x128xf32, #tpu.memory_space<vmem_shared>>
      tpu.wait_dma2 semaphore(%run_scoped3A_26 : memref<!tpu.dma_semaphore, #tpu.memory_space<semaphore_mem>>) src(%dma_wait3A_34 : memref<320x128xf32, #tpu.memory_space<vmem_shared>>) dst(%dma_wait3A_32 : memref<320x128xf32, #tpu.memory_space<hbm>>)
      tpu.yield
    }) : () -> ()
    return
  }
}

#map = affine_map<(d0, d1) -> (0, 0)>
#map1 = affine_map<(d0, d1) -> (0, 0, 0, 0)>
module attributes {stable_mosaic.version = 14 : i64} {
  func.func @_sc_feat_body(%arg0: i32, %arg1: i32, %arg2: memref<20000x128xf32, #tpu.memory_space<hbm>>, %arg3: memref<2x16x80x128xi32, #tpu.memory_space<hbm>>, %arg4: memref<2x16x80x128xi32, #tpu.memory_space<hbm>>, %arg5: memref<320x128xf32, #tpu.memory_space<hbm>>, %arg6: memref<8x16xf32, #tpu.memory_space<hbm>>, %arg7: memref<2x2x5120x128xf32, #tpu.memory_space<hbm>>, %arg8: memref<80x128xi32, #tpu.memory_space<vmem>>, %arg9: memref<80x128xi32, #tpu.memory_space<vmem>>, %arg10: memref<128x128xf32, #tpu.memory_space<vmem>>, %arg11: memref<128x128xf32, #tpu.memory_space<vmem>>, %arg12: memref<128x128xf32, #tpu.memory_space<vmem>>, %arg13: memref<128x128xf32, #tpu.memory_space<vmem>>, %arg14: memref<5120x128xf32, #tpu.memory_space<vmem_shared>>, %arg15: memref<!tpu.dma_semaphore, #tpu.memory_space<semaphore_mem>>, %arg16: memref<!tpu.dma_semaphore, #tpu.memory_space<semaphore_mem>>, %arg17: memref<!tpu.dma_semaphore, #tpu.memory_space<semaphore_mem>>, %arg18: memref<!tpu.dma_semaphore, #tpu.memory_space<semaphore_mem>>) attributes {dimension_semantics = [#tpu.dimension_semantics<core_parallel>, #tpu.dimension_semantics<subcore_parallel>], iteration_bounds = array<i64: 2, 16>, scalar_prefetch = 0 : i64, scratch_operands = 11 : i64, tpu.core_type = #tpu.core_type<sc_vector_subcore>, window_params = [{transform_indices = #map}, {transform_indices = #map1}, {transform_indices = #map1}, {transform_indices = #map}, {transform_indices = #map}, {transform_indices = #map1}]} {
    "tpu.region"() ({
      %run_scoped3A_81 = tpu.sem_alloc : memref<!tpu.dma_semaphore, #tpu.memory_space<semaphore_mem>>
      %dma_start3A_82 = arith.constant 0 : i32
      %dma_start3A_83 = arith.constant 0 : i32
      %dma_start3A_84 = tpu.memref_slice %arg4[%arg0, %arg1, %dma_start3A_82, %dma_start3A_83] : memref<2x16x80x128xi32, #tpu.memory_space<hbm>> -> memref<1x1x80x128xi32, #tpu.memory_space<hbm>>
      %dma_start3A_85 = tpu.memref_squeeze %dma_start3A_84 : memref<1x1x80x128xi32, #tpu.memory_space<hbm>> -> memref<80x128xi32, #tpu.memory_space<hbm>>
      %dma_start3A_86 = arith.constant 0 : i32
      %dma_start3A_87 = arith.constant 0 : i32
      %dma_start3A_88 = tpu.memref_slice %arg4[%arg0, %arg1, %dma_start3A_86, %dma_start3A_87] : memref<2x16x80x128xi32, #tpu.memory_space<hbm>> -> memref<1x1x80x128xi32, #tpu.memory_space<hbm>>
      %dma_start3A_89 = tpu.memref_squeeze %dma_start3A_88 : memref<1x1x80x128xi32, #tpu.memory_space<hbm>> -> memref<80x128xi32, #tpu.memory_space<hbm>>
      tpu.enqueue_dma source(%dma_start3A_89 : memref<80x128xi32, #tpu.memory_space<hbm>>) target(%arg9 : memref<80x128xi32, #tpu.memory_space<vmem>>) target_semaphore(%run_scoped3A_81 : memref<!tpu.dma_semaphore, #tpu.memory_space<semaphore_mem>>)
      %dma_wait3A = arith.constant 0 : i32
      %dma_wait3A_90 = arith.constant 0 : i32
      %dma_wait3A_91 = tpu.memref_slice %arg4[%arg0, %arg1, %dma_wait3A, %dma_wait3A_90] : memref<2x16x80x128xi32, #tpu.memory_space<hbm>> -> memref<1x1x80x128xi32, #tpu.memory_space<hbm>>
      %dma_wait3A_92 = tpu.memref_squeeze %dma_wait3A_91 : memref<1x1x80x128xi32, #tpu.memory_space<hbm>> -> memref<80x128xi32, #tpu.memory_space<hbm>>
      %dma_wait3A_93 = arith.constant 0 : i32
      %dma_wait3A_94 = arith.constant 0 : i32
      %dma_wait3A_95 = tpu.memref_slice %arg4[%arg0, %arg1, %dma_wait3A_93, %dma_wait3A_94] : memref<2x16x80x128xi32, #tpu.memory_space<hbm>> -> memref<1x1x80x128xi32, #tpu.memory_space<hbm>>
      %dma_wait3A_96 = tpu.memref_squeeze %dma_wait3A_95 : memref<1x1x80x128xi32, #tpu.memory_space<hbm>> -> memref<80x128xi32, #tpu.memory_space<hbm>>
      tpu.wait_dma2 semaphore(%run_scoped3A_81 : memref<!tpu.dma_semaphore, #tpu.memory_space<semaphore_mem>>) src(%dma_wait3A_96 : memref<80x128xi32, #tpu.memory_space<hbm>>) dst(%arg9 : memref<80x128xi32, #tpu.memory_space<vmem>>)
      tpu.yield
    }) : () -> ()
    %mul3A = arith.constant 320 : i32
    %mul3A_0 = arith.muli %arg1, %mul3A : i32
    "tpu.region"() ({
      %run_scoped3A_81 = tpu.sem_alloc : memref<!tpu.dma_semaphore, #tpu.memory_space<semaphore_mem>>
      %dma_start3A_82 = arith.constant 0 : i32
      %dma_start3A_83 = tpu.memref_slice %arg14[%mul3A_0, %dma_start3A_82] : memref<5120x128xf32, #tpu.memory_space<vmem_shared>> -> memref<320x128xf32, #tpu.memory_space<vmem_shared>>
      tpu.enqueue_dma source(%arg5 : memref<320x128xf32, #tpu.memory_space<hbm>>) target(%dma_start3A_83 : memref<320x128xf32, #tpu.memory_space<vmem_shared>>) target_semaphore(%run_scoped3A_81 : memref<!tpu.dma_semaphore, #tpu.memory_space<semaphore_mem>>)
      %dma_wait3A = arith.constant 0 : i32
      %dma_wait3A_84 = tpu.memref_slice %arg14[%mul3A_0, %dma_wait3A] : memref<5120x128xf32, #tpu.memory_space<vmem_shared>> -> memref<320x128xf32, #tpu.memory_space<vmem_shared>>
      tpu.wait_dma2 semaphore(%run_scoped3A_81 : memref<!tpu.dma_semaphore, #tpu.memory_space<semaphore_mem>>) src(%arg5 : memref<320x128xf32, #tpu.memory_space<hbm>>) dst(%dma_wait3A_84 : memref<320x128xf32, #tpu.memory_space<vmem_shared>>)
      tpu.yield
    }) : () -> ()
    %run_scoped3A = arith.constant 0 : i32
    "tpu.region"() ({
      %run_scoped3A_81 = tpu.sem_alloc : memref<!tpu.dma_semaphore, #tpu.memory_space<semaphore_mem>>
      %dma_start3A_82 = arith.constant 0 : i32
      %dma_start3A_83 = arith.constant 0 : i32
      %dma_start3A_84 = tpu.memref_slice %arg3[%run_scoped3A, %arg1, %dma_start3A_82, %dma_start3A_83] : memref<2x16x80x128xi32, #tpu.memory_space<hbm>> -> memref<1x1x80x128xi32, #tpu.memory_space<hbm>>
      %dma_start3A_85 = tpu.memref_squeeze %dma_start3A_84 : memref<1x1x80x128xi32, #tpu.memory_space<hbm>> -> memref<80x128xi32, #tpu.memory_space<hbm>>
      %dma_start3A_86 = arith.constant 0 : i32
      %dma_start3A_87 = arith.constant 0 : i32
      %dma_start3A_88 = tpu.memref_slice %arg3[%run_scoped3A, %arg1, %dma_start3A_86, %dma_start3A_87] : memref<2x16x80x128xi32, #tpu.memory_space<hbm>> -> memref<1x1x80x128xi32, #tpu.memory_space<hbm>>
      %dma_start3A_89 = tpu.memref_squeeze %dma_start3A_88 : memref<1x1x80x128xi32, #tpu.memory_space<hbm>> -> memref<80x128xi32, #tpu.memory_space<hbm>>
      tpu.enqueue_dma source(%dma_start3A_89 : memref<80x128xi32, #tpu.memory_space<hbm>>) target(%arg8 : memref<80x128xi32, #tpu.memory_space<vmem>>) target_semaphore(%run_scoped3A_81 : memref<!tpu.dma_semaphore, #tpu.memory_space<semaphore_mem>>)
      %dma_wait3A = arith.constant 0 : i32
      %dma_wait3A_90 = arith.constant 0 : i32
      %dma_wait3A_91 = tpu.memref_slice %arg3[%run_scoped3A, %arg1, %dma_wait3A, %dma_wait3A_90] : memref<2x16x80x128xi32, #tpu.memory_space<hbm>> -> memref<1x1x80x128xi32, #tpu.memory_space<hbm>>
      %dma_wait3A_92 = tpu.memref_squeeze %dma_wait3A_91 : memref<1x1x80x128xi32, #tpu.memory_space<hbm>> -> memref<80x128xi32, #tpu.memory_space<hbm>>
      %dma_wait3A_93 = arith.constant 0 : i32
      %dma_wait3A_94 = arith.constant 0 : i32
      %dma_wait3A_95 = tpu.memref_slice %arg3[%run_scoped3A, %arg1, %dma_wait3A_93, %dma_wait3A_94] : memref<2x16x80x128xi32, #tpu.memory_space<hbm>> -> memref<1x1x80x128xi32, #tpu.memory_space<hbm>>
      %dma_wait3A_96 = tpu.memref_squeeze %dma_wait3A_95 : memref<1x1x80x128xi32, #tpu.memory_space<hbm>> -> memref<80x128xi32, #tpu.memory_space<hbm>>
      tpu.wait_dma2 semaphore(%run_scoped3A_81 : memref<!tpu.dma_semaphore, #tpu.memory_space<semaphore_mem>>) src(%dma_wait3A_96 : memref<80x128xi32, #tpu.memory_space<hbm>>) dst(%arg8 : memref<80x128xi32, #tpu.memory_space<vmem>>)
      tpu.yield
    }) : () -> ()
    %barrier3A = arith.constant 0 : index
    tpu.barrier barrier_id(%barrier3A)
    %dma_start3A = arith.constant 0 : i32
    %dma_start3A_1 = arith.constant 0 : i32
    %dma_start3A_2 = tpu.memref_slice %arg8[%dma_start3A, %dma_start3A_1] : memref<80x128xi32, #tpu.memory_space<vmem>> -> memref<1x128xi32, #tpu.memory_space<vmem>>
    %dma_start3A_3 = tpu.memref_squeeze %dma_start3A_2 : memref<1x128xi32, #tpu.memory_space<vmem>> -> memref<128xi32, #tpu.memory_space<vmem>>
    %dma_start3A_4 = arith.constant 0 : i32
    %dma_start3A_5 = arith.constant 0 : i32
    %dma_start3A_6 = tpu.memref_slice %arg2[%dma_start3A_4, %dma_start3A_5] : memref<20000x128xf32, #tpu.memory_space<hbm>> -> memref<20000x128xf32, #tpu.memory_space<hbm>>
    tpu.enqueue_indirect_dma source(%dma_start3A_6 : memref<20000x128xf32, #tpu.memory_space<hbm>>) target(%arg10 : memref<128x128xf32, #tpu.memory_space<vmem>>) offsets(%dma_start3A_3 : memref<128xi32, #tpu.memory_space<vmem>>) semaphore(%arg15 : memref<!tpu.dma_semaphore, #tpu.memory_space<semaphore_mem>>)
    %dma_start3A_7 = arith.constant 1 : i32
    %dma_start3A_8 = arith.constant 0 : i32
    %dma_start3A_9 = tpu.memref_slice %arg8[%dma_start3A_7, %dma_start3A_8] : memref<80x128xi32, #tpu.memory_space<vmem>> -> memref<1x128xi32, #tpu.memory_space<vmem>>
    %dma_start3A_10 = tpu.memref_squeeze %dma_start3A_9 : memref<1x128xi32, #tpu.memory_space<vmem>> -> memref<128xi32, #tpu.memory_space<vmem>>
    %dma_start3A_11 = arith.constant 0 : i32
    %dma_start3A_12 = arith.constant 0 : i32
    %dma_start3A_13 = tpu.memref_slice %arg2[%dma_start3A_11, %dma_start3A_12] : memref<20000x128xf32, #tpu.memory_space<hbm>> -> memref<20000x128xf32, #tpu.memory_space<hbm>>
    tpu.enqueue_indirect_dma source(%dma_start3A_13 : memref<20000x128xf32, #tpu.memory_space<hbm>>) target(%arg11 : memref<128x128xf32, #tpu.memory_space<vmem>>) offsets(%dma_start3A_10 : memref<128xi32, #tpu.memory_space<vmem>>) semaphore(%arg16 : memref<!tpu.dma_semaphore, #tpu.memory_space<semaphore_mem>>)
    %dma_start3A_14 = arith.constant 2 : i32
    %dma_start3A_15 = arith.constant 0 : i32
    %dma_start3A_16 = tpu.memref_slice %arg8[%dma_start3A_14, %dma_start3A_15] : memref<80x128xi32, #tpu.memory_space<vmem>> -> memref<1x128xi32, #tpu.memory_space<vmem>>
    %dma_start3A_17 = tpu.memref_squeeze %dma_start3A_16 : memref<1x128xi32, #tpu.memory_space<vmem>> -> memref<128xi32, #tpu.memory_space<vmem>>
    %dma_start3A_18 = arith.constant 0 : i32
    %dma_start3A_19 = arith.constant 0 : i32
    %dma_start3A_20 = tpu.memref_slice %arg2[%dma_start3A_18, %dma_start3A_19] : memref<20000x128xf32, #tpu.memory_space<hbm>> -> memref<20000x128xf32, #tpu.memory_space<hbm>>
    tpu.enqueue_indirect_dma source(%dma_start3A_20 : memref<20000x128xf32, #tpu.memory_space<hbm>>) target(%arg12 : memref<128x128xf32, #tpu.memory_space<vmem>>) offsets(%dma_start3A_17 : memref<128xi32, #tpu.memory_space<vmem>>) semaphore(%arg17 : memref<!tpu.dma_semaphore, #tpu.memory_space<semaphore_mem>>)
    %dma_start3A_21 = arith.constant 3 : i32
    %dma_start3A_22 = arith.constant 0 : i32
    %dma_start3A_23 = tpu.memref_slice %arg8[%dma_start3A_21, %dma_start3A_22] : memref<80x128xi32, #tpu.memory_space<vmem>> -> memref<1x128xi32, #tpu.memory_space<vmem>>
    %dma_start3A_24 = tpu.memref_squeeze %dma_start3A_23 : memref<1x128xi32, #tpu.memory_space<vmem>> -> memref<128xi32, #tpu.memory_space<vmem>>
    %dma_start3A_25 = arith.constant 0 : i32
    %dma_start3A_26 = arith.constant 0 : i32
    %dma_start3A_27 = tpu.memref_slice %arg2[%dma_start3A_25, %dma_start3A_26] : memref<20000x128xf32, #tpu.memory_space<hbm>> -> memref<20000x128xf32, #tpu.memory_space<hbm>>
    tpu.enqueue_indirect_dma source(%dma_start3A_27 : memref<20000x128xf32, #tpu.memory_space<hbm>>) target(%arg13 : memref<128x128xf32, #tpu.memory_space<vmem>>) offsets(%dma_start3A_24 : memref<128xi32, #tpu.memory_space<vmem>>) semaphore(%arg18 : memref<!tpu.dma_semaphore, #tpu.memory_space<semaphore_mem>>)
    %scan3A = arith.constant 0 : i32
    %scan3A_28 = arith.constant 20 : i32
    %scan3A_29 = arith.addi %scan3A, %scan3A_28 : i32
    %scan3A_30 = arith.constant 1 : i32
    scf.for %scan3A_81 = %scan3A to %scan3A_29 step %scan3A_30  : i32 {
      %mul3A_82 = arith.constant 4 : i32
      %mul3A_83 = arith.muli %scan3A_81, %mul3A_82 : i32
      %add3A = arith.constant 0 : i32
      %add3A_84 = arith.addi %add3A, %mul3A_83 : i32
      %add3A_85 = arith.constant 0 : i32
      %add3A_86 = arith.addi %add3A_84, %add3A_85 : i32
      %dma_wait3A = arith.constant 0 : i32
      %dma_wait3A_87 = tpu.memref_slice %arg8[%add3A_86, %dma_wait3A] : memref<80x128xi32, #tpu.memory_space<vmem>> -> memref<1x128xi32, #tpu.memory_space<vmem>>
      %dma_wait3A_88 = tpu.memref_squeeze %dma_wait3A_87 : memref<1x128xi32, #tpu.memory_space<vmem>> -> memref<128xi32, #tpu.memory_space<vmem>>
      %dma_wait3A_89 = arith.constant 0 : i32
      %dma_wait3A_90 = arith.constant 0 : i32
      %dma_wait3A_91 = tpu.memref_slice %arg2[%dma_wait3A_89, %dma_wait3A_90] : memref<20000x128xf32, #tpu.memory_space<hbm>> -> memref<20000x128xf32, #tpu.memory_space<hbm>>
      tpu.wait_indirect_dma semaphore(%arg15 : memref<!tpu.dma_semaphore, #tpu.memory_space<semaphore_mem>>) src(%dma_wait3A_91 : memref<20000x128xf32, #tpu.memory_space<hbm>>) dst(%arg10 : memref<128x128xf32, #tpu.memory_space<vmem>>)
      "tpu.region"() ({
        %run_scoped3A_149 = tpu.sem_alloc : memref<!tpu.dma_semaphore, #tpu.memory_space<semaphore_mem>>
        %dma_start3A_150 = arith.constant 0 : i32
        %dma_start3A_151 = tpu.memref_slice %arg9[%add3A_86, %dma_start3A_150] : memref<80x128xi32, #tpu.memory_space<vmem>> -> memref<1x128xi32, #tpu.memory_space<vmem>>
        %dma_start3A_152 = tpu.memref_squeeze %dma_start3A_151 : memref<1x128xi32, #tpu.memory_space<vmem>> -> memref<128xi32, #tpu.memory_space<vmem>>
        %dma_start3A_153 = arith.constant 0 : i32
        %dma_start3A_154 = arith.constant 0 : i32
        %dma_start3A_155 = tpu.memref_slice %arg14[%dma_start3A_153, %dma_start3A_154] : memref<5120x128xf32, #tpu.memory_space<vmem_shared>> -> memref<5120x128xf32, #tpu.memory_space<vmem_shared>>
        tpu.enqueue_indirect_dma source(%arg10 : memref<128x128xf32, #tpu.memory_space<vmem>>) target(%dma_start3A_155 : memref<5120x128xf32, #tpu.memory_space<vmem_shared>>) offsets(%dma_start3A_152 : memref<128xi32, #tpu.memory_space<vmem>>) semaphore(%run_scoped3A_149 : memref<!tpu.dma_semaphore, #tpu.memory_space<semaphore_mem>>) {add = true}
        %dma_wait3A_156 = arith.constant 0 : i32
        %dma_wait3A_157 = tpu.memref_slice %arg9[%add3A_86, %dma_wait3A_156] : memref<80x128xi32, #tpu.memory_space<vmem>> -> memref<1x128xi32, #tpu.memory_space<vmem>>
        %dma_wait3A_158 = tpu.memref_squeeze %dma_wait3A_157 : memref<1x128xi32, #tpu.memory_space<vmem>> -> memref<128xi32, #tpu.memory_space<vmem>>
        %dma_wait3A_159 = arith.constant 0 : i32
        %dma_wait3A_160 = arith.constant 0 : i32
        %dma_wait3A_161 = tpu.memref_slice %arg14[%dma_wait3A_159, %dma_wait3A_160] : memref<5120x128xf32, #tpu.memory_space<vmem_shared>> -> memref<5120x128xf32, #tpu.memory_space<vmem_shared>>
        tpu.wait_indirect_dma semaphore(%run_scoped3A_149 : memref<!tpu.dma_semaphore, #tpu.memory_space<semaphore_mem>>) src(%arg10 : memref<128x128xf32, #tpu.memory_space<vmem>>) dst(%dma_wait3A_161 : memref<5120x128xf32, #tpu.memory_space<vmem_shared>>)
        tpu.yield
      }) : () -> ()
      %add3A_92 = arith.constant 0 : i32
      %add3A_93 = arith.addi %add3A_84, %add3A_92 : i32
      %add3A_94 = arith.constant 4 : i32
      %add3A_95 = arith.addi %add3A_93, %add3A_94 : i32
      %lt3A = arith.constant 80 : i32
      %lt3A_96 = arith.cmpi slt, %add3A_95, %lt3A : i32
      %convert_element_type3A = arith.extui %lt3A_96 : i1 to i32
      %cond3A = arith.constant 0 : i32
      %cond3A_97 = arith.cmpi ne, %convert_element_type3A, %cond3A : i32
      scf.if %cond3A_97 {
        %add3A_149 = arith.constant 0 : i32
        %add3A_150 = arith.addi %add3A_84, %add3A_149 : i32
        %add3A_151 = arith.constant 4 : i32
        %add3A_152 = arith.addi %add3A_150, %add3A_151 : i32
        %dma_start3A_153 = arith.constant 0 : i32
        %dma_start3A_154 = tpu.memref_slice %arg8[%add3A_152, %dma_start3A_153] : memref<80x128xi32, #tpu.memory_space<vmem>> -> memref<1x128xi32, #tpu.memory_space<vmem>>
        %dma_start3A_155 = tpu.memref_squeeze %dma_start3A_154 : memref<1x128xi32, #tpu.memory_space<vmem>> -> memref<128xi32, #tpu.memory_space<vmem>>
        %dma_start3A_156 = arith.constant 0 : i32
        %dma_start3A_157 = arith.constant 0 : i32
        %dma_start3A_158 = tpu.memref_slice %arg2[%dma_start3A_156, %dma_start3A_157] : memref<20000x128xf32, #tpu.memory_space<hbm>> -> memref<20000x128xf32, #tpu.memory_space<hbm>>
        tpu.enqueue_indirect_dma source(%dma_start3A_158 : memref<20000x128xf32, #tpu.memory_space<hbm>>) target(%arg10 : memref<128x128xf32, #tpu.memory_space<vmem>>) offsets(%dma_start3A_155 : memref<128xi32, #tpu.memory_space<vmem>>) semaphore(%arg15 : memref<!tpu.dma_semaphore, #tpu.memory_space<semaphore_mem>>)
      } else {
      }
      %add3A_98 = arith.constant 1 : i32
      %add3A_99 = arith.addi %add3A_84, %add3A_98 : i32
      %dma_wait3A_100 = arith.constant 0 : i32
      %dma_wait3A_101 = tpu.memref_slice %arg8[%add3A_99, %dma_wait3A_100] : memref<80x128xi32, #tpu.memory_space<vmem>> -> memref<1x128xi32, #tpu.memory_space<vmem>>
      %dma_wait3A_102 = tpu.memref_squeeze %dma_wait3A_101 : memref<1x128xi32, #tpu.memory_space<vmem>> -> memref<128xi32, #tpu.memory_space<vmem>>
      %dma_wait3A_103 = arith.constant 0 : i32
      %dma_wait3A_104 = arith.constant 0 : i32
      %dma_wait3A_105 = tpu.memref_slice %arg2[%dma_wait3A_103, %dma_wait3A_104] : memref<20000x128xf32, #tpu.memory_space<hbm>> -> memref<20000x128xf32, #tpu.memory_space<hbm>>
      tpu.wait_indirect_dma semaphore(%arg16 : memref<!tpu.dma_semaphore, #tpu.memory_space<semaphore_mem>>) src(%dma_wait3A_105 : memref<20000x128xf32, #tpu.memory_space<hbm>>) dst(%arg11 : memref<128x128xf32, #tpu.memory_space<vmem>>)
      "tpu.region"() ({
        %run_scoped3A_149 = tpu.sem_alloc : memref<!tpu.dma_semaphore, #tpu.memory_space<semaphore_mem>>
        %dma_start3A_150 = arith.constant 0 : i32
        %dma_start3A_151 = tpu.memref_slice %arg9[%add3A_99, %dma_start3A_150] : memref<80x128xi32, #tpu.memory_space<vmem>> -> memref<1x128xi32, #tpu.memory_space<vmem>>
        %dma_start3A_152 = tpu.memref_squeeze %dma_start3A_151 : memref<1x128xi32, #tpu.memory_space<vmem>> -> memref<128xi32, #tpu.memory_space<vmem>>
        %dma_start3A_153 = arith.constant 0 : i32
        %dma_start3A_154 = arith.constant 0 : i32
        %dma_start3A_155 = tpu.memref_slice %arg14[%dma_start3A_153, %dma_start3A_154] : memref<5120x128xf32, #tpu.memory_space<vmem_shared>> -> memref<5120x128xf32, #tpu.memory_space<vmem_shared>>
        tpu.enqueue_indirect_dma source(%arg11 : memref<128x128xf32, #tpu.memory_space<vmem>>) target(%dma_start3A_155 : memref<5120x128xf32, #tpu.memory_space<vmem_shared>>) offsets(%dma_start3A_152 : memref<128xi32, #tpu.memory_space<vmem>>) semaphore(%run_scoped3A_149 : memref<!tpu.dma_semaphore, #tpu.memory_space<semaphore_mem>>) {add = true}
        %dma_wait3A_156 = arith.constant 0 : i32
        %dma_wait3A_157 = tpu.memref_slice %arg9[%add3A_99, %dma_wait3A_156] : memref<80x128xi32, #tpu.memory_space<vmem>> -> memref<1x128xi32, #tpu.memory_space<vmem>>
        %dma_wait3A_158 = tpu.memref_squeeze %dma_wait3A_157 : memref<1x128xi32, #tpu.memory_space<vmem>> -> memref<128xi32, #tpu.memory_space<vmem>>
        %dma_wait3A_159 = arith.constant 0 : i32
        %dma_wait3A_160 = arith.constant 0 : i32
        %dma_wait3A_161 = tpu.memref_slice %arg14[%dma_wait3A_159, %dma_wait3A_160] : memref<5120x128xf32, #tpu.memory_space<vmem_shared>> -> memref<5120x128xf32, #tpu.memory_space<vmem_shared>>
        tpu.wait_indirect_dma semaphore(%run_scoped3A_149 : memref<!tpu.dma_semaphore, #tpu.memory_space<semaphore_mem>>) src(%arg11 : memref<128x128xf32, #tpu.memory_space<vmem>>) dst(%dma_wait3A_161 : memref<5120x128xf32, #tpu.memory_space<vmem_shared>>)
        tpu.yield
      }) : () -> ()
      %add3A_106 = arith.constant 1 : i32
      %add3A_107 = arith.addi %add3A_84, %add3A_106 : i32
      %add3A_108 = arith.constant 4 : i32
      %add3A_109 = arith.addi %add3A_107, %add3A_108 : i32
      %lt3A_110 = arith.constant 80 : i32
      %lt3A_111 = arith.cmpi slt, %add3A_109, %lt3A_110 : i32
      %convert_element_type3A_112 = arith.extui %lt3A_111 : i1 to i32
      %cond3A_113 = arith.constant 0 : i32
      %cond3A_114 = arith.cmpi ne, %convert_element_type3A_112, %cond3A_113 : i32
      scf.if %cond3A_114 {
        %add3A_149 = arith.constant 1 : i32
        %add3A_150 = arith.addi %add3A_84, %add3A_149 : i32
        %add3A_151 = arith.constant 4 : i32
        %add3A_152 = arith.addi %add3A_150, %add3A_151 : i32
        %dma_start3A_153 = arith.constant 0 : i32
        %dma_start3A_154 = tpu.memref_slice %arg8[%add3A_152, %dma_start3A_153] : memref<80x128xi32, #tpu.memory_space<vmem>> -> memref<1x128xi32, #tpu.memory_space<vmem>>
        %dma_start3A_155 = tpu.memref_squeeze %dma_start3A_154 : memref<1x128xi32, #tpu.memory_space<vmem>> -> memref<128xi32, #tpu.memory_space<vmem>>
        %dma_start3A_156 = arith.constant 0 : i32
        %dma_start3A_157 = arith.constant 0 : i32
        %dma_start3A_158 = tpu.memref_slice %arg2[%dma_start3A_156, %dma_start3A_157] : memref<20000x128xf32, #tpu.memory_space<hbm>> -> memref<20000x128xf32, #tpu.memory_space<hbm>>
        tpu.enqueue_indirect_dma source(%dma_start3A_158 : memref<20000x128xf32, #tpu.memory_space<hbm>>) target(%arg11 : memref<128x128xf32, #tpu.memory_space<vmem>>) offsets(%dma_start3A_155 : memref<128xi32, #tpu.memory_space<vmem>>) semaphore(%arg16 : memref<!tpu.dma_semaphore, #tpu.memory_space<semaphore_mem>>)
      } else {
      }
      %add3A_115 = arith.constant 2 : i32
      %add3A_116 = arith.addi %add3A_84, %add3A_115 : i32
      %dma_wait3A_117 = arith.constant 0 : i32
      %dma_wait3A_118 = tpu.memref_slice %arg8[%add3A_116, %dma_wait3A_117] : memref<80x128xi32, #tpu.memory_space<vmem>> -> memref<1x128xi32, #tpu.memory_space<vmem>>
      %dma_wait3A_119 = tpu.memref_squeeze %dma_wait3A_118 : memref<1x128xi32, #tpu.memory_space<vmem>> -> memref<128xi32, #tpu.memory_space<vmem>>
      %dma_wait3A_120 = arith.constant 0 : i32
      %dma_wait3A_121 = arith.constant 0 : i32
      %dma_wait3A_122 = tpu.memref_slice %arg2[%dma_wait3A_120, %dma_wait3A_121] : memref<20000x128xf32, #tpu.memory_space<hbm>> -> memref<20000x128xf32, #tpu.memory_space<hbm>>
      tpu.wait_indirect_dma semaphore(%arg17 : memref<!tpu.dma_semaphore, #tpu.memory_space<semaphore_mem>>) src(%dma_wait3A_122 : memref<20000x128xf32, #tpu.memory_space<hbm>>) dst(%arg12 : memref<128x128xf32, #tpu.memory_space<vmem>>)
      "tpu.region"() ({
        %run_scoped3A_149 = tpu.sem_alloc : memref<!tpu.dma_semaphore, #tpu.memory_space<semaphore_mem>>
        %dma_start3A_150 = arith.constant 0 : i32
        %dma_start3A_151 = tpu.memref_slice %arg9[%add3A_116, %dma_start3A_150] : memref<80x128xi32, #tpu.memory_space<vmem>> -> memref<1x128xi32, #tpu.memory_space<vmem>>
        %dma_start3A_152 = tpu.memref_squeeze %dma_start3A_151 : memref<1x128xi32, #tpu.memory_space<vmem>> -> memref<128xi32, #tpu.memory_space<vmem>>
        %dma_start3A_153 = arith.constant 0 : i32
        %dma_start3A_154 = arith.constant 0 : i32
        %dma_start3A_155 = tpu.memref_slice %arg14[%dma_start3A_153, %dma_start3A_154] : memref<5120x128xf32, #tpu.memory_space<vmem_shared>> -> memref<5120x128xf32, #tpu.memory_space<vmem_shared>>
        tpu.enqueue_indirect_dma source(%arg12 : memref<128x128xf32, #tpu.memory_space<vmem>>) target(%dma_start3A_155 : memref<5120x128xf32, #tpu.memory_space<vmem_shared>>) offsets(%dma_start3A_152 : memref<128xi32, #tpu.memory_space<vmem>>) semaphore(%run_scoped3A_149 : memref<!tpu.dma_semaphore, #tpu.memory_space<semaphore_mem>>) {add = true}
        %dma_wait3A_156 = arith.constant 0 : i32
        %dma_wait3A_157 = tpu.memref_slice %arg9[%add3A_116, %dma_wait3A_156] : memref<80x128xi32, #tpu.memory_space<vmem>> -> memref<1x128xi32, #tpu.memory_space<vmem>>
        %dma_wait3A_158 = tpu.memref_squeeze %dma_wait3A_157 : memref<1x128xi32, #tpu.memory_space<vmem>> -> memref<128xi32, #tpu.memory_space<vmem>>
        %dma_wait3A_159 = arith.constant 0 : i32
        %dma_wait3A_160 = arith.constant 0 : i32
        %dma_wait3A_161 = tpu.memref_slice %arg14[%dma_wait3A_159, %dma_wait3A_160] : memref<5120x128xf32, #tpu.memory_space<vmem_shared>> -> memref<5120x128xf32, #tpu.memory_space<vmem_shared>>
        tpu.wait_indirect_dma semaphore(%run_scoped3A_149 : memref<!tpu.dma_semaphore, #tpu.memory_space<semaphore_mem>>) src(%arg12 : memref<128x128xf32, #tpu.memory_space<vmem>>) dst(%dma_wait3A_161 : memref<5120x128xf32, #tpu.memory_space<vmem_shared>>)
        tpu.yield
      }) : () -> ()
      %add3A_123 = arith.constant 2 : i32
      %add3A_124 = arith.addi %add3A_84, %add3A_123 : i32
      %add3A_125 = arith.constant 4 : i32
      %add3A_126 = arith.addi %add3A_124, %add3A_125 : i32
      %lt3A_127 = arith.constant 80 : i32
      %lt3A_128 = arith.cmpi slt, %add3A_126, %lt3A_127 : i32
      %convert_element_type3A_129 = arith.extui %lt3A_128 : i1 to i32
      %cond3A_130 = arith.constant 0 : i32
      %cond3A_131 = arith.cmpi ne, %convert_element_type3A_129, %cond3A_130 : i32
      scf.if %cond3A_131 {
        %add3A_149 = arith.constant 2 : i32
        %add3A_150 = arith.addi %add3A_84, %add3A_149 : i32
        %add3A_151 = arith.constant 4 : i32
        %add3A_152 = arith.addi %add3A_150, %add3A_151 : i32
        %dma_start3A_153 = arith.constant 0 : i32
        %dma_start3A_154 = tpu.memref_slice %arg8[%add3A_152, %dma_start3A_153] : memref<80x128xi32, #tpu.memory_space<vmem>> -> memref<1x128xi32, #tpu.memory_space<vmem>>
        %dma_start3A_155 = tpu.memref_squeeze %dma_start3A_154 : memref<1x128xi32, #tpu.memory_space<vmem>> -> memref<128xi32, #tpu.memory_space<vmem>>
        %dma_start3A_156 = arith.constant 0 : i32
        %dma_start3A_157 = arith.constant 0 : i32
        %dma_start3A_158 = tpu.memref_slice %arg2[%dma_start3A_156, %dma_start3A_157] : memref<20000x128xf32, #tpu.memory_space<hbm>> -> memref<20000x128xf32, #tpu.memory_space<hbm>>
        tpu.enqueue_indirect_dma source(%dma_start3A_158 : memref<20000x128xf32, #tpu.memory_space<hbm>>) target(%arg12 : memref<128x128xf32, #tpu.memory_space<vmem>>) offsets(%dma_start3A_155 : memref<128xi32, #tpu.memory_space<vmem>>) semaphore(%arg17 : memref<!tpu.dma_semaphore, #tpu.memory_space<semaphore_mem>>)
      } else {
      }
      %add3A_132 = arith.constant 3 : i32
      %add3A_133 = arith.addi %add3A_84, %add3A_132 : i32
      %dma_wait3A_134 = arith.constant 0 : i32
      %dma_wait3A_135 = tpu.memref_slice %arg8[%add3A_133, %dma_wait3A_134] : memref<80x128xi32, #tpu.memory_space<vmem>> -> memref<1x128xi32, #tpu.memory_space<vmem>>
      %dma_wait3A_136 = tpu.memref_squeeze %dma_wait3A_135 : memref<1x128xi32, #tpu.memory_space<vmem>> -> memref<128xi32, #tpu.memory_space<vmem>>
      %dma_wait3A_137 = arith.constant 0 : i32
      %dma_wait3A_138 = arith.constant 0 : i32
      %dma_wait3A_139 = tpu.memref_slice %arg2[%dma_wait3A_137, %dma_wait3A_138] : memref<20000x128xf32, #tpu.memory_space<hbm>> -> memref<20000x128xf32, #tpu.memory_space<hbm>>
      tpu.wait_indirect_dma semaphore(%arg18 : memref<!tpu.dma_semaphore, #tpu.memory_space<semaphore_mem>>) src(%dma_wait3A_139 : memref<20000x128xf32, #tpu.memory_space<hbm>>) dst(%arg13 : memref<128x128xf32, #tpu.memory_space<vmem>>)
      "tpu.region"() ({
        %run_scoped3A_149 = tpu.sem_alloc : memref<!tpu.dma_semaphore, #tpu.memory_space<semaphore_mem>>
        %dma_start3A_150 = arith.constant 0 : i32
        %dma_start3A_151 = tpu.memref_slice %arg9[%add3A_133, %dma_start3A_150] : memref<80x128xi32, #tpu.memory_space<vmem>> -> memref<1x128xi32, #tpu.memory_space<vmem>>
        %dma_start3A_152 = tpu.memref_squeeze %dma_start3A_151 : memref<1x128xi32, #tpu.memory_space<vmem>> -> memref<128xi32, #tpu.memory_space<vmem>>
        %dma_start3A_153 = arith.constant 0 : i32
        %dma_start3A_154 = arith.constant 0 : i32
        %dma_start3A_155 = tpu.memref_slice %arg14[%dma_start3A_153, %dma_start3A_154] : memref<5120x128xf32, #tpu.memory_space<vmem_shared>> -> memref<5120x128xf32, #tpu.memory_space<vmem_shared>>
        tpu.enqueue_indirect_dma source(%arg13 : memref<128x128xf32, #tpu.memory_space<vmem>>) target(%dma_start3A_155 : memref<5120x128xf32, #tpu.memory_space<vmem_shared>>) offsets(%dma_start3A_152 : memref<128xi32, #tpu.memory_space<vmem>>) semaphore(%run_scoped3A_149 : memref<!tpu.dma_semaphore, #tpu.memory_space<semaphore_mem>>) {add = true}
        %dma_wait3A_156 = arith.constant 0 : i32
        %dma_wait3A_157 = tpu.memref_slice %arg9[%add3A_133, %dma_wait3A_156] : memref<80x128xi32, #tpu.memory_space<vmem>> -> memref<1x128xi32, #tpu.memory_space<vmem>>
        %dma_wait3A_158 = tpu.memref_squeeze %dma_wait3A_157 : memref<1x128xi32, #tpu.memory_space<vmem>> -> memref<128xi32, #tpu.memory_space<vmem>>
        %dma_wait3A_159 = arith.constant 0 : i32
        %dma_wait3A_160 = arith.constant 0 : i32
        %dma_wait3A_161 = tpu.memref_slice %arg14[%dma_wait3A_159, %dma_wait3A_160] : memref<5120x128xf32, #tpu.memory_space<vmem_shared>> -> memref<5120x128xf32, #tpu.memory_space<vmem_shared>>
        tpu.wait_indirect_dma semaphore(%run_scoped3A_149 : memref<!tpu.dma_semaphore, #tpu.memory_space<semaphore_mem>>) src(%arg13 : memref<128x128xf32, #tpu.memory_space<vmem>>) dst(%dma_wait3A_161 : memref<5120x128xf32, #tpu.memory_space<vmem_shared>>)
        tpu.yield
      }) : () -> ()
      %add3A_140 = arith.constant 3 : i32
      %add3A_141 = arith.addi %add3A_84, %add3A_140 : i32
      %add3A_142 = arith.constant 4 : i32
      %add3A_143 = arith.addi %add3A_141, %add3A_142 : i32
      %lt3A_144 = arith.constant 80 : i32
      %lt3A_145 = arith.cmpi slt, %add3A_143, %lt3A_144 : i32
      %convert_element_type3A_146 = arith.extui %lt3A_145 : i1 to i32
      %cond3A_147 = arith.constant 0 : i32
      %cond3A_148 = arith.cmpi ne, %convert_element_type3A_146, %cond3A_147 : i32
      scf.if %cond3A_148 {
        %add3A_149 = arith.constant 3 : i32
        %add3A_150 = arith.addi %add3A_84, %add3A_149 : i32
        %add3A_151 = arith.constant 4 : i32
        %add3A_152 = arith.addi %add3A_150, %add3A_151 : i32
        %dma_start3A_153 = arith.constant 0 : i32
        %dma_start3A_154 = tpu.memref_slice %arg8[%add3A_152, %dma_start3A_153] : memref<80x128xi32, #tpu.memory_space<vmem>> -> memref<1x128xi32, #tpu.memory_space<vmem>>
        %dma_start3A_155 = tpu.memref_squeeze %dma_start3A_154 : memref<1x128xi32, #tpu.memory_space<vmem>> -> memref<128xi32, #tpu.memory_space<vmem>>
        %dma_start3A_156 = arith.constant 0 : i32
        %dma_start3A_157 = arith.constant 0 : i32
        %dma_start3A_158 = tpu.memref_slice %arg2[%dma_start3A_156, %dma_start3A_157] : memref<20000x128xf32, #tpu.memory_space<hbm>> -> memref<20000x128xf32, #tpu.memory_space<hbm>>
        tpu.enqueue_indirect_dma source(%dma_start3A_158 : memref<20000x128xf32, #tpu.memory_space<hbm>>) target(%arg13 : memref<128x128xf32, #tpu.memory_space<vmem>>) offsets(%dma_start3A_155 : memref<128xi32, #tpu.memory_space<vmem>>) semaphore(%arg18 : memref<!tpu.dma_semaphore, #tpu.memory_space<semaphore_mem>>)
      } else {
      }
    }
    %scan3A_31 = arith.constant 20 : i32
    %barrier3A_32 = arith.constant 0 : index
    tpu.barrier barrier_id(%barrier3A_32)
    %mul3A_33 = arith.constant 320 : i32
    %mul3A_34 = arith.muli %arg1, %mul3A_33 : i32
    %mul3A_35 = arith.constant 320 : i32
    %mul3A_36 = arith.muli %arg1, %mul3A_35 : i32
    %run_scoped3A_37 = arith.constant 0 : i32
    "tpu.region"() ({
      %run_scoped3A_81 = tpu.sem_alloc : memref<!tpu.dma_semaphore, #tpu.memory_space<semaphore_mem>>
      %dma_start3A_82 = arith.constant 0 : i32
      %dma_start3A_83 = tpu.memref_slice %arg7[%run_scoped3A_37, %arg0, %mul3A_36, %dma_start3A_82] : memref<2x2x5120x128xf32, #tpu.memory_space<hbm>> -> memref<1x1x320x128xf32, #tpu.memory_space<hbm>>
      %dma_start3A_84 = tpu.memref_squeeze %dma_start3A_83 : memref<1x1x320x128xf32, #tpu.memory_space<hbm>> -> memref<320x128xf32, #tpu.memory_space<hbm>>
      %dma_start3A_85 = arith.constant 0 : i32
      %dma_start3A_86 = tpu.memref_slice %arg14[%mul3A_34, %dma_start3A_85] : memref<5120x128xf32, #tpu.memory_space<vmem_shared>> -> memref<320x128xf32, #tpu.memory_space<vmem_shared>>
      tpu.enqueue_dma source(%dma_start3A_86 : memref<320x128xf32, #tpu.memory_space<vmem_shared>>) target(%dma_start3A_84 : memref<320x128xf32, #tpu.memory_space<hbm>>) target_semaphore(%run_scoped3A_81 : memref<!tpu.dma_semaphore, #tpu.memory_space<semaphore_mem>>)
      %dma_wait3A = arith.constant 0 : i32
      %dma_wait3A_87 = tpu.memref_slice %arg7[%run_scoped3A_37, %arg0, %mul3A_36, %dma_wait3A] : memref<2x2x5120x128xf32, #tpu.memory_space<hbm>> -> memref<1x1x320x128xf32, #tpu.memory_space<hbm>>
      %dma_wait3A_88 = tpu.memref_squeeze %dma_wait3A_87 : memref<1x1x320x128xf32, #tpu.memory_space<hbm>> -> memref<320x128xf32, #tpu.memory_space<hbm>>
      %dma_wait3A_89 = arith.constant 0 : i32
      %dma_wait3A_90 = tpu.memref_slice %arg14[%mul3A_34, %dma_wait3A_89] : memref<5120x128xf32, #tpu.memory_space<vmem_shared>> -> memref<320x128xf32, #tpu.memory_space<vmem_shared>>
      tpu.wait_dma2 semaphore(%run_scoped3A_81 : memref<!tpu.dma_semaphore, #tpu.memory_space<semaphore_mem>>) src(%dma_wait3A_90 : memref<320x128xf32, #tpu.memory_space<vmem_shared>>) dst(%dma_wait3A_88 : memref<320x128xf32, #tpu.memory_space<hbm>>)
      tpu.yield
    }) : () -> ()
    %mul3A_38 = arith.constant 320 : i32
    %mul3A_39 = arith.muli %arg1, %mul3A_38 : i32
    "tpu.region"() ({
      %run_scoped3A_81 = tpu.sem_alloc : memref<!tpu.dma_semaphore, #tpu.memory_space<semaphore_mem>>
      %dma_start3A_82 = arith.constant 0 : i32
      %dma_start3A_83 = tpu.memref_slice %arg14[%mul3A_39, %dma_start3A_82] : memref<5120x128xf32, #tpu.memory_space<vmem_shared>> -> memref<320x128xf32, #tpu.memory_space<vmem_shared>>
      tpu.enqueue_dma source(%arg5 : memref<320x128xf32, #tpu.memory_space<hbm>>) target(%dma_start3A_83 : memref<320x128xf32, #tpu.memory_space<vmem_shared>>) target_semaphore(%run_scoped3A_81 : memref<!tpu.dma_semaphore, #tpu.memory_space<semaphore_mem>>)
      %dma_wait3A = arith.constant 0 : i32
      %dma_wait3A_84 = tpu.memref_slice %arg14[%mul3A_39, %dma_wait3A] : memref<5120x128xf32, #tpu.memory_space<vmem_shared>> -> memref<320x128xf32, #tpu.memory_space<vmem_shared>>
      tpu.wait_dma2 semaphore(%run_scoped3A_81 : memref<!tpu.dma_semaphore, #tpu.memory_space<semaphore_mem>>) src(%arg5 : memref<320x128xf32, #tpu.memory_space<hbm>>) dst(%dma_wait3A_84 : memref<320x128xf32, #tpu.memory_space<vmem_shared>>)
      tpu.yield
    }) : () -> ()
    %run_scoped3A_40 = arith.constant 1 : i32
    "tpu.region"() ({
      %run_scoped3A_81 = tpu.sem_alloc : memref<!tpu.dma_semaphore, #tpu.memory_space<semaphore_mem>>
      %dma_start3A_82 = arith.constant 0 : i32
      %dma_start3A_83 = arith.constant 0 : i32
      %dma_start3A_84 = tpu.memref_slice %arg3[%run_scoped3A_40, %arg1, %dma_start3A_82, %dma_start3A_83] : memref<2x16x80x128xi32, #tpu.memory_space<hbm>> -> memref<1x1x80x128xi32, #tpu.memory_space<hbm>>
      %dma_start3A_85 = tpu.memref_squeeze %dma_start3A_84 : memref<1x1x80x128xi32, #tpu.memory_space<hbm>> -> memref<80x128xi32, #tpu.memory_space<hbm>>
      %dma_start3A_86 = arith.constant 0 : i32
      %dma_start3A_87 = arith.constant 0 : i32
      %dma_start3A_88 = tpu.memref_slice %arg3[%run_scoped3A_40, %arg1, %dma_start3A_86, %dma_start3A_87] : memref<2x16x80x128xi32, #tpu.memory_space<hbm>> -> memref<1x1x80x128xi32, #tpu.memory_space<hbm>>
      %dma_start3A_89 = tpu.memref_squeeze %dma_start3A_88 : memref<1x1x80x128xi32, #tpu.memory_space<hbm>> -> memref<80x128xi32, #tpu.memory_space<hbm>>
      tpu.enqueue_dma source(%dma_start3A_89 : memref<80x128xi32, #tpu.memory_space<hbm>>) target(%arg8 : memref<80x128xi32, #tpu.memory_space<vmem>>) target_semaphore(%run_scoped3A_81 : memref<!tpu.dma_semaphore, #tpu.memory_space<semaphore_mem>>)
      %dma_wait3A = arith.constant 0 : i32
      %dma_wait3A_90 = arith.constant 0 : i32
      %dma_wait3A_91 = tpu.memref_slice %arg3[%run_scoped3A_40, %arg1, %dma_wait3A, %dma_wait3A_90] : memref<2x16x80x128xi32, #tpu.memory_space<hbm>> -> memref<1x1x80x128xi32, #tpu.memory_space<hbm>>
      %dma_wait3A_92 = tpu.memref_squeeze %dma_wait3A_91 : memref<1x1x80x128xi32, #tpu.memory_space<hbm>> -> memref<80x128xi32, #tpu.memory_space<hbm>>
      %dma_wait3A_93 = arith.constant 0 : i32
      %dma_wait3A_94 = arith.constant 0 : i32
      %dma_wait3A_95 = tpu.memref_slice %arg3[%run_scoped3A_40, %arg1, %dma_wait3A_93, %dma_wait3A_94] : memref<2x16x80x128xi32, #tpu.memory_space<hbm>> -> memref<1x1x80x128xi32, #tpu.memory_space<hbm>>
      %dma_wait3A_96 = tpu.memref_squeeze %dma_wait3A_95 : memref<1x1x80x128xi32, #tpu.memory_space<hbm>> -> memref<80x128xi32, #tpu.memory_space<hbm>>
      tpu.wait_dma2 semaphore(%run_scoped3A_81 : memref<!tpu.dma_semaphore, #tpu.memory_space<semaphore_mem>>) src(%dma_wait3A_96 : memref<80x128xi32, #tpu.memory_space<hbm>>) dst(%arg8 : memref<80x128xi32, #tpu.memory_space<vmem>>)
      tpu.yield
    }) : () -> ()
    %barrier3A_41 = arith.constant 0 : index
    tpu.barrier barrier_id(%barrier3A_41)
    %dma_start3A_42 = arith.constant 0 : i32
    %dma_start3A_43 = arith.constant 0 : i32
    %dma_start3A_44 = tpu.memref_slice %arg8[%dma_start3A_42, %dma_start3A_43] : memref<80x128xi32, #tpu.memory_space<vmem>> -> memref<1x128xi32, #tpu.memory_space<vmem>>
    %dma_start3A_45 = tpu.memref_squeeze %dma_start3A_44 : memref<1x128xi32, #tpu.memory_space<vmem>> -> memref<128xi32, #tpu.memory_space<vmem>>
    %dma_start3A_46 = arith.constant 0 : i32
    %dma_start3A_47 = arith.constant 0 : i32
    %dma_start3A_48 = tpu.memref_slice %arg2[%dma_start3A_46, %dma_start3A_47] : memref<20000x128xf32, #tpu.memory_space<hbm>> -> memref<20000x128xf32, #tpu.memory_space<hbm>>
    tpu.enqueue_indirect_dma source(%dma_start3A_48 : memref<20000x128xf32, #tpu.memory_space<hbm>>) target(%arg10 : memref<128x128xf32, #tpu.memory_space<vmem>>) offsets(%dma_start3A_45 : memref<128xi32, #tpu.memory_space<vmem>>) semaphore(%arg15 : memref<!tpu.dma_semaphore, #tpu.memory_space<semaphore_mem>>)
    %dma_start3A_49 = arith.constant 1 : i32
    %dma_start3A_50 = arith.constant 0 : i32
    %dma_start3A_51 = tpu.memref_slice %arg8[%dma_start3A_49, %dma_start3A_50] : memref<80x128xi32, #tpu.memory_space<vmem>> -> memref<1x128xi32, #tpu.memory_space<vmem>>
    %dma_start3A_52 = tpu.memref_squeeze %dma_start3A_51 : memref<1x128xi32, #tpu.memory_space<vmem>> -> memref<128xi32, #tpu.memory_space<vmem>>
    %dma_start3A_53 = arith.constant 0 : i32
    %dma_start3A_54 = arith.constant 0 : i32
    %dma_start3A_55 = tpu.memref_slice %arg2[%dma_start3A_53, %dma_start3A_54] : memref<20000x128xf32, #tpu.memory_space<hbm>> -> memref<20000x128xf32, #tpu.memory_space<hbm>>
    tpu.enqueue_indirect_dma source(%dma_start3A_55 : memref<20000x128xf32, #tpu.memory_space<hbm>>) target(%arg11 : memref<128x128xf32, #tpu.memory_space<vmem>>) offsets(%dma_start3A_52 : memref<128xi32, #tpu.memory_space<vmem>>) semaphore(%arg16 : memref<!tpu.dma_semaphore, #tpu.memory_space<semaphore_mem>>)
    %dma_start3A_56 = arith.constant 2 : i32
    %dma_start3A_57 = arith.constant 0 : i32
    %dma_start3A_58 = tpu.memref_slice %arg8[%dma_start3A_56, %dma_start3A_57] : memref<80x128xi32, #tpu.memory_space<vmem>> -> memref<1x128xi32, #tpu.memory_space<vmem>>
    %dma_start3A_59 = tpu.memref_squeeze %dma_start3A_58 : memref<1x128xi32, #tpu.memory_space<vmem>> -> memref<128xi32, #tpu.memory_space<vmem>>
    %dma_start3A_60 = arith.constant 0 : i32
    %dma_start3A_61 = arith.constant 0 : i32
    %dma_start3A_62 = tpu.memref_slice %arg2[%dma_start3A_60, %dma_start3A_61] : memref<20000x128xf32, #tpu.memory_space<hbm>> -> memref<20000x128xf32, #tpu.memory_space<hbm>>
    tpu.enqueue_indirect_dma source(%dma_start3A_62 : memref<20000x128xf32, #tpu.memory_space<hbm>>) target(%arg12 : memref<128x128xf32, #tpu.memory_space<vmem>>) offsets(%dma_start3A_59 : memref<128xi32, #tpu.memory_space<vmem>>) semaphore(%arg17 : memref<!tpu.dma_semaphore, #tpu.memory_space<semaphore_mem>>)
    %dma_start3A_63 = arith.constant 3 : i32
    %dma_start3A_64 = arith.constant 0 : i32
    %dma_start3A_65 = tpu.memref_slice %arg8[%dma_start3A_63, %dma_start3A_64] : memref<80x128xi32, #tpu.memory_space<vmem>> -> memref<1x128xi32, #tpu.memory_space<vmem>>
    %dma_start3A_66 = tpu.memref_squeeze %dma_start3A_65 : memref<1x128xi32, #tpu.memory_space<vmem>> -> memref<128xi32, #tpu.memory_space<vmem>>
    %dma_start3A_67 = arith.constant 0 : i32
    %dma_start3A_68 = arith.constant 0 : i32
    %dma_start3A_69 = tpu.memref_slice %arg2[%dma_start3A_67, %dma_start3A_68] : memref<20000x128xf32, #tpu.memory_space<hbm>> -> memref<20000x128xf32, #tpu.memory_space<hbm>>
    tpu.enqueue_indirect_dma source(%dma_start3A_69 : memref<20000x128xf32, #tpu.memory_space<hbm>>) target(%arg13 : memref<128x128xf32, #tpu.memory_space<vmem>>) offsets(%dma_start3A_66 : memref<128xi32, #tpu.memory_space<vmem>>) semaphore(%arg18 : memref<!tpu.dma_semaphore, #tpu.memory_space<semaphore_mem>>)
    %scan3A_70 = arith.constant 0 : i32
    %scan3A_71 = arith.constant 20 : i32
    %scan3A_72 = arith.addi %scan3A_70, %scan3A_71 : i32
    %scan3A_73 = arith.constant 1 : i32
    scf.for %scan3A_81 = %scan3A_70 to %scan3A_72 step %scan3A_73  : i32 {
      %mul3A_82 = arith.constant 4 : i32
      %mul3A_83 = arith.muli %scan3A_81, %mul3A_82 : i32
      %add3A = arith.constant 0 : i32
      %add3A_84 = arith.addi %add3A, %mul3A_83 : i32
      %add3A_85 = arith.constant 0 : i32
      %add3A_86 = arith.addi %add3A_84, %add3A_85 : i32
      %dma_wait3A = arith.constant 0 : i32
      %dma_wait3A_87 = tpu.memref_slice %arg8[%add3A_86, %dma_wait3A] : memref<80x128xi32, #tpu.memory_space<vmem>> -> memref<1x128xi32, #tpu.memory_space<vmem>>
      %dma_wait3A_88 = tpu.memref_squeeze %dma_wait3A_87 : memref<1x128xi32, #tpu.memory_space<vmem>> -> memref<128xi32, #tpu.memory_space<vmem>>
      %dma_wait3A_89 = arith.constant 0 : i32
      %dma_wait3A_90 = arith.constant 0 : i32
      %dma_wait3A_91 = tpu.memref_slice %arg2[%dma_wait3A_89, %dma_wait3A_90] : memref<20000x128xf32, #tpu.memory_space<hbm>> -> memref<20000x128xf32, #tpu.memory_space<hbm>>
      tpu.wait_indirect_dma semaphore(%arg15 : memref<!tpu.dma_semaphore, #tpu.memory_space<semaphore_mem>>) src(%dma_wait3A_91 : memref<20000x128xf32, #tpu.memory_space<hbm>>) dst(%arg10 : memref<128x128xf32, #tpu.memory_space<vmem>>)
      "tpu.region"() ({
        %run_scoped3A_149 = tpu.sem_alloc : memref<!tpu.dma_semaphore, #tpu.memory_space<semaphore_mem>>
        %dma_start3A_150 = arith.constant 0 : i32
        %dma_start3A_151 = tpu.memref_slice %arg9[%add3A_86, %dma_start3A_150] : memref<80x128xi32, #tpu.memory_space<vmem>> -> memref<1x128xi32, #tpu.memory_space<vmem>>
        %dma_start3A_152 = tpu.memref_squeeze %dma_start3A_151 : memref<1x128xi32, #tpu.memory_space<vmem>> -> memref<128xi32, #tpu.memory_space<vmem>>
        %dma_start3A_153 = arith.constant 0 : i32
        %dma_start3A_154 = arith.constant 0 : i32
        %dma_start3A_155 = tpu.memref_slice %arg14[%dma_start3A_153, %dma_start3A_154] : memref<5120x128xf32, #tpu.memory_space<vmem_shared>> -> memref<5120x128xf32, #tpu.memory_space<vmem_shared>>
        tpu.enqueue_indirect_dma source(%arg10 : memref<128x128xf32, #tpu.memory_space<vmem>>) target(%dma_start3A_155 : memref<5120x128xf32, #tpu.memory_space<vmem_shared>>) offsets(%dma_start3A_152 : memref<128xi32, #tpu.memory_space<vmem>>) semaphore(%run_scoped3A_149 : memref<!tpu.dma_semaphore, #tpu.memory_space<semaphore_mem>>) {add = true}
        %dma_wait3A_156 = arith.constant 0 : i32
        %dma_wait3A_157 = tpu.memref_slice %arg9[%add3A_86, %dma_wait3A_156] : memref<80x128xi32, #tpu.memory_space<vmem>> -> memref<1x128xi32, #tpu.memory_space<vmem>>
        %dma_wait3A_158 = tpu.memref_squeeze %dma_wait3A_157 : memref<1x128xi32, #tpu.memory_space<vmem>> -> memref<128xi32, #tpu.memory_space<vmem>>
        %dma_wait3A_159 = arith.constant 0 : i32
        %dma_wait3A_160 = arith.constant 0 : i32
        %dma_wait3A_161 = tpu.memref_slice %arg14[%dma_wait3A_159, %dma_wait3A_160] : memref<5120x128xf32, #tpu.memory_space<vmem_shared>> -> memref<5120x128xf32, #tpu.memory_space<vmem_shared>>
        tpu.wait_indirect_dma semaphore(%run_scoped3A_149 : memref<!tpu.dma_semaphore, #tpu.memory_space<semaphore_mem>>) src(%arg10 : memref<128x128xf32, #tpu.memory_space<vmem>>) dst(%dma_wait3A_161 : memref<5120x128xf32, #tpu.memory_space<vmem_shared>>)
        tpu.yield
      }) : () -> ()
      %add3A_92 = arith.constant 0 : i32
      %add3A_93 = arith.addi %add3A_84, %add3A_92 : i32
      %add3A_94 = arith.constant 4 : i32
      %add3A_95 = arith.addi %add3A_93, %add3A_94 : i32
      %lt3A = arith.constant 80 : i32
      %lt3A_96 = arith.cmpi slt, %add3A_95, %lt3A : i32
      %convert_element_type3A = arith.extui %lt3A_96 : i1 to i32
      %cond3A = arith.constant 0 : i32
      %cond3A_97 = arith.cmpi ne, %convert_element_type3A, %cond3A : i32
      scf.if %cond3A_97 {
        %add3A_149 = arith.constant 0 : i32
        %add3A_150 = arith.addi %add3A_84, %add3A_149 : i32
        %add3A_151 = arith.constant 4 : i32
        %add3A_152 = arith.addi %add3A_150, %add3A_151 : i32
        %dma_start3A_153 = arith.constant 0 : i32
        %dma_start3A_154 = tpu.memref_slice %arg8[%add3A_152, %dma_start3A_153] : memref<80x128xi32, #tpu.memory_space<vmem>> -> memref<1x128xi32, #tpu.memory_space<vmem>>
        %dma_start3A_155 = tpu.memref_squeeze %dma_start3A_154 : memref<1x128xi32, #tpu.memory_space<vmem>> -> memref<128xi32, #tpu.memory_space<vmem>>
        %dma_start3A_156 = arith.constant 0 : i32
        %dma_start3A_157 = arith.constant 0 : i32
        %dma_start3A_158 = tpu.memref_slice %arg2[%dma_start3A_156, %dma_start3A_157] : memref<20000x128xf32, #tpu.memory_space<hbm>> -> memref<20000x128xf32, #tpu.memory_space<hbm>>
        tpu.enqueue_indirect_dma source(%dma_start3A_158 : memref<20000x128xf32, #tpu.memory_space<hbm>>) target(%arg10 : memref<128x128xf32, #tpu.memory_space<vmem>>) offsets(%dma_start3A_155 : memref<128xi32, #tpu.memory_space<vmem>>) semaphore(%arg15 : memref<!tpu.dma_semaphore, #tpu.memory_space<semaphore_mem>>)
      } else {
      }
      %add3A_98 = arith.constant 1 : i32
      %add3A_99 = arith.addi %add3A_84, %add3A_98 : i32
      %dma_wait3A_100 = arith.constant 0 : i32
      %dma_wait3A_101 = tpu.memref_slice %arg8[%add3A_99, %dma_wait3A_100] : memref<80x128xi32, #tpu.memory_space<vmem>> -> memref<1x128xi32, #tpu.memory_space<vmem>>
      %dma_wait3A_102 = tpu.memref_squeeze %dma_wait3A_101 : memref<1x128xi32, #tpu.memory_space<vmem>> -> memref<128xi32, #tpu.memory_space<vmem>>
      %dma_wait3A_103 = arith.constant 0 : i32
      %dma_wait3A_104 = arith.constant 0 : i32
      %dma_wait3A_105 = tpu.memref_slice %arg2[%dma_wait3A_103, %dma_wait3A_104] : memref<20000x128xf32, #tpu.memory_space<hbm>> -> memref<20000x128xf32, #tpu.memory_space<hbm>>
      tpu.wait_indirect_dma semaphore(%arg16 : memref<!tpu.dma_semaphore, #tpu.memory_space<semaphore_mem>>) src(%dma_wait3A_105 : memref<20000x128xf32, #tpu.memory_space<hbm>>) dst(%arg11 : memref<128x128xf32, #tpu.memory_space<vmem>>)
      "tpu.region"() ({
        %run_scoped3A_149 = tpu.sem_alloc : memref<!tpu.dma_semaphore, #tpu.memory_space<semaphore_mem>>
        %dma_start3A_150 = arith.constant 0 : i32
        %dma_start3A_151 = tpu.memref_slice %arg9[%add3A_99, %dma_start3A_150] : memref<80x128xi32, #tpu.memory_space<vmem>> -> memref<1x128xi32, #tpu.memory_space<vmem>>
        %dma_start3A_152 = tpu.memref_squeeze %dma_start3A_151 : memref<1x128xi32, #tpu.memory_space<vmem>> -> memref<128xi32, #tpu.memory_space<vmem>>
        %dma_start3A_153 = arith.constant 0 : i32
        %dma_start3A_154 = arith.constant 0 : i32
        %dma_start3A_155 = tpu.memref_slice %arg14[%dma_start3A_153, %dma_start3A_154] : memref<5120x128xf32, #tpu.memory_space<vmem_shared>> -> memref<5120x128xf32, #tpu.memory_space<vmem_shared>>
        tpu.enqueue_indirect_dma source(%arg11 : memref<128x128xf32, #tpu.memory_space<vmem>>) target(%dma_start3A_155 : memref<5120x128xf32, #tpu.memory_space<vmem_shared>>) offsets(%dma_start3A_152 : memref<128xi32, #tpu.memory_space<vmem>>) semaphore(%run_scoped3A_149 : memref<!tpu.dma_semaphore, #tpu.memory_space<semaphore_mem>>) {add = true}
        %dma_wait3A_156 = arith.constant 0 : i32
        %dma_wait3A_157 = tpu.memref_slice %arg9[%add3A_99, %dma_wait3A_156] : memref<80x128xi32, #tpu.memory_space<vmem>> -> memref<1x128xi32, #tpu.memory_space<vmem>>
        %dma_wait3A_158 = tpu.memref_squeeze %dma_wait3A_157 : memref<1x128xi32, #tpu.memory_space<vmem>> -> memref<128xi32, #tpu.memory_space<vmem>>
        %dma_wait3A_159 = arith.constant 0 : i32
        %dma_wait3A_160 = arith.constant 0 : i32
        %dma_wait3A_161 = tpu.memref_slice %arg14[%dma_wait3A_159, %dma_wait3A_160] : memref<5120x128xf32, #tpu.memory_space<vmem_shared>> -> memref<5120x128xf32, #tpu.memory_space<vmem_shared>>
        tpu.wait_indirect_dma semaphore(%run_scoped3A_149 : memref<!tpu.dma_semaphore, #tpu.memory_space<semaphore_mem>>) src(%arg11 : memref<128x128xf32, #tpu.memory_space<vmem>>) dst(%dma_wait3A_161 : memref<5120x128xf32, #tpu.memory_space<vmem_shared>>)
        tpu.yield
      }) : () -> ()
      %add3A_106 = arith.constant 1 : i32
      %add3A_107 = arith.addi %add3A_84, %add3A_106 : i32
      %add3A_108 = arith.constant 4 : i32
      %add3A_109 = arith.addi %add3A_107, %add3A_108 : i32
      %lt3A_110 = arith.constant 80 : i32
      %lt3A_111 = arith.cmpi slt, %add3A_109, %lt3A_110 : i32
      %convert_element_type3A_112 = arith.extui %lt3A_111 : i1 to i32
      %cond3A_113 = arith.constant 0 : i32
      %cond3A_114 = arith.cmpi ne, %convert_element_type3A_112, %cond3A_113 : i32
      scf.if %cond3A_114 {
        %add3A_149 = arith.constant 1 : i32
        %add3A_150 = arith.addi %add3A_84, %add3A_149 : i32
        %add3A_151 = arith.constant 4 : i32
        %add3A_152 = arith.addi %add3A_150, %add3A_151 : i32
        %dma_start3A_153 = arith.constant 0 : i32
        %dma_start3A_154 = tpu.memref_slice %arg8[%add3A_152, %dma_start3A_153] : memref<80x128xi32, #tpu.memory_space<vmem>> -> memref<1x128xi32, #tpu.memory_space<vmem>>
        %dma_start3A_155 = tpu.memref_squeeze %dma_start3A_154 : memref<1x128xi32, #tpu.memory_space<vmem>> -> memref<128xi32, #tpu.memory_space<vmem>>
        %dma_start3A_156 = arith.constant 0 : i32
        %dma_start3A_157 = arith.constant 0 : i32
        %dma_start3A_158 = tpu.memref_slice %arg2[%dma_start3A_156, %dma_start3A_157] : memref<20000x128xf32, #tpu.memory_space<hbm>> -> memref<20000x128xf32, #tpu.memory_space<hbm>>
        tpu.enqueue_indirect_dma source(%dma_start3A_158 : memref<20000x128xf32, #tpu.memory_space<hbm>>) target(%arg11 : memref<128x128xf32, #tpu.memory_space<vmem>>) offsets(%dma_start3A_155 : memref<128xi32, #tpu.memory_space<vmem>>) semaphore(%arg16 : memref<!tpu.dma_semaphore, #tpu.memory_space<semaphore_mem>>)
      } else {
      }
      %add3A_115 = arith.constant 2 : i32
      %add3A_116 = arith.addi %add3A_84, %add3A_115 : i32
      %dma_wait3A_117 = arith.constant 0 : i32
      %dma_wait3A_118 = tpu.memref_slice %arg8[%add3A_116, %dma_wait3A_117] : memref<80x128xi32, #tpu.memory_space<vmem>> -> memref<1x128xi32, #tpu.memory_space<vmem>>
      %dma_wait3A_119 = tpu.memref_squeeze %dma_wait3A_118 : memref<1x128xi32, #tpu.memory_space<vmem>> -> memref<128xi32, #tpu.memory_space<vmem>>
      %dma_wait3A_120 = arith.constant 0 : i32
      %dma_wait3A_121 = arith.constant 0 : i32
      %dma_wait3A_122 = tpu.memref_slice %arg2[%dma_wait3A_120, %dma_wait3A_121] : memref<20000x128xf32, #tpu.memory_space<hbm>> -> memref<20000x128xf32, #tpu.memory_space<hbm>>
      tpu.wait_indirect_dma semaphore(%arg17 : memref<!tpu.dma_semaphore, #tpu.memory_space<semaphore_mem>>) src(%dma_wait3A_122 : memref<20000x128xf32, #tpu.memory_space<hbm>>) dst(%arg12 : memref<128x128xf32, #tpu.memory_space<vmem>>)
      "tpu.region"() ({
        %run_scoped3A_149 = tpu.sem_alloc : memref<!tpu.dma_semaphore, #tpu.memory_space<semaphore_mem>>
        %dma_start3A_150 = arith.constant 0 : i32
        %dma_start3A_151 = tpu.memref_slice %arg9[%add3A_116, %dma_start3A_150] : memref<80x128xi32, #tpu.memory_space<vmem>> -> memref<1x128xi32, #tpu.memory_space<vmem>>
        %dma_start3A_152 = tpu.memref_squeeze %dma_start3A_151 : memref<1x128xi32, #tpu.memory_space<vmem>> -> memref<128xi32, #tpu.memory_space<vmem>>
        %dma_start3A_153 = arith.constant 0 : i32
        %dma_start3A_154 = arith.constant 0 : i32
        %dma_start3A_155 = tpu.memref_slice %arg14[%dma_start3A_153, %dma_start3A_154] : memref<5120x128xf32, #tpu.memory_space<vmem_shared>> -> memref<5120x128xf32, #tpu.memory_space<vmem_shared>>
        tpu.enqueue_indirect_dma source(%arg12 : memref<128x128xf32, #tpu.memory_space<vmem>>) target(%dma_start3A_155 : memref<5120x128xf32, #tpu.memory_space<vmem_shared>>) offsets(%dma_start3A_152 : memref<128xi32, #tpu.memory_space<vmem>>) semaphore(%run_scoped3A_149 : memref<!tpu.dma_semaphore, #tpu.memory_space<semaphore_mem>>) {add = true}
        %dma_wait3A_156 = arith.constant 0 : i32
        %dma_wait3A_157 = tpu.memref_slice %arg9[%add3A_116, %dma_wait3A_156] : memref<80x128xi32, #tpu.memory_space<vmem>> -> memref<1x128xi32, #tpu.memory_space<vmem>>
        %dma_wait3A_158 = tpu.memref_squeeze %dma_wait3A_157 : memref<1x128xi32, #tpu.memory_space<vmem>> -> memref<128xi32, #tpu.memory_space<vmem>>
        %dma_wait3A_159 = arith.constant 0 : i32
        %dma_wait3A_160 = arith.constant 0 : i32
        %dma_wait3A_161 = tpu.memref_slice %arg14[%dma_wait3A_159, %dma_wait3A_160] : memref<5120x128xf32, #tpu.memory_space<vmem_shared>> -> memref<5120x128xf32, #tpu.memory_space<vmem_shared>>
        tpu.wait_indirect_dma semaphore(%run_scoped3A_149 : memref<!tpu.dma_semaphore, #tpu.memory_space<semaphore_mem>>) src(%arg12 : memref<128x128xf32, #tpu.memory_space<vmem>>) dst(%dma_wait3A_161 : memref<5120x128xf32, #tpu.memory_space<vmem_shared>>)
        tpu.yield
      }) : () -> ()
      %add3A_123 = arith.constant 2 : i32
      %add3A_124 = arith.addi %add3A_84, %add3A_123 : i32
      %add3A_125 = arith.constant 4 : i32
      %add3A_126 = arith.addi %add3A_124, %add3A_125 : i32
      %lt3A_127 = arith.constant 80 : i32
      %lt3A_128 = arith.cmpi slt, %add3A_126, %lt3A_127 : i32
      %convert_element_type3A_129 = arith.extui %lt3A_128 : i1 to i32
      %cond3A_130 = arith.constant 0 : i32
      %cond3A_131 = arith.cmpi ne, %convert_element_type3A_129, %cond3A_130 : i32
      scf.if %cond3A_131 {
        %add3A_149 = arith.constant 2 : i32
        %add3A_150 = arith.addi %add3A_84, %add3A_149 : i32
        %add3A_151 = arith.constant 4 : i32
        %add3A_152 = arith.addi %add3A_150, %add3A_151 : i32
        %dma_start3A_153 = arith.constant 0 : i32
        %dma_start3A_154 = tpu.memref_slice %arg8[%add3A_152, %dma_start3A_153] : memref<80x128xi32, #tpu.memory_space<vmem>> -> memref<1x128xi32, #tpu.memory_space<vmem>>
        %dma_start3A_155 = tpu.memref_squeeze %dma_start3A_154 : memref<1x128xi32, #tpu.memory_space<vmem>> -> memref<128xi32, #tpu.memory_space<vmem>>
        %dma_start3A_156 = arith.constant 0 : i32
        %dma_start3A_157 = arith.constant 0 : i32
        %dma_start3A_158 = tpu.memref_slice %arg2[%dma_start3A_156, %dma_start3A_157] : memref<20000x128xf32, #tpu.memory_space<hbm>> -> memref<20000x128xf32, #tpu.memory_space<hbm>>
        tpu.enqueue_indirect_dma source(%dma_start3A_158 : memref<20000x128xf32, #tpu.memory_space<hbm>>) target(%arg12 : memref<128x128xf32, #tpu.memory_space<vmem>>) offsets(%dma_start3A_155 : memref<128xi32, #tpu.memory_space<vmem>>) semaphore(%arg17 : memref<!tpu.dma_semaphore, #tpu.memory_space<semaphore_mem>>)
      } else {
      }
      %add3A_132 = arith.constant 3 : i32
      %add3A_133 = arith.addi %add3A_84, %add3A_132 : i32
      %dma_wait3A_134 = arith.constant 0 : i32
      %dma_wait3A_135 = tpu.memref_slice %arg8[%add3A_133, %dma_wait3A_134] : memref<80x128xi32, #tpu.memory_space<vmem>> -> memref<1x128xi32, #tpu.memory_space<vmem>>
      %dma_wait3A_136 = tpu.memref_squeeze %dma_wait3A_135 : memref<1x128xi32, #tpu.memory_space<vmem>> -> memref<128xi32, #tpu.memory_space<vmem>>
      %dma_wait3A_137 = arith.constant 0 : i32
      %dma_wait3A_138 = arith.constant 0 : i32
      %dma_wait3A_139 = tpu.memref_slice %arg2[%dma_wait3A_137, %dma_wait3A_138] : memref<20000x128xf32, #tpu.memory_space<hbm>> -> memref<20000x128xf32, #tpu.memory_space<hbm>>
      tpu.wait_indirect_dma semaphore(%arg18 : memref<!tpu.dma_semaphore, #tpu.memory_space<semaphore_mem>>) src(%dma_wait3A_139 : memref<20000x128xf32, #tpu.memory_space<hbm>>) dst(%arg13 : memref<128x128xf32, #tpu.memory_space<vmem>>)
      "tpu.region"() ({
        %run_scoped3A_149 = tpu.sem_alloc : memref<!tpu.dma_semaphore, #tpu.memory_space<semaphore_mem>>
        %dma_start3A_150 = arith.constant 0 : i32
        %dma_start3A_151 = tpu.memref_slice %arg9[%add3A_133, %dma_start3A_150] : memref<80x128xi32, #tpu.memory_space<vmem>> -> memref<1x128xi32, #tpu.memory_space<vmem>>
        %dma_start3A_152 = tpu.memref_squeeze %dma_start3A_151 : memref<1x128xi32, #tpu.memory_space<vmem>> -> memref<128xi32, #tpu.memory_space<vmem>>
        %dma_start3A_153 = arith.constant 0 : i32
        %dma_start3A_154 = arith.constant 0 : i32
        %dma_start3A_155 = tpu.memref_slice %arg14[%dma_start3A_153, %dma_start3A_154] : memref<5120x128xf32, #tpu.memory_space<vmem_shared>> -> memref<5120x128xf32, #tpu.memory_space<vmem_shared>>
        tpu.enqueue_indirect_dma source(%arg13 : memref<128x128xf32, #tpu.memory_space<vmem>>) target(%dma_start3A_155 : memref<5120x128xf32, #tpu.memory_space<vmem_shared>>) offsets(%dma_start3A_152 : memref<128xi32, #tpu.memory_space<vmem>>) semaphore(%run_scoped3A_149 : memref<!tpu.dma_semaphore, #tpu.memory_space<semaphore_mem>>) {add = true}
        %dma_wait3A_156 = arith.constant 0 : i32
        %dma_wait3A_157 = tpu.memref_slice %arg9[%add3A_133, %dma_wait3A_156] : memref<80x128xi32, #tpu.memory_space<vmem>> -> memref<1x128xi32, #tpu.memory_space<vmem>>
        %dma_wait3A_158 = tpu.memref_squeeze %dma_wait3A_157 : memref<1x128xi32, #tpu.memory_space<vmem>> -> memref<128xi32, #tpu.memory_space<vmem>>
        %dma_wait3A_159 = arith.constant 0 : i32
        %dma_wait3A_160 = arith.constant 0 : i32
        %dma_wait3A_161 = tpu.memref_slice %arg14[%dma_wait3A_159, %dma_wait3A_160] : memref<5120x128xf32, #tpu.memory_space<vmem_shared>> -> memref<5120x128xf32, #tpu.memory_space<vmem_shared>>
        tpu.wait_indirect_dma semaphore(%run_scoped3A_149 : memref<!tpu.dma_semaphore, #tpu.memory_space<semaphore_mem>>) src(%arg13 : memref<128x128xf32, #tpu.memory_space<vmem>>) dst(%dma_wait3A_161 : memref<5120x128xf32, #tpu.memory_space<vmem_shared>>)
        tpu.yield
      }) : () -> ()
      %add3A_140 = arith.constant 3 : i32
      %add3A_141 = arith.addi %add3A_84, %add3A_140 : i32
      %add3A_142 = arith.constant 4 : i32
      %add3A_143 = arith.addi %add3A_141, %add3A_142 : i32
      %lt3A_144 = arith.constant 80 : i32
      %lt3A_145 = arith.cmpi slt, %add3A_143, %lt3A_144 : i32
      %convert_element_type3A_146 = arith.extui %lt3A_145 : i1 to i32
      %cond3A_147 = arith.constant 0 : i32
      %cond3A_148 = arith.cmpi ne, %convert_element_type3A_146, %cond3A_147 : i32
      scf.if %cond3A_148 {
        %add3A_149 = arith.constant 3 : i32
        %add3A_150 = arith.addi %add3A_84, %add3A_149 : i32
        %add3A_151 = arith.constant 4 : i32
        %add3A_152 = arith.addi %add3A_150, %add3A_151 : i32
        %dma_start3A_153 = arith.constant 0 : i32
        %dma_start3A_154 = tpu.memref_slice %arg8[%add3A_152, %dma_start3A_153] : memref<80x128xi32, #tpu.memory_space<vmem>> -> memref<1x128xi32, #tpu.memory_space<vmem>>
        %dma_start3A_155 = tpu.memref_squeeze %dma_start3A_154 : memref<1x128xi32, #tpu.memory_space<vmem>> -> memref<128xi32, #tpu.memory_space<vmem>>
        %dma_start3A_156 = arith.constant 0 : i32
        %dma_start3A_157 = arith.constant 0 : i32
        %dma_start3A_158 = tpu.memref_slice %arg2[%dma_start3A_156, %dma_start3A_157] : memref<20000x128xf32, #tpu.memory_space<hbm>> -> memref<20000x128xf32, #tpu.memory_space<hbm>>
        tpu.enqueue_indirect_dma source(%dma_start3A_158 : memref<20000x128xf32, #tpu.memory_space<hbm>>) target(%arg13 : memref<128x128xf32, #tpu.memory_space<vmem>>) offsets(%dma_start3A_155 : memref<128xi32, #tpu.memory_space<vmem>>) semaphore(%arg18 : memref<!tpu.dma_semaphore, #tpu.memory_space<semaphore_mem>>)
      } else {
      }
    }
    %scan3A_74 = arith.constant 20 : i32
    %barrier3A_75 = arith.constant 0 : index
    tpu.barrier barrier_id(%barrier3A_75)
    %mul3A_76 = arith.constant 320 : i32
    %mul3A_77 = arith.muli %arg1, %mul3A_76 : i32
    %mul3A_78 = arith.constant 320 : i32
    %mul3A_79 = arith.muli %arg1, %mul3A_78 : i32
    %run_scoped3A_80 = arith.constant 1 : i32
    "tpu.region"() ({
      %run_scoped3A_81 = tpu.sem_alloc : memref<!tpu.dma_semaphore, #tpu.memory_space<semaphore_mem>>
      %dma_start3A_82 = arith.constant 0 : i32
      %dma_start3A_83 = tpu.memref_slice %arg7[%run_scoped3A_80, %arg0, %mul3A_79, %dma_start3A_82] : memref<2x2x5120x128xf32, #tpu.memory_space<hbm>> -> memref<1x1x320x128xf32, #tpu.memory_space<hbm>>
      %dma_start3A_84 = tpu.memref_squeeze %dma_start3A_83 : memref<1x1x320x128xf32, #tpu.memory_space<hbm>> -> memref<320x128xf32, #tpu.memory_space<hbm>>
      %dma_start3A_85 = arith.constant 0 : i32
      %dma_start3A_86 = tpu.memref_slice %arg14[%mul3A_77, %dma_start3A_85] : memref<5120x128xf32, #tpu.memory_space<vmem_shared>> -> memref<320x128xf32, #tpu.memory_space<vmem_shared>>
      tpu.enqueue_dma source(%dma_start3A_86 : memref<320x128xf32, #tpu.memory_space<vmem_shared>>) target(%dma_start3A_84 : memref<320x128xf32, #tpu.memory_space<hbm>>) target_semaphore(%run_scoped3A_81 : memref<!tpu.dma_semaphore, #tpu.memory_space<semaphore_mem>>)
      %dma_wait3A = arith.constant 0 : i32
      %dma_wait3A_87 = tpu.memref_slice %arg7[%run_scoped3A_80, %arg0, %mul3A_79, %dma_wait3A] : memref<2x2x5120x128xf32, #tpu.memory_space<hbm>> -> memref<1x1x320x128xf32, #tpu.memory_space<hbm>>
      %dma_wait3A_88 = tpu.memref_squeeze %dma_wait3A_87 : memref<1x1x320x128xf32, #tpu.memory_space<hbm>> -> memref<320x128xf32, #tpu.memory_space<hbm>>
      %dma_wait3A_89 = arith.constant 0 : i32
      %dma_wait3A_90 = tpu.memref_slice %arg14[%mul3A_77, %dma_wait3A_89] : memref<5120x128xf32, #tpu.memory_space<vmem_shared>> -> memref<320x128xf32, #tpu.memory_space<vmem_shared>>
      tpu.wait_dma2 semaphore(%run_scoped3A_81 : memref<!tpu.dma_semaphore, #tpu.memory_space<semaphore_mem>>) src(%dma_wait3A_90 : memref<320x128xf32, #tpu.memory_space<vmem_shared>>) dst(%dma_wait3A_88 : memref<320x128xf32, #tpu.memory_space<hbm>>)
      tpu.yield
    }) : () -> ()
    return
  }
}

module attributes {stable_mosaic.version = 14 : i64} {
  func.func @_layer_body(%arg0: i32, %arg1: memref<1000x256xf32, #tpu.memory_space<vmem>>, %arg2: memref<2x1x1000x128xf32, #tpu.memory_space<vmem>>, %arg3: memref<1x1x1000x128xf32, #tpu.memory_space<vmem>>, %arg4: memref<256x256xf32, #tpu.memory_space<vmem>>, %arg5: memref<1x256xf32, #tpu.memory_space<vmem>>, %arg6: memref<256x256xf32, #tpu.memory_space<vmem>>, %arg7: memref<256x256xf32, #tpu.memory_space<vmem>>, %arg8: memref<1x256xf32, #tpu.memory_space<vmem>>, %arg9: memref<1x256xf32, #tpu.memory_space<vmem>>, %arg10: memref<1x256xf32, #tpu.memory_space<vmem>>, %arg11: memref<1000x256xf32, #tpu.memory_space<vmem>>) attributes {dimension_semantics = [#tpu.dimension_semantics<arbitrary>], iteration_bounds = array<i64: 10>, scalar_prefetch = 0 : i64, scratch_operands = 0 : i64, tpu.core_type = #tpu.core_type<tc>, window_params = [{transform_indices = @transform_0, window_bounds = array<i64: 1000, 256>}, {transform_indices = @transform_1, window_bounds = array<i64: 2, 1, 1000, 128>}, {transform_indices = @transform_2, window_bounds = array<i64: 1, 1, 1000, 128>}, {pipeline_mode = #tpu.pipeline_mode<synchronous>, transform_indices = @transform_3, window_bounds = array<i64: 256, 256>}, {pipeline_mode = #tpu.pipeline_mode<synchronous>, transform_indices = @transform_4, window_bounds = array<i64: 1, 256>}, {pipeline_mode = #tpu.pipeline_mode<synchronous>, transform_indices = @transform_5, window_bounds = array<i64: 256, 256>}, {pipeline_mode = #tpu.pipeline_mode<synchronous>, transform_indices = @transform_6, window_bounds = array<i64: 256, 256>}, {pipeline_mode = #tpu.pipeline_mode<synchronous>, transform_indices = @transform_7, window_bounds = array<i64: 1, 256>}, {pipeline_mode = #tpu.pipeline_mode<synchronous>, transform_indices = @transform_8, window_bounds = array<i64: 1, 256>}, {pipeline_mode = #tpu.pipeline_mode<synchronous>, transform_indices = @transform_9, window_bounds = array<i64: 1, 256>}, {transform_indices = @transform_10, window_bounds = array<i64: 1000, 256>}]} {
    %get3A = arith.constant 0 : index
    %get3A_0 = arith.constant 0 : index
    %get3A_1 = arith.constant 0 : index
    %get3A_2 = arith.constant 0 : index
    %get3A_3 = vector.load %arg3[%get3A, %get3A_0, %get3A_1, %get3A_2] : memref<1x1x1000x128xf32, #tpu.memory_space<vmem>>, vector<1x1x1000x1xf32>
    %get3A_4 = vector.shape_cast %get3A_3 : vector<1x1x1000x1xf32> to vector<1000x1xf32>
    %max3A = arith.constant 1.000000e+00 : f32
    %max3A_5 = vector.broadcast %max3A : f32 to vector<1000x1xf32>
    %max3A_6 = arith.maximumf %get3A_4, %max3A_5 : vector<1000x1xf32>
    %min3A = arith.constant 1.000000e+00 : f32
    %min3A_7 = vector.broadcast %min3A : f32 to vector<1000x1xf32>
    %min3A_8 = arith.minimumf %get3A_4, %min3A_7 : vector<1000x1xf32>
    %get3A_9 = arith.constant 0 : index
    %get3A_10 = arith.constant 0 : index
    %get3A_11 = arith.constant 0 : index
    %get3A_12 = arith.constant 0 : index
    %get3A_13 = vector.load %arg2[%get3A_9, %get3A_10, %get3A_11, %get3A_12] : memref<2x1x1000x128xf32, #tpu.memory_space<vmem>>, vector<1x1x1000x128xf32>
    %get3A_14 = vector.shape_cast %get3A_13 : vector<1x1x1000x128xf32> to vector<1000x128xf32>
    %get3A_15 = arith.constant 1 : index
    %get3A_16 = arith.constant 0 : index
    %get3A_17 = arith.constant 0 : index
    %get3A_18 = arith.constant 0 : index
    %get3A_19 = vector.load %arg2[%get3A_15, %get3A_16, %get3A_17, %get3A_18] : memref<2x1x1000x128xf32, #tpu.memory_space<vmem>>, vector<1x1x1000x128xf32>
    %get3A_20 = vector.shape_cast %get3A_19 : vector<1x1x1000x128xf32> to vector<1000x128xf32>
    %concatenate3A = tpu.concatenate %get3A_14, %get3A_20 in 1 : vector<1000x128xf32>, vector<1000x128xf32> -> vector<1000x256xf32>
    %div3A = vector.broadcast %max3A_6 : vector<1000x1xf32> to vector<1000x256xf32>
    %div3A_21 = arith.divf %concatenate3A, %div3A : vector<1000x256xf32>
    %get3A_22 = arith.constant 0 : index
    %get3A_23 = arith.constant 0 : index
    %get3A_24 = vector.load %arg4[%get3A_22, %get3A_23] : memref<256x256xf32, #tpu.memory_space<vmem>>, vector<256x256xf32>
    %dot_general3A = arith.constant dense<0.000000e+00> : vector<1000x256xf32>
    %dot_general3A_25 = tpu.matmul %div3A_21, %get3A_24, %dot_general3A {dimension_numbers = #tpu.dot_dimension_numbers<[1], [0], [0], [1], [0, 0, 1, 1], [], []>, precision = #tpu.contract_precision<fp32>, transpose_lhs_hint = false} : vector<1000x256xf32>, vector<256x256xf32>, vector<1000x256xf32> -> vector<1000x256xf32>
    %get3A_26 = arith.constant 0 : index
    %get3A_27 = arith.constant 0 : index
    %get3A_28 = vector.load %arg5[%get3A_26, %get3A_27] : memref<1x256xf32, #tpu.memory_space<vmem>>, vector<1x256xf32>
    %mul3A = vector.broadcast %min3A_8 : vector<1000x1xf32> to vector<1000x256xf32>
    %mul3A_29 = vector.broadcast %get3A_28 : vector<1x256xf32> to vector<1000x256xf32>
    %mul3A_30 = arith.mulf %mul3A, %mul3A_29 : vector<1000x256xf32>
    %add3A = arith.addf %dot_general3A_25, %mul3A_30 : vector<1000x256xf32>
    %get3A_31 = arith.constant 0 : index
    %get3A_32 = arith.constant 0 : index
    %get3A_33 = vector.load %arg1[%get3A_31, %get3A_32] : memref<1000x256xf32, #tpu.memory_space<vmem>>, vector<1000x256xf32>
    %get3A_34 = arith.constant 0 : index
    %get3A_35 = arith.constant 0 : index
    %get3A_36 = vector.load %arg6[%get3A_34, %get3A_35] : memref<256x256xf32, #tpu.memory_space<vmem>>, vector<256x256xf32>
    %dot_general3A_37 = arith.constant dense<0.000000e+00> : vector<1000x256xf32>
    %dot_general3A_38 = tpu.matmul %get3A_33, %get3A_36, %dot_general3A_37 {dimension_numbers = #tpu.dot_dimension_numbers<[1], [0], [0], [1], [0, 0, 1, 1], [], []>, precision = #tpu.contract_precision<fp32>, transpose_lhs_hint = false} : vector<1000x256xf32>, vector<256x256xf32>, vector<1000x256xf32> -> vector<1000x256xf32>
    %get3A_39 = arith.constant 0 : index
    %get3A_40 = arith.constant 0 : index
    %get3A_41 = vector.load %arg7[%get3A_39, %get3A_40] : memref<256x256xf32, #tpu.memory_space<vmem>>, vector<256x256xf32>
    %dot_general3A_42 = arith.constant dense<0.000000e+00> : vector<1000x256xf32>
    %dot_general3A_43 = tpu.matmul %add3A, %get3A_41, %dot_general3A_42 {dimension_numbers = #tpu.dot_dimension_numbers<[1], [0], [0], [1], [0, 0, 1, 1], [], []>, precision = #tpu.contract_precision<fp32>, transpose_lhs_hint = false} : vector<1000x256xf32>, vector<256x256xf32>, vector<1000x256xf32> -> vector<1000x256xf32>
    %add3A_44 = arith.addf %dot_general3A_38, %dot_general3A_43 : vector<1000x256xf32>
    %get3A_45 = arith.constant 0 : index
    %get3A_46 = arith.constant 0 : index
    %get3A_47 = vector.load %arg8[%get3A_45, %get3A_46] : memref<1x256xf32, #tpu.memory_space<vmem>>, vector<1x256xf32>
    %add3A_48 = vector.broadcast %get3A_47 : vector<1x256xf32> to vector<1000x256xf32>
    %add3A_49 = arith.addf %add3A_44, %add3A_48 : vector<1000x256xf32>
    %mul3A_50 = arith.constant 5.000000e-01 : f32
    %mul3A_51 = vector.broadcast %mul3A_50 : f32 to vector<1000x256xf32>
    %mul3A_52 = arith.mulf %mul3A_51, %add3A_49 : vector<1000x256xf32>
    %mul3A_53 = arith.constant 0.707106769 : f32
    %mul3A_54 = vector.broadcast %mul3A_53 : f32 to vector<1000x256xf32>
    %mul3A_55 = arith.mulf %add3A_49, %mul3A_54 : vector<1000x256xf32>
    %erf3A = math.erf %mul3A_55 : vector<1000x256xf32>
    %add3A_56 = arith.constant 1.000000e+00 : f32
    %add3A_57 = vector.broadcast %add3A_56 : f32 to vector<1000x256xf32>
    %add3A_58 = arith.addf %add3A_57, %erf3A : vector<1000x256xf32>
    %mul3A_59 = arith.mulf %mul3A_52, %add3A_58 : vector<1000x256xf32>
    %reduce_sum3A = arith.constant dense<0.000000e+00> : vector<1000xf32>
    %reduce_sum3A_60 = vector.multi_reduction <add>, %mul3A_59, %reduce_sum3A [1] : vector<1000x256xf32> to vector<1000xf32>
    %broadcast_in_dim3A = vector.shape_cast %reduce_sum3A_60 : vector<1000xf32> to vector<1000x1xf32>
    %div3A_61 = arith.constant 2.560000e+02 : f32
    %div3A_62 = vector.broadcast %div3A_61 : f32 to vector<1000x1xf32>
    %div3A_63 = arith.divf %broadcast_in_dim3A, %div3A_62 : vector<1000x1xf32>
    %sub3A = vector.broadcast %div3A_63 : vector<1000x1xf32> to vector<1000x256xf32>
    %sub3A_64 = arith.subf %mul3A_59, %sub3A : vector<1000x256xf32>
    %integer_pow3A = arith.mulf %sub3A_64, %sub3A_64 : vector<1000x256xf32>
    %reduce_sum3A_65 = arith.constant dense<0.000000e+00> : vector<1000xf32>
    %reduce_sum3A_66 = vector.multi_reduction <add>, %integer_pow3A, %reduce_sum3A_65 [1] : vector<1000x256xf32> to vector<1000xf32>
    %broadcast_in_dim3A_67 = vector.shape_cast %reduce_sum3A_66 : vector<1000xf32> to vector<1000x1xf32>
    %div3A_68 = arith.constant 2.560000e+02 : f32
    %div3A_69 = vector.broadcast %div3A_68 : f32 to vector<1000x1xf32>
    %div3A_70 = arith.divf %broadcast_in_dim3A_67, %div3A_69 : vector<1000x1xf32>
    %sub3A_71 = vector.broadcast %div3A_63 : vector<1000x1xf32> to vector<1000x256xf32>
    %sub3A_72 = arith.subf %mul3A_59, %sub3A_71 : vector<1000x256xf32>
    %add3A_73 = arith.constant 9.99999974E-6 : f32
    %add3A_74 = vector.broadcast %add3A_73 : f32 to vector<1000x1xf32>
    %add3A_75 = arith.addf %div3A_70, %add3A_74 : vector<1000x1xf32>
    %rsqrt3A = math.rsqrt %add3A_75 : vector<1000x1xf32>
    %mul3A_76 = vector.broadcast %rsqrt3A : vector<1000x1xf32> to vector<1000x256xf32>
    %mul3A_77 = arith.mulf %sub3A_72, %mul3A_76 : vector<1000x256xf32>
    %get3A_78 = arith.constant 0 : index
    %get3A_79 = arith.constant 0 : index
    %get3A_80 = vector.load %arg9[%get3A_78, %get3A_79] : memref<1x256xf32, #tpu.memory_space<vmem>>, vector<1x256xf32>
    %mul3A_81 = vector.broadcast %get3A_80 : vector<1x256xf32> to vector<1000x256xf32>
    %mul3A_82 = arith.mulf %mul3A_77, %mul3A_81 : vector<1000x256xf32>
    %get3A_83 = arith.constant 0 : index
    %get3A_84 = arith.constant 0 : index
    %get3A_85 = vector.load %arg10[%get3A_83, %get3A_84] : memref<1x256xf32, #tpu.memory_space<vmem>>, vector<1x256xf32>
    %add3A_86 = vector.broadcast %get3A_85 : vector<1x256xf32> to vector<1000x256xf32>
    %add3A_87 = arith.addf %mul3A_82, %add3A_86 : vector<1000x256xf32>
    %swap3A = arith.constant 0 : index
    %swap3A_88 = arith.constant 0 : index
    %swap3A_89 = vector.load %arg11[%swap3A, %swap3A_88] : memref<1000x256xf32, #tpu.memory_space<vmem>>, vector<1000x256xf32>
    tpu.vector_store %arg11[%swap3A, %swap3A_88], %add3A_87 {strides = array<i32>} : memref<1000x256xf32, #tpu.memory_space<vmem>>, vector<1000x256xf32>,
    return
  }
  func.func @transform_0(%arg0: i32) -> (i32, i32) {
    %c0_i32 = arith.constant 0 : i32
    %c0_i32_0 = arith.constant 0 : i32
    return %arg0, %c0_i32 : i32, i32
  }
  func.func @transform_1(%arg0: i32) -> (i32, i32, i32, i32) {
    %jit3A = arith.constant 5 : i32
    %div3A = arith.divsi %arg0, %jit3A : i32
    %sign3A = arith.constant 0 : i32
    %sign3A_0 = arith.cmpi sgt, %arg0, %sign3A : i32
    %sign3A_1 = arith.extui %sign3A_0 : i1 to i32
    %sign3A_2 = arith.constant 0 : i32
    %sign3A_3 = arith.cmpi slt, %arg0, %sign3A_2 : i32
    %sign3A_4 = arith.extui %sign3A_3 : i1 to i32
    %sign3A_5 = arith.subi %sign3A_1, %sign3A_4 : i32
    %sign3A_6 = arith.constant 0 : i32
    %sign3A_7 = arith.cmpi sgt, %jit3A, %sign3A_6 : i32
    %sign3A_8 = arith.extui %sign3A_7 : i1 to i32
    %sign3A_9 = arith.constant 0 : i32
    %sign3A_10 = arith.cmpi slt, %jit3A, %sign3A_9 : i32
    %sign3A_11 = arith.extui %sign3A_10 : i1 to i32
    %sign3A_12 = arith.subi %sign3A_8, %sign3A_11 : i32
    %ne3A = arith.cmpi ne, %sign3A_5, %sign3A_12 : i32
    %rem3A = arith.remsi %arg0, %jit3A : i32
    %ne3A_13 = arith.constant 0 : i32
    %ne3A_14 = arith.cmpi ne, %rem3A, %ne3A_13 : i32
    %and3A = arith.andi %ne3A, %ne3A_14 : i1
    %sub3A = arith.constant 1 : i32
    %sub3A_15 = arith.subi %div3A, %sub3A : i32
    %select_n3A = arith.select %and3A, %sub3A_15, %div3A : i32
    %jit3A_16 = arith.constant 5 : i32
    %eq3A = arith.constant 0 : i32
    %eq3A_17 = arith.cmpi eq, %jit3A_16, %eq3A : i32
    %jit3A_18 = arith.constant 1 : i32
    %select_n3A_19 = arith.select %eq3A_17, %jit3A_18, %jit3A_16 : i32
    %rem3A_20 = arith.remsi %arg0, %select_n3A_19 : i32
    %ne3A_21 = arith.constant 0 : i32
    %ne3A_22 = arith.cmpi ne, %rem3A_20, %ne3A_21 : i32
    %lt3A = arith.constant 0 : i32
    %lt3A_23 = arith.cmpi slt, %rem3A_20, %lt3A : i32
    %lt3A_24 = arith.constant 0 : i32
    %lt3A_25 = arith.cmpi slt, %select_n3A_19, %lt3A_24 : i32
    %ne3A_26 = arith.xori %lt3A_23, %lt3A_25 : i1
    %and3A_27 = arith.andi %ne3A_26, %ne3A_22 : i1
    %add3A = arith.addi %rem3A_20, %select_n3A_19 : i32
    %select_n3A_28 = arith.select %and3A_27, %add3A, %rem3A_20 : i32
    %c0_i32 = arith.constant 0 : i32
    %c0_i32_29 = arith.constant 0 : i32
    %c0_i32_30 = arith.constant 0 : i32
    return %c0_i32, %select_n3A, %select_n3A_28, %c0_i32_29 : i32, i32, i32, i32
  }
  func.func @transform_2(%arg0: i32) -> (i32, i32, i32, i32) {
    %jit3A = arith.constant 5 : i32
    %div3A = arith.divsi %arg0, %jit3A : i32
    %sign3A = arith.constant 0 : i32
    %sign3A_0 = arith.cmpi sgt, %arg0, %sign3A : i32
    %sign3A_1 = arith.extui %sign3A_0 : i1 to i32
    %sign3A_2 = arith.constant 0 : i32
    %sign3A_3 = arith.cmpi slt, %arg0, %sign3A_2 : i32
    %sign3A_4 = arith.extui %sign3A_3 : i1 to i32
    %sign3A_5 = arith.subi %sign3A_1, %sign3A_4 : i32
    %sign3A_6 = arith.constant 0 : i32
    %sign3A_7 = arith.cmpi sgt, %jit3A, %sign3A_6 : i32
    %sign3A_8 = arith.extui %sign3A_7 : i1 to i32
    %sign3A_9 = arith.constant 0 : i32
    %sign3A_10 = arith.cmpi slt, %jit3A, %sign3A_9 : i32
    %sign3A_11 = arith.extui %sign3A_10 : i1 to i32
    %sign3A_12 = arith.subi %sign3A_8, %sign3A_11 : i32
    %ne3A = arith.cmpi ne, %sign3A_5, %sign3A_12 : i32
    %rem3A = arith.remsi %arg0, %jit3A : i32
    %ne3A_13 = arith.constant 0 : i32
    %ne3A_14 = arith.cmpi ne, %rem3A, %ne3A_13 : i32
    %and3A = arith.andi %ne3A, %ne3A_14 : i1
    %sub3A = arith.constant 1 : i32
    %sub3A_15 = arith.subi %div3A, %sub3A : i32
    %select_n3A = arith.select %and3A, %sub3A_15, %div3A : i32
    %jit3A_16 = arith.constant 5 : i32
    %eq3A = arith.constant 0 : i32
    %eq3A_17 = arith.cmpi eq, %jit3A_16, %eq3A : i32
    %jit3A_18 = arith.constant 1 : i32
    %select_n3A_19 = arith.select %eq3A_17, %jit3A_18, %jit3A_16 : i32
    %rem3A_20 = arith.remsi %arg0, %select_n3A_19 : i32
    %ne3A_21 = arith.constant 0 : i32
    %ne3A_22 = arith.cmpi ne, %rem3A_20, %ne3A_21 : i32
    %lt3A = arith.constant 0 : i32
    %lt3A_23 = arith.cmpi slt, %rem3A_20, %lt3A : i32
    %lt3A_24 = arith.constant 0 : i32
    %lt3A_25 = arith.cmpi slt, %select_n3A_19, %lt3A_24 : i32
    %ne3A_26 = arith.xori %lt3A_23, %lt3A_25 : i1
    %and3A_27 = arith.andi %ne3A_26, %ne3A_22 : i1
    %add3A = arith.addi %rem3A_20, %select_n3A_19 : i32
    %select_n3A_28 = arith.select %and3A_27, %add3A, %rem3A_20 : i32
    %c0_i32 = arith.constant 0 : i32
    %c0_i32_29 = arith.constant 0 : i32
    %c0_i32_30 = arith.constant 0 : i32
    return %c0_i32, %select_n3A, %select_n3A_28, %c0_i32_29 : i32, i32, i32, i32
  }
  func.func @transform_3(%arg0: i32) -> (i32, i32) {
    %c0_i32 = arith.constant 0 : i32
    %c0_i32_0 = arith.constant 0 : i32
    %c0_i32_1 = arith.constant 0 : i32
    return %c0_i32, %c0_i32_0 : i32, i32
  }
  func.func @transform_4(%arg0: i32) -> (i32, i32) {
    %c0_i32 = arith.constant 0 : i32
    %c0_i32_0 = arith.constant 0 : i32
    %c0_i32_1 = arith.constant 0 : i32
    return %c0_i32, %c0_i32_0 : i32, i32
  }
  func.func @transform_5(%arg0: i32) -> (i32, i32) {
    %c0_i32 = arith.constant 0 : i32
    %c0_i32_0 = arith.constant 0 : i32
    %c0_i32_1 = arith.constant 0 : i32
    return %c0_i32, %c0_i32_0 : i32, i32
  }
  func.func @transform_6(%arg0: i32) -> (i32, i32) {
    %c0_i32 = arith.constant 0 : i32
    %c0_i32_0 = arith.constant 0 : i32
    %c0_i32_1 = arith.constant 0 : i32
    return %c0_i32, %c0_i32_0 : i32, i32
  }
  func.func @transform_7(%arg0: i32) -> (i32, i32) {
    %c0_i32 = arith.constant 0 : i32
    %c0_i32_0 = arith.constant 0 : i32
    %c0_i32_1 = arith.constant 0 : i32
    return %c0_i32, %c0_i32_0 : i32, i32
  }
  func.func @transform_8(%arg0: i32) -> (i32, i32) {
    %c0_i32 = arith.constant 0 : i32
    %c0_i32_0 = arith.constant 0 : i32
    %c0_i32_1 = arith.constant 0 : i32
    return %c0_i32, %c0_i32_0 : i32, i32
  }
  func.func @transform_9(%arg0: i32) -> (i32, i32) {
    %c0_i32 = arith.constant 0 : i32
    %c0_i32_0 = arith.constant 0 : i32
    %c0_i32_1 = arith.constant 0 : i32
    return %c0_i32, %c0_i32_0 : i32, i32
  }
  func.func @transform_10(%arg0: i32) -> (i32, i32) {
    %c0_i32 = arith.constant 0 : i32
    %c0_i32_0 = arith.constant 0 : i32
    return %arg0, %c0_i32 : i32, i32
  }
}

module attributes {stable_mosaic.version = 14 : i64} {
  func.func @_layer_body(%arg0: i32, %arg1: memref<1000x256xf32, #tpu.memory_space<vmem>>, %arg2: memref<2x1x1000x128xf32, #tpu.memory_space<vmem>>, %arg3: memref<1x1x1000x128xf32, #tpu.memory_space<vmem>>, %arg4: memref<256x256xf32, #tpu.memory_space<vmem>>, %arg5: memref<1x256xf32, #tpu.memory_space<vmem>>, %arg6: memref<256x256xf32, #tpu.memory_space<vmem>>, %arg7: memref<256x256xf32, #tpu.memory_space<vmem>>, %arg8: memref<1x256xf32, #tpu.memory_space<vmem>>, %arg9: memref<1x256xf32, #tpu.memory_space<vmem>>, %arg10: memref<1x256xf32, #tpu.memory_space<vmem>>, %arg11: memref<256x256xf32, #tpu.memory_space<vmem>>, %arg12: memref<1x256xf32, #tpu.memory_space<vmem>>, %arg13: memref<1x256xf32, #tpu.memory_space<vmem>>, %arg14: memref<1x1xf32, #tpu.memory_space<vmem>>, %arg15: memref<1000x1xf32, #tpu.memory_space<vmem>>) attributes {dimension_semantics = [#tpu.dimension_semantics<arbitrary>], iteration_bounds = array<i64: 10>, scalar_prefetch = 0 : i64, scratch_operands = 0 : i64, tpu.core_type = #tpu.core_type<tc>, window_params = [{transform_indices = @transform_0, window_bounds = array<i64: 1000, 256>}, {transform_indices = @transform_1, window_bounds = array<i64: 2, 1, 1000, 128>}, {transform_indices = @transform_2, window_bounds = array<i64: 1, 1, 1000, 128>}, {pipeline_mode = #tpu.pipeline_mode<synchronous>, transform_indices = @transform_3, window_bounds = array<i64: 256, 256>}, {pipeline_mode = #tpu.pipeline_mode<synchronous>, transform_indices = @transform_4, window_bounds = array<i64: 1, 256>}, {pipeline_mode = #tpu.pipeline_mode<synchronous>, transform_indices = @transform_5, window_bounds = array<i64: 256, 256>}, {pipeline_mode = #tpu.pipeline_mode<synchronous>, transform_indices = @transform_6, window_bounds = array<i64: 256, 256>}, {pipeline_mode = #tpu.pipeline_mode<synchronous>, transform_indices = @transform_7, window_bounds = array<i64: 1, 256>}, {pipeline_mode = #tpu.pipeline_mode<synchronous>, transform_indices = @transform_8, window_bounds = array<i64: 1, 256>}, {pipeline_mode = #tpu.pipeline_mode<synchronous>, transform_indices = @transform_9, window_bounds = array<i64: 1, 256>}, {pipeline_mode = #tpu.pipeline_mode<synchronous>, transform_indices = @transform_10, window_bounds = array<i64: 256, 256>}, {pipeline_mode = #tpu.pipeline_mode<synchronous>, transform_indices = @transform_11, window_bounds = array<i64: 1, 256>}, {pipeline_mode = #tpu.pipeline_mode<synchronous>, transform_indices = @transform_12, window_bounds = array<i64: 1, 256>}, {pipeline_mode = #tpu.pipeline_mode<synchronous>, transform_indices = @transform_13, window_bounds = array<i64: 1, 1>}, {transform_indices = @transform_14, window_bounds = array<i64: 1000, 1>}]} {
    %get3A = arith.constant 0 : index
    %get3A_0 = arith.constant 0 : index
    %get3A_1 = arith.constant 0 : index
    %get3A_2 = arith.constant 0 : index
    %get3A_3 = vector.load %arg3[%get3A, %get3A_0, %get3A_1, %get3A_2] : memref<1x1x1000x128xf32, #tpu.memory_space<vmem>>, vector<1x1x1000x1xf32>
    %get3A_4 = vector.shape_cast %get3A_3 : vector<1x1x1000x1xf32> to vector<1000x1xf32>
    %max3A = arith.constant 1.000000e+00 : f32
    %max3A_5 = vector.broadcast %max3A : f32 to vector<1000x1xf32>
    %max3A_6 = arith.maximumf %get3A_4, %max3A_5 : vector<1000x1xf32>
    %min3A = arith.constant 1.000000e+00 : f32
    %min3A_7 = vector.broadcast %min3A : f32 to vector<1000x1xf32>
    %min3A_8 = arith.minimumf %get3A_4, %min3A_7 : vector<1000x1xf32>
    %get3A_9 = arith.constant 0 : index
    %get3A_10 = arith.constant 0 : index
    %get3A_11 = arith.constant 0 : index
    %get3A_12 = arith.constant 0 : index
    %get3A_13 = vector.load %arg2[%get3A_9, %get3A_10, %get3A_11, %get3A_12] : memref<2x1x1000x128xf32, #tpu.memory_space<vmem>>, vector<1x1x1000x128xf32>
    %get3A_14 = vector.shape_cast %get3A_13 : vector<1x1x1000x128xf32> to vector<1000x128xf32>
    %get3A_15 = arith.constant 1 : index
    %get3A_16 = arith.constant 0 : index
    %get3A_17 = arith.constant 0 : index
    %get3A_18 = arith.constant 0 : index
    %get3A_19 = vector.load %arg2[%get3A_15, %get3A_16, %get3A_17, %get3A_18] : memref<2x1x1000x128xf32, #tpu.memory_space<vmem>>, vector<1x1x1000x128xf32>
    %get3A_20 = vector.shape_cast %get3A_19 : vector<1x1x1000x128xf32> to vector<1000x128xf32>
    %concatenate3A = tpu.concatenate %get3A_14, %get3A_20 in 1 : vector<1000x128xf32>, vector<1000x128xf32> -> vector<1000x256xf32>
    %div3A = vector.broadcast %max3A_6 : vector<1000x1xf32> to vector<1000x256xf32>
    %div3A_21 = arith.divf %concatenate3A, %div3A : vector<1000x256xf32>
    %get3A_22 = arith.constant 0 : index
    %get3A_23 = arith.constant 0 : index
    %get3A_24 = vector.load %arg4[%get3A_22, %get3A_23] : memref<256x256xf32, #tpu.memory_space<vmem>>, vector<256x256xf32>
    %dot_general3A = arith.constant dense<0.000000e+00> : vector<1000x256xf32>
    %dot_general3A_25 = tpu.matmul %div3A_21, %get3A_24, %dot_general3A {dimension_numbers = #tpu.dot_dimension_numbers<[1], [0], [0], [1], [0, 0, 1, 1], [], []>, precision = #tpu.contract_precision<fp32>, transpose_lhs_hint = false} : vector<1000x256xf32>, vector<256x256xf32>, vector<1000x256xf32> -> vector<1000x256xf32>
    %get3A_26 = arith.constant 0 : index
    %get3A_27 = arith.constant 0 : index
    %get3A_28 = vector.load %arg5[%get3A_26, %get3A_27] : memref<1x256xf32, #tpu.memory_space<vmem>>, vector<1x256xf32>
    %mul3A = vector.broadcast %min3A_8 : vector<1000x1xf32> to vector<1000x256xf32>
    %mul3A_29 = vector.broadcast %get3A_28 : vector<1x256xf32> to vector<1000x256xf32>
    %mul3A_30 = arith.mulf %mul3A, %mul3A_29 : vector<1000x256xf32>
    %add3A = arith.addf %dot_general3A_25, %mul3A_30 : vector<1000x256xf32>
    %get3A_31 = arith.constant 0 : index
    %get3A_32 = arith.constant 0 : index
    %get3A_33 = vector.load %arg1[%get3A_31, %get3A_32] : memref<1000x256xf32, #tpu.memory_space<vmem>>, vector<1000x256xf32>
    %get3A_34 = arith.constant 0 : index
    %get3A_35 = arith.constant 0 : index
    %get3A_36 = vector.load %arg6[%get3A_34, %get3A_35] : memref<256x256xf32, #tpu.memory_space<vmem>>, vector<256x256xf32>
    %dot_general3A_37 = arith.constant dense<0.000000e+00> : vector<1000x256xf32>
    %dot_general3A_38 = tpu.matmul %get3A_33, %get3A_36, %dot_general3A_37 {dimension_numbers = #tpu.dot_dimension_numbers<[1], [0], [0], [1], [0, 0, 1, 1], [], []>, precision = #tpu.contract_precision<fp32>, transpose_lhs_hint = false} : vector<1000x256xf32>, vector<256x256xf32>, vector<1000x256xf32> -> vector<1000x256xf32>
    %get3A_39 = arith.constant 0 : index
    %get3A_40 = arith.constant 0 : index
    %get3A_41 = vector.load %arg7[%get3A_39, %get3A_40] : memref<256x256xf32, #tpu.memory_space<vmem>>, vector<256x256xf32>
    %dot_general3A_42 = arith.constant dense<0.000000e+00> : vector<1000x256xf32>
    %dot_general3A_43 = tpu.matmul %add3A, %get3A_41, %dot_general3A_42 {dimension_numbers = #tpu.dot_dimension_numbers<[1], [0], [0], [1], [0, 0, 1, 1], [], []>, precision = #tpu.contract_precision<fp32>, transpose_lhs_hint = false} : vector<1000x256xf32>, vector<256x256xf32>, vector<1000x256xf32> -> vector<1000x256xf32>
    %add3A_44 = arith.addf %dot_general3A_38, %dot_general3A_43 : vector<1000x256xf32>
    %get3A_45 = arith.constant 0 : index
    %get3A_46 = arith.constant 0 : index
    %get3A_47 = vector.load %arg8[%get3A_45, %get3A_46] : memref<1x256xf32, #tpu.memory_space<vmem>>, vector<1x256xf32>
    %add3A_48 = vector.broadcast %get3A_47 : vector<1x256xf32> to vector<1000x256xf32>
    %add3A_49 = arith.addf %add3A_44, %add3A_48 : vector<1000x256xf32>
    %mul3A_50 = arith.constant 5.000000e-01 : f32
    %mul3A_51 = vector.broadcast %mul3A_50 : f32 to vector<1000x256xf32>
    %mul3A_52 = arith.mulf %mul3A_51, %add3A_49 : vector<1000x256xf32>
    %mul3A_53 = arith.constant 0.707106769 : f32
    %mul3A_54 = vector.broadcast %mul3A_53 : f32 to vector<1000x256xf32>
    %mul3A_55 = arith.mulf %add3A_49, %mul3A_54 : vector<1000x256xf32>
    %erf3A = math.erf %mul3A_55 : vector<1000x256xf32>
    %add3A_56 = arith.constant 1.000000e+00 : f32
    %add3A_57 = vector.broadcast %add3A_56 : f32 to vector<1000x256xf32>
    %add3A_58 = arith.addf %add3A_57, %erf3A : vector<1000x256xf32>
    %mul3A_59 = arith.mulf %mul3A_52, %add3A_58 : vector<1000x256xf32>
    %reduce_sum3A = arith.constant dense<0.000000e+00> : vector<1000xf32>
    %reduce_sum3A_60 = vector.multi_reduction <add>, %mul3A_59, %reduce_sum3A [1] : vector<1000x256xf32> to vector<1000xf32>
    %broadcast_in_dim3A = vector.shape_cast %reduce_sum3A_60 : vector<1000xf32> to vector<1000x1xf32>
    %div3A_61 = arith.constant 2.560000e+02 : f32
    %div3A_62 = vector.broadcast %div3A_61 : f32 to vector<1000x1xf32>
    %div3A_63 = arith.divf %broadcast_in_dim3A, %div3A_62 : vector<1000x1xf32>
    %sub3A = vector.broadcast %div3A_63 : vector<1000x1xf32> to vector<1000x256xf32>
    %sub3A_64 = arith.subf %mul3A_59, %sub3A : vector<1000x256xf32>
    %integer_pow3A = arith.mulf %sub3A_64, %sub3A_64 : vector<1000x256xf32>
    %reduce_sum3A_65 = arith.constant dense<0.000000e+00> : vector<1000xf32>
    %reduce_sum3A_66 = vector.multi_reduction <add>, %integer_pow3A, %reduce_sum3A_65 [1] : vector<1000x256xf32> to vector<1000xf32>
    %broadcast_in_dim3A_67 = vector.shape_cast %reduce_sum3A_66 : vector<1000xf32> to vector<1000x1xf32>
    %div3A_68 = arith.constant 2.560000e+02 : f32
    %div3A_69 = vector.broadcast %div3A_68 : f32 to vector<1000x1xf32>
    %div3A_70 = arith.divf %broadcast_in_dim3A_67, %div3A_69 : vector<1000x1xf32>
    %sub3A_71 = vector.broadcast %div3A_63 : vector<1000x1xf32> to vector<1000x256xf32>
    %sub3A_72 = arith.subf %mul3A_59, %sub3A_71 : vector<1000x256xf32>
    %add3A_73 = arith.constant 9.99999974E-6 : f32
    %add3A_74 = vector.broadcast %add3A_73 : f32 to vector<1000x1xf32>
    %add3A_75 = arith.addf %div3A_70, %add3A_74 : vector<1000x1xf32>
    %rsqrt3A = math.rsqrt %add3A_75 : vector<1000x1xf32>
    %mul3A_76 = vector.broadcast %rsqrt3A : vector<1000x1xf32> to vector<1000x256xf32>
    %mul3A_77 = arith.mulf %sub3A_72, %mul3A_76 : vector<1000x256xf32>
    %get3A_78 = arith.constant 0 : index
    %get3A_79 = arith.constant 0 : index
    %get3A_80 = vector.load %arg9[%get3A_78, %get3A_79] : memref<1x256xf32, #tpu.memory_space<vmem>>, vector<1x256xf32>
    %mul3A_81 = vector.broadcast %get3A_80 : vector<1x256xf32> to vector<1000x256xf32>
    %mul3A_82 = arith.mulf %mul3A_77, %mul3A_81 : vector<1000x256xf32>
    %get3A_83 = arith.constant 0 : index
    %get3A_84 = arith.constant 0 : index
    %get3A_85 = vector.load %arg10[%get3A_83, %get3A_84] : memref<1x256xf32, #tpu.memory_space<vmem>>, vector<1x256xf32>
    %add3A_86 = vector.broadcast %get3A_85 : vector<1x256xf32> to vector<1000x256xf32>
    %add3A_87 = arith.addf %mul3A_82, %add3A_86 : vector<1000x256xf32>
    %get3A_88 = arith.constant 0 : index
    %get3A_89 = arith.constant 0 : index
    %get3A_90 = vector.load %arg11[%get3A_88, %get3A_89] : memref<256x256xf32, #tpu.memory_space<vmem>>, vector<256x256xf32>
    %dot_general3A_91 = arith.constant dense<0.000000e+00> : vector<1000x256xf32>
    %dot_general3A_92 = tpu.matmul %add3A_87, %get3A_90, %dot_general3A_91 {dimension_numbers = #tpu.dot_dimension_numbers<[1], [0], [0], [1], [0, 0, 1, 1], [], []>, precision = #tpu.contract_precision<fp32>, transpose_lhs_hint = false} : vector<1000x256xf32>, vector<256x256xf32>, vector<1000x256xf32> -> vector<1000x256xf32>
    %get3A_93 = arith.constant 0 : index
    %get3A_94 = arith.constant 0 : index
    %get3A_95 = vector.load %arg12[%get3A_93, %get3A_94] : memref<1x256xf32, #tpu.memory_space<vmem>>, vector<1x256xf32>
    %add3A_96 = vector.broadcast %get3A_95 : vector<1x256xf32> to vector<1000x256xf32>
    %add3A_97 = arith.addf %dot_general3A_92, %add3A_96 : vector<1000x256xf32>
    %mul3A_98 = arith.constant 5.000000e-01 : f32
    %mul3A_99 = vector.broadcast %mul3A_98 : f32 to vector<1000x256xf32>
    %mul3A_100 = arith.mulf %mul3A_99, %add3A_97 : vector<1000x256xf32>
    %mul3A_101 = arith.constant 0.707106769 : f32
    %mul3A_102 = vector.broadcast %mul3A_101 : f32 to vector<1000x256xf32>
    %mul3A_103 = arith.mulf %add3A_97, %mul3A_102 : vector<1000x256xf32>
    %erf3A_104 = math.erf %mul3A_103 : vector<1000x256xf32>
    %add3A_105 = arith.constant 1.000000e+00 : f32
    %add3A_106 = vector.broadcast %add3A_105 : f32 to vector<1000x256xf32>
    %add3A_107 = arith.addf %add3A_106, %erf3A_104 : vector<1000x256xf32>
    %mul3A_108 = arith.mulf %mul3A_100, %add3A_107 : vector<1000x256xf32>
    %get3A_109 = arith.constant 0 : index
    %get3A_110 = arith.constant 0 : index
    %get3A_111 = vector.load %arg13[%get3A_109, %get3A_110] : memref<1x256xf32, #tpu.memory_space<vmem>>, vector<1x256xf32>
    %mul3A_112 = vector.broadcast %get3A_111 : vector<1x256xf32> to vector<1000x256xf32>
    %mul3A_113 = arith.mulf %mul3A_108, %mul3A_112 : vector<1000x256xf32>
    %reduce_sum3A_114 = arith.constant dense<0.000000e+00> : vector<1000xf32>
    %reduce_sum3A_115 = vector.multi_reduction <add>, %mul3A_113, %reduce_sum3A_114 [1] : vector<1000x256xf32> to vector<1000xf32>
    %broadcast_in_dim3A_116 = vector.shape_cast %reduce_sum3A_115 : vector<1000xf32> to vector<1000x1xf32>
    %get3A_117 = arith.constant 0 : index
    %get3A_118 = arith.constant 0 : index
    %get3A_119 = vector.load %arg14[%get3A_117, %get3A_118] : memref<1x1xf32, #tpu.memory_space<vmem>>, vector<1x1xf32>
    %add3A_120 = vector.broadcast %get3A_119 : vector<1x1xf32> to vector<1000x1xf32>
    %add3A_121 = arith.addf %broadcast_in_dim3A_116, %add3A_120 : vector<1000x1xf32>
    %swap3A = arith.constant 0 : index
    %swap3A_122 = arith.constant 0 : index
    %swap3A_123 = vector.load %arg15[%swap3A, %swap3A_122] : memref<1000x1xf32, #tpu.memory_space<vmem>>, vector<1000x1xf32>
    tpu.vector_store %arg15[%swap3A, %swap3A_122], %add3A_121 {strides = array<i32>} : memref<1000x1xf32, #tpu.memory_space<vmem>>, vector<1000x1xf32>,
    return
  }
  func.func @transform_0(%arg0: i32) -> (i32, i32) {
    %c0_i32 = arith.constant 0 : i32
    %c0_i32_0 = arith.constant 0 : i32
    return %arg0, %c0_i32 : i32, i32
  }
  func.func @transform_1(%arg0: i32) -> (i32, i32, i32, i32) {
    %jit3A = arith.constant 5 : i32
    %div3A = arith.divsi %arg0, %jit3A : i32
    %sign3A = arith.constant 0 : i32
    %sign3A_0 = arith.cmpi sgt, %arg0, %sign3A : i32
    %sign3A_1 = arith.extui %sign3A_0 : i1 to i32
    %sign3A_2 = arith.constant 0 : i32
    %sign3A_3 = arith.cmpi slt, %arg0, %sign3A_2 : i32
    %sign3A_4 = arith.extui %sign3A_3 : i1 to i32
    %sign3A_5 = arith.subi %sign3A_1, %sign3A_4 : i32
    %sign3A_6 = arith.constant 0 : i32
    %sign3A_7 = arith.cmpi sgt, %jit3A, %sign3A_6 : i32
    %sign3A_8 = arith.extui %sign3A_7 : i1 to i32
    %sign3A_9 = arith.constant 0 : i32
    %sign3A_10 = arith.cmpi slt, %jit3A, %sign3A_9 : i32
    %sign3A_11 = arith.extui %sign3A_10 : i1 to i32
    %sign3A_12 = arith.subi %sign3A_8, %sign3A_11 : i32
    %ne3A = arith.cmpi ne, %sign3A_5, %sign3A_12 : i32
    %rem3A = arith.remsi %arg0, %jit3A : i32
    %ne3A_13 = arith.constant 0 : i32
    %ne3A_14 = arith.cmpi ne, %rem3A, %ne3A_13 : i32
    %and3A = arith.andi %ne3A, %ne3A_14 : i1
    %sub3A = arith.constant 1 : i32
    %sub3A_15 = arith.subi %div3A, %sub3A : i32
    %select_n3A = arith.select %and3A, %sub3A_15, %div3A : i32
    %jit3A_16 = arith.constant 5 : i32
    %eq3A = arith.constant 0 : i32
    %eq3A_17 = arith.cmpi eq, %jit3A_16, %eq3A : i32
    %jit3A_18 = arith.constant 1 : i32
    %select_n3A_19 = arith.select %eq3A_17, %jit3A_18, %jit3A_16 : i32
    %rem3A_20 = arith.remsi %arg0, %select_n3A_19 : i32
    %ne3A_21 = arith.constant 0 : i32
    %ne3A_22 = arith.cmpi ne, %rem3A_20, %ne3A_21 : i32
    %lt3A = arith.constant 0 : i32
    %lt3A_23 = arith.cmpi slt, %rem3A_20, %lt3A : i32
    %lt3A_24 = arith.constant 0 : i32
    %lt3A_25 = arith.cmpi slt, %select_n3A_19, %lt3A_24 : i32
    %ne3A_26 = arith.xori %lt3A_23, %lt3A_25 : i1
    %and3A_27 = arith.andi %ne3A_26, %ne3A_22 : i1
    %add3A = arith.addi %rem3A_20, %select_n3A_19 : i32
    %select_n3A_28 = arith.select %and3A_27, %add3A, %rem3A_20 : i32
    %c0_i32 = arith.constant 0 : i32
    %c0_i32_29 = arith.constant 0 : i32
    %c0_i32_30 = arith.constant 0 : i32
    return %c0_i32, %select_n3A, %select_n3A_28, %c0_i32_29 : i32, i32, i32, i32
  }
  func.func @transform_2(%arg0: i32) -> (i32, i32, i32, i32) {
    %jit3A = arith.constant 5 : i32
    %div3A = arith.divsi %arg0, %jit3A : i32
    %sign3A = arith.constant 0 : i32
    %sign3A_0 = arith.cmpi sgt, %arg0, %sign3A : i32
    %sign3A_1 = arith.extui %sign3A_0 : i1 to i32
    %sign3A_2 = arith.constant 0 : i32
    %sign3A_3 = arith.cmpi slt, %arg0, %sign3A_2 : i32
    %sign3A_4 = arith.extui %sign3A_3 : i1 to i32
    %sign3A_5 = arith.subi %sign3A_1, %sign3A_4 : i32
    %sign3A_6 = arith.constant 0 : i32
    %sign3A_7 = arith.cmpi sgt, %jit3A, %sign3A_6 : i32
    %sign3A_8 = arith.extui %sign3A_7 : i1 to i32
    %sign3A_9 = arith.constant 0 : i32
    %sign3A_10 = arith.cmpi slt, %jit3A, %sign3A_9 : i32
    %sign3A_11 = arith.extui %sign3A_10 : i1 to i32
    %sign3A_12 = arith.subi %sign3A_8, %sign3A_11 : i32
    %ne3A = arith.cmpi ne, %sign3A_5, %sign3A_12 : i32
    %rem3A = arith.remsi %arg0, %jit3A : i32
    %ne3A_13 = arith.constant 0 : i32
    %ne3A_14 = arith.cmpi ne, %rem3A, %ne3A_13 : i32
    %and3A = arith.andi %ne3A, %ne3A_14 : i1
    %sub3A = arith.constant 1 : i32
    %sub3A_15 = arith.subi %div3A, %sub3A : i32
    %select_n3A = arith.select %and3A, %sub3A_15, %div3A : i32
    %jit3A_16 = arith.constant 5 : i32
    %eq3A = arith.constant 0 : i32
    %eq3A_17 = arith.cmpi eq, %jit3A_16, %eq3A : i32
    %jit3A_18 = arith.constant 1 : i32
    %select_n3A_19 = arith.select %eq3A_17, %jit3A_18, %jit3A_16 : i32
    %rem3A_20 = arith.remsi %arg0, %select_n3A_19 : i32
    %ne3A_21 = arith.constant 0 : i32
    %ne3A_22 = arith.cmpi ne, %rem3A_20, %ne3A_21 : i32
    %lt3A = arith.constant 0 : i32
    %lt3A_23 = arith.cmpi slt, %rem3A_20, %lt3A : i32
    %lt3A_24 = arith.constant 0 : i32
    %lt3A_25 = arith.cmpi slt, %select_n3A_19, %lt3A_24 : i32
    %ne3A_26 = arith.xori %lt3A_23, %lt3A_25 : i1
    %and3A_27 = arith.andi %ne3A_26, %ne3A_22 : i1
    %add3A = arith.addi %rem3A_20, %select_n3A_19 : i32
    %select_n3A_28 = arith.select %and3A_27, %add3A, %rem3A_20 : i32
    %c1_i32 = arith.constant 1 : i32
    %c0_i32 = arith.constant 0 : i32
    %c0_i32_29 = arith.constant 0 : i32
    return %c1_i32, %select_n3A, %select_n3A_28, %c0_i32 : i32, i32, i32, i32
  }
  func.func @transform_3(%arg0: i32) -> (i32, i32) {
    %c0_i32 = arith.constant 0 : i32
    %c0_i32_0 = arith.constant 0 : i32
    %c0_i32_1 = arith.constant 0 : i32
    return %c0_i32, %c0_i32_0 : i32, i32
  }
  func.func @transform_4(%arg0: i32) -> (i32, i32) {
    %c0_i32 = arith.constant 0 : i32
    %c0_i32_0 = arith.constant 0 : i32
    %c0_i32_1 = arith.constant 0 : i32
    return %c0_i32, %c0_i32_0 : i32, i32
  }
  func.func @transform_5(%arg0: i32) -> (i32, i32) {
    %c0_i32 = arith.constant 0 : i32
    %c0_i32_0 = arith.constant 0 : i32
    %c0_i32_1 = arith.constant 0 : i32
    return %c0_i32, %c0_i32_0 : i32, i32
  }
  func.func @transform_6(%arg0: i32) -> (i32, i32) {
    %c0_i32 = arith.constant 0 : i32
    %c0_i32_0 = arith.constant 0 : i32
    %c0_i32_1 = arith.constant 0 : i32
    return %c0_i32, %c0_i32_0 : i32, i32
  }
  func.func @transform_7(%arg0: i32) -> (i32, i32) {
    %c0_i32 = arith.constant 0 : i32
    %c0_i32_0 = arith.constant 0 : i32
    %c0_i32_1 = arith.constant 0 : i32
    return %c0_i32, %c0_i32_0 : i32, i32
  }
  func.func @transform_8(%arg0: i32) -> (i32, i32) {
    %c0_i32 = arith.constant 0 : i32
    %c0_i32_0 = arith.constant 0 : i32
    %c0_i32_1 = arith.constant 0 : i32
    return %c0_i32, %c0_i32_0 : i32, i32
  }
  func.func @transform_9(%arg0: i32) -> (i32, i32) {
    %c0_i32 = arith.constant 0 : i32
    %c0_i32_0 = arith.constant 0 : i32
    %c0_i32_1 = arith.constant 0 : i32
    return %c0_i32, %c0_i32_0 : i32, i32
  }
  func.func @transform_10(%arg0: i32) -> (i32, i32) {
    %c0_i32 = arith.constant 0 : i32
    %c0_i32_0 = arith.constant 0 : i32
    %c0_i32_1 = arith.constant 0 : i32
    return %c0_i32, %c0_i32_0 : i32, i32
  }
  func.func @transform_11(%arg0: i32) -> (i32, i32) {
    %c0_i32 = arith.constant 0 : i32
    %c0_i32_0 = arith.constant 0 : i32
    %c0_i32_1 = arith.constant 0 : i32
    return %c0_i32, %c0_i32_0 : i32, i32
  }
  func.func @transform_12(%arg0: i32) -> (i32, i32) {
    %c0_i32 = arith.constant 0 : i32
    %c0_i32_0 = arith.constant 0 : i32
    %c0_i32_1 = arith.constant 0 : i32
    return %c0_i32, %c0_i32_0 : i32, i32
  }
  func.func @transform_13(%arg0: i32) -> (i32, i32) {
    %c0_i32 = arith.constant 0 : i32
    %c0_i32_0 = arith.constant 0 : i32
    %c0_i32_1 = arith.constant 0 : i32
    return %c0_i32, %c0_i32_0 : i32, i32
  }
  func.func @transform_14(%arg0: i32) -> (i32, i32) {
    %c0_i32 = arith.constant 0 : i32
    %c0_i32_0 = arith.constant 0 : i32
    return %arg0, %c0_i32 : i32, i32
  }
}

</mosaic_0001>

<sc_bundles>
// kernel: kernel.10.cloned.1.call-start
scs
__scs_entry_jumppad:
0x0: {  	(pc) =	sbr.rel $0x88, $3  }
0x1: {  	(tag) =	ssettag $0x0;
	lr =	simm.s32 $0x1  }
0x2: {  	[smem:$0x3F90] =	sst lr;
	_ =	strace $0xD0000000  }
0x3: {  	_ = 	snop  }
0x4: {  	_ = 	snop  }
0x5: {  	_ = 	snop  }
0x6: {  	_ = 	snop  }
0x7: {  	_ = 	snop  }
__scs_overlays_trampoline_lowered:
0x8: {  	[smem:$0x3F9F] =	sst s0  }
0x9: {  	[smem:$0x3FA0] =	sst s1  }
0xa: {  	[smem:$0x3FA1] =	sst s2  }
0xb: {  	[smem:$0x3FA2] =	sst s3  }
0xc: {  	[smem:$0x3FA3] =	sst s4  }
0xd: {  	[smem:$0x3FA4] =	sst s5  }
0xe: {  	[smem:$0x3FA5] =	sst s6  }
0xf: {  	[smem:$0x3FA6] =	sst s7  }
0x10: {  	[smem:$0x3FA7] =	sst s8  }
0x11: {  	[smem:$0x3FA8] =	sst s9;
	s0 =	simm.s32 @!p0 $0x0  }
0x12: {  	s1 =	sld [smem:$0x3F8E];
	s0 =	simm.s32 @p0 $0x1  }
0x13: {  	[smem:$0x3FA9] =	sst s0;
	s0 =	simm.s32 @!p1 $0x0  }
0x14: {  	s2 =	sld [smem:$0x3F8D];
	s0 =	simm.s32 @p1 $0x1  }
0x15: {  	[smem:$0x3FAA] =	sst s0;
	s0 =	simm.s32 @!p2 $0x0  }
0x16: {  	s3 =	sld [smem:$0x3FDB];
	s0 =	simm.s32 @p2 $0x1  }
0x17: {  	s4 =	simm.s32 $0x1BF5;
	[smem:$0x3FAC] =	sst s0  }
0x18: {  	s0 =	sld [smem:$0x3F8F];
	_ =	swait.ge [sflag:s4], $0x0  }
0x19: {  	s7 =	sld [smem:$0x3F90]  }
0x1a: {  	s8 =	sadd.s32 $0xFFFFE003, lr  }
0x1b: {  	s9 =	sadd.s32 $0xFFFFFEF7, lr;
	s5 =	simm.s32 $0xFFFFFFFF;
	p2 =	slt.u32 s8, $0xFFFFF086  }
0x1c: {  	p1 =	slt.u32 s9, $0xF7A;
	s5 =	simm.s32 @!p2 $0x0  }
0x1d: {  	s5 =	simm.s32 @p1 $0x1;
	p0 =	seq.s32 s7, s2  }
0x1e: {  	s7 =	smul.u32 @!p0 $0xF7A, s2;
	p2 =	seq.s32 @!p0 s5, $0x0  }
0x1f: {  	s9 =	smul.u32 $0xF7A, s1;
	s8 =	simm.s32 @!p0 $0x1BF5;
	p2 =	por !p2, p0  }
0x20: {  	[sflag:s8] =	ssyncset.s32 @!p0 $0xFFFFF086;
	s6 =	sadd.s32 @!p0 s3, s7;
	s7 =	simm.s32 @!p0 $0x108  }
0x21: {  	s3 =	sadd.s32 s3, s9;
	s6 =	sadd.s32 @!p0 $0x88, s6;
	s7 =	simm.s32 @p2 $0x1082  }
0x22: {  	[simem:s7], [sflag:s8] =	dma.local @!p0 [hbm:s6], $0xF7A  }
0x23: {  	s9 =	sor.u32 $0xD0000000, s2;
	s6 =	simm.s32 $0x108;
	_ =	swait.ge @!p0 [sflag:s8], $0x0  }
0x24: {  	s3 =	sadd.s32 $0x88, s3;
	s6 =	simm.s32 @!p1 $0x1082;
	[sflag:s4] =	ssyncset.s32 $0xFFFFF086  }
0x25: {  	[simem:s6], [sflag:s4] =	dma.local [hbm:s3], $0xF7A  }
0x26: {  	[smem:$0x3F90] =	sst s1;
	(tag) =	ssettag s2;
	_ =	strace s9  }
0x27: {  	s1 =	sld [smem:$0x3FA0]  }
0x28: {  	s2 =	sld [smem:$0x3FA1]  }
0x29: {  	s4 =	sld [smem:$0x3FA3]  }
0x2a: {  	p0 =	seq.s32 s5, $0x0;
	s5 =	sld [smem:$0x3FA4]  }
0x2b: {  	s6 =	sld [smem:$0x3FA5]  }
0x2c: {  	s7 =	sld [smem:$0x3FA6]  }
0x2d: {  	s3 =	simm.s32 $0x108;
	s8 =	sld [smem:$0x3FA7]  }
0x2e: {  	s3 =	simm.s32 @!p0 $0x1082;
	s9 =	sld [smem:$0x3FA8]  }
0x2f: {  	lr =	sadd.s32 s0, s3;
	s0 =	sld [smem:$0x3F9F]  }
0x30: {  	s3 =	sld [smem:$0x3FA2]  }
0x31: {  	[smem:$0x3FAB] =	sst s10  }
0x32: {  	s10 =	sld [smem:$0x3FA9];
	_ =	sdelay $0x3  }
0x33: {  	p0 =	seq.s32 s10, $0x1;
	s10 =	sld [smem:$0x3FAB];
	_ =	sdelay $0x3  }
0x34: {  	[smem:$0x3FAB] =	sst s10  }
0x35: {  	s10 =	sld [smem:$0x3FAA];
	_ =	sdelay $0x3  }
0x36: {  	p1 =	seq.s32 s10, $0x1;
	s10 =	sld [smem:$0x3FAB];
	_ =	sdelay $0x3  }
0x37: {  	[smem:$0x3FAB] =	sst s10  }
0x38: {  	s10 =	sld [smem:$0x3FAC]  }
0x39: {  	_ = 	snop;
	(pc) =	sbr.ind lr, $3  }
0x3a: {  	_ = 	snop  }
0x3b: {  	_ = 	snop  }
0x3c: {  	p2 =	seq.s32 s10, $0x1;
	s10 =	sld [smem:$0x3FAB]  }
0x3d: {  	_ =	shalt  }
0x3e: {  	_ =	shalt  }
0x3f: {  	_ =	shalt  }
0x40: {  	_ =	shalt  }
0x41: {  	_ =	shalt  }
0x42: {  	_ =	shalt  }
0x43: {  	_ =	shalt  }
0x44: {  	_ =	shalt  }
0x45: {  	_ =	shalt  }
0x46: {  	_ =	shalt  }
0x47: {  	_ =	shalt  }
0x48: {  	_ =	shalt  }
0x49: {  	_ =	shalt  }
0x4a: {  	_ =	shalt  }
0x4b: {  	_ =	shalt  }
0x4c: {  	_ =	shalt  }
0x4d: {  	_ =	shalt  }
0x4e: {  	_ =	shalt  }
0x4f: {  	_ =	shalt  }
0x50: {  	_ =	shalt  }
0x51: {  	_ =	shalt  }
0x52: {  	_ =	shalt  }
0x53: {  	_ =	shalt  }
0x54: {  	_ =	shalt  }
0x55: {  	_ =	shalt  }
0x56: {  	_ =	shalt  }
0x57: {  	_ =	shalt  }
0x58: {  	_ =	shalt  }
0x59: {  	_ =	shalt  }
0x5a: {  	_ =	shalt  }
0x5b: {  	_ =	shalt  }
0x5c: {  	_ =	shalt  }
0x5d: {  	_ =	shalt  }
0x5e: {  	_ =	shalt  }
0x5f: {  	_ =	shalt  }
0x60: {  	_ =	shalt  }
0x61: {  	_ =	shalt  }
0x62: {  	_ =	shalt  }
0x63: {  	_ =	shalt  }
0x64: {  	_ =	shalt  }
0x65: {  	_ =	shalt  }
0x66: {  	_ =	shalt  }
0x67: {  	_ =	shalt  }
0x68: {  	_ =	shalt  }
0x69: {  	_ =	shalt  }
0x6a: {  	_ =	shalt  }
0x6b: {  	_ =	shalt  }
0x6c: {  	_ =	shalt  }
0x6d: {  	_ =	shalt  }
0x6e: {  	_ =	shalt  }
0x6f: {  	_ =	shalt  }
0x70: {  	_ =	shalt  }
0x71: {  	_ =	shalt  }
0x72: {  	_ =	shalt  }
0x73: {  	_ =	shalt  }
0x74: {  	_ =	shalt  }
0x75: {  	_ =	shalt  }
0x76: {  	_ =	shalt  }
0x77: {  	_ =	shalt  }
0x78: {  	_ =	shalt  }
0x79: {  	_ =	shalt  }
0x7a: {  	_ =	shalt  }
0x7b: {  	_ =	shalt  }
0x7c: {  	_ =	shalt  }
0x7d: {  	_ =	shalt  }
0x7e: {  	_ =	shalt  }
0x7f: {  	_ =	shalt  }
0x80: {  	_ =	shalt  }
0x81: {  	_ =	shalt  }
0x82: {  	_ =	shalt  }
0x83: {  	_ =	shalt  }
0x84: {  	_ =	shalt  }
0x85: {  	_ =	shalt  }
0x86: {  	_ =	shalt  }
0x87: {  	_ =	shalt  }
.Lfunc_end0:
.L_simem_size_0:
called_computation.1_lowered:
.L_overlay_start_0:
0x88: {  	s2 =	sld [smem:$0x3FD9]  }
0x89: {  	s3 =	sld [smem:$0x3FFE];
	_ =	sdelay $0x1  }
0x8a: {  	s1 =	srdreg.scid  }
0x8b: {  	s0 =	sand.u32 $0x1, s1  }
0x8c: {  	s16 =	sshll.u32 s0, $0xA;
	s2 =	sadd.s32 s3, s2  }
0x8d: {  	s2 =	sadd.s32 s2, s16  }
0x8e: {  	[smem:$0x3FB7] =	sst s2  }
0x8f: {  	_ = 	snop  }
0x90: {  	(tm) =	ssettm $0x1  }
0x91: {  	s17 =	sld [smem:$0x3FFB];
	_ =	sdelay $0x3  }
0x92: {  	_ =	strace s17  }
0x93: {  	s2 =	sld [smem:$0x3FFC];
	_ =	sdelay $0x3  }
0x94: {  	_ =	strace s2  }
0x95: {  	s2 =	sld [smem:$0x3FFD];
	_ =	sdelay $0x3  }
0x96: {  	_ =	strace s2  }
0x97: {  	_ =	strace $0x8FFFFFFF  }
0x98: {  	s18 =	sld [smem:$0x3FDB];
	_ =	sdelay $0x1  }
0x99: {  	s19 =	simm.s32 $_scs_section_size  }
0x9a: {  	s4 =	simm.s32 $_size__tile_overlayer_lowered;
	s5 =	simm.s32 $_tile_overlayer_lowered  }
0x9b: {  	s22 =	simm.s32 $0x1BFF;
	s21 =	sshll.u32 s5, $0x1;
	s2 =	sadd.s32 s19, s18  }
0x9c: {  	s6 =	simm.s32 $0x0;
	s20 =	sshll.u32 s4, $0x1;
	s4 =	sadd.s32 s21, s2  }
0x9d: {  	[timem:s6], [sflag:s22] =	dma.local [hbm:s4], s20  }
0x9e: {  	_ =	swait.ge [sflag:s22], s20  }
0x9f: {  	s3 =	ssub.s32 $0x0, s20;
	[sflag:s22] =	ssyncset.done $0x0  }
0xa0: {  	[sflag:s22] =	ssyncadd.s32 s3;
	_ =	sdelay $0x1  }
0xa1: {  	s23 =	simm.s32 $0x1B8B  }
0xa2: {  	_ =	swait.ge [sflag:s23], $0x1  }
0xa3: {  	[sflag:s23] =	ssyncset.done $0x0  }
0xa4: {  	s25 =	simm.s32 $0x1B8E;
	s24 =	sld [smem:$0x3FFE];
	[sflag:s23] =	ssyncadd.s32 $0xFFFFFFFF  }
0xa5: {  	s26 =	simm.s32 $execute0_lowered;
	[smem:$0x3FD2] =	sst s25  }
0xa6: {  	s4 =	sshll.u32 s26, $0x1;
	_ =	strace $0x80000049;
	[dreg:$0x1] =	wrdreg $0xFFFFFFFF  }
0xa7: {  	s28 =	simm.s32 $_size_execute0_lowered;
	s2 =	sadd.s32 s2, s4;
	[dreg:$0x0] =	wrdreg $0x0  }
0xa8: {  	s4 =	sshll.u32 s28, $0x1;
	[dreg:$0x2] =	wrdreg s2  }
0xa9: {  	[dreg:$0x3] =	wrdreg s4  }
0xaa: {  	[dreg:$0x4] =	wrdreg $0xC0  }
0xab: {  	_ =	task [dreg:s6], $0x5FFFF  }
0xac: {  	[dreg:$0x1] =	wrdreg $0xFFFFFFFF  }
0xad: {  	[dreg:$0x0] =	wrdreg $0x60  }
0xae: {  	[dreg:$0x2] =	wrdreg s24  }
0xaf: {  	[dreg:$0x3] =	wrdreg $0x150000  }
0xb0: {  	[dreg:$0x4] =	wrdreg $0x9  }
0xb1: {  	_ =	task.clear_ibuf [dreg:s6], $0x5FFFF;
	_ =	strace $0x90000049  }
0xb2: {  	s29 =	simm.s32 $0x9;
	_ =	strace $0x8000004B  }
0xb3: {  	_ =	swait.ge [sflag:s29], $0x1  }
0xb4: {  	[sflag:s29] =	ssyncadd.s32 $0xFFFFFFFF  }
0xb5: {  	_ =	strace $0x9000004B  }
0xb6: {  	_ =	sfence  }
0xb7: {  	s30 =	sld [smem:$0x0];
	_ =	sdelay $0x2  }
0xb8: {  	s31 =	sshll.u32 s1, $0xD;
	s1 =	sshrl.u32 s1, $0x2  }
0xb9: {  	s3 =	sand.u32 $0x4000, s31;
	s1 =	sadd.s32 s1, s30  }
0xba: {  	s0 =	sor.u32 s3, s0;
	s1 =	sshll.u32 s1, $0x11  }
0xbb: {  	s0 =	sor.u32 s1, s0  }
0xbc: {  	s0 =	sadd.s32 $0x8F2B, s0  }
0xbd: {  	[sflag:s0] =	ssyncadd.remote.s32 $0x1  }
0xbe: {  	_ =	sfence.sel $0xFFFF  }
0xbf: {  	[dreg:$0x0] =	wrdreg $0xFFFFFFFF;
	(pc) =	sbr.abs _section_cstart, $3  }
0xc0: {  	[dreg:$0x1] =	wrdreg $0xFFFFFFFF  }
0xc1: {  	_ =	task.clear_ibuf [dreg:s6], $0x2FFFF;
	_ =	strace $0x9FFFFFFF  }
0xc2: {  	(tm) =	ssettm $0x7FFFFFFF  }
0xc3: {  	_ =	shalt  }
tec
execute0_lowered:
.L_overlay_start_1:
0x0: {  	(tag) =	ssettag $0x1  }
0x1: {  	s0 =	rddreg [dreg:$0x0];
	s14 =	stileid.u32  }
0x2: {  	s1 =	srdreg.scid;
	s2 =	rddreg [dreg:$0x1]  }
0x3: {  	s3 =	simm.s32 $0x0;
	s13 =	simm.s32 $0x5;
	s16 =	simm.s32 $0x80  }
0x4: {  	s17 =	simm.s32 $0x5000;
	s18 =	simm.s32 $0x9000;
	s19 =	simm.s32 $0x100  }
0x5: {  	s20 =	simm.s32 $0xD000;
	s28 =	simm.s32 $0x4E00;
	s5 =	smul.u32 $0x2800, s14  }
0x6: {  	s29 =	simm.s32 $0x4E80;
	s30 =	simm.s32 $0x4F00;
	s8 =	smul.u32 $0xA000, s14  }
0x7: {  	s31 =	simm.s32 $0x4F80;
	s1 =	sand.u32 $0x1, s1;
	s22 =	smul.u32 $0x28000, s14  }
0x8: {  	[smem:$0x7FF] =	sst s3;
	s26 =	sshll.u32 s14, $0x6;
	s4 =	smul.u32 $0x28000, s1  }
0x9: {  	s6 =	smul.u32 $0xA0000, s1;
	_ =	strace $0x8000004A;
	s1 =	ssub.s32 $0x2, s1  }
0xa: {  	s14 =	sor.u32 $0x1C05, s26;
	s26 =	simm.s32 $0x4;
	s23 =	sshrl.u32 s1, $0x1  }
0xb: {  	s25 =	sshrl.u32 s22, $0x2;
	s22 =	simm.s32 $0x11000;
	s7 =	sadd.s32 s5, s4  }
0xc: {  	s4 =	sadd.s32 $0x68800, s0;
	s5 =	sshrl.u32 s5, $0x3;
	s21 =	sadd.s32 s8, s6  }
0xd: {  	s1 =	ssub.s32 s1, s23;
	s12 =	sadd.s32 s25, s2;
	s23 =	simm.s32 $0x1  }
0xe: {  	s25 =	simm.s32 $0x3;
	s7 =	sshrl.u32 s7, $0x3;
	s9 =	sadd.s32 s5, s0  }
0xf: {  	s6 =	sshrl.u32 s21, $0x3;
	s5 =	sadd.s32 $0x16C00, s0;
	s11 =	smax.u32 s1, $0x1  }
0x10: {  	s15 =	sshrl.u32 s12, $0x3;
	s21 =	simm.s32 $0x180;
	s7 =	sadd.s32 s7, s0  }
0x11: {  	s1 =	simm.s32 $0x0;
	s0 =	sadd.s32 s6, s0;
	s24 =	sadd.s32 $0xB6A00, s7  }
0x12: {  	s7 =	sadd.s32 $0xC0A00, s9;
	s8 =	sadd.s32 $0xCAA00, s0;
	s9 =	sadd.s32 $0xC5A00, s9  }
0x13: {  	s10 =	sadd.s32 $0xF2A00, s0;
	[dreg:$0x3] =	wrdreg s24;
	s24 =	simm.s32 $0x2  }
.LBB2_1:
0x14: {  	s0 =	rddreg [dreg:$0x3];
	s6 =	simm.s32 $0x2800  }
0x15: {  	[tilespmem:s6], [sflag:$0x5] =	stream.linear.gather [hbm4b:s0+s3], $0x2800, $0x38;
	[tilespmem:$0x1F000] =	vst v63  }
0x16: {  	_ =	swait.ge [sflag:s13], $0x2800  }
0x17: {  	[sflag:s13] =	ssyncset.done $0x0  }
0x18: {  	[sflag:s13] =	ssyncadd.s32 $0xFFFFD800  }
0x19: {  	[spmem:s15], [sflag:s14] =	dma.local [hbm:s5], $0x1400  }
0x1a: {  	_ =	swait.ge [sflag:s13], $0x1400  }
0x1b: {  	[sflag:s13] =	ssyncset.done $0x0  }
0x1c: {  	[sflag:s13] =	ssyncadd.s32 $0xFFFFEC00  }
0x1d: {  	[tilespmem:s3], [sflag:$0x5] =	stream.linear.gather [hbm4b:s7+s3], $0x2800, $0x38;
	[tilespmem:$0x1F000] =	vst v63  }
0x1e: {  	_ =	swait.ge [sflag:s13], $0x2800  }
0x1f: {  	[sflag:s13] =	ssyncset.done $0x0  }
0x20: {  	[sflag:s13] =	ssyncadd.s32 $0xFFFFD800  }
0x21: {  	[bflag:$0x0] =	sbarrier.arrive $0xFFFF  }
0x22: {  	[tilespmem:s17], [sflag:$0x1] =	stream.indirect.gather [hbm4b:s4+s16], $0x80, s3, s16, $0xb8;
	[tilespmem:$0x1F000] =	vst v63  }
0x23: {  	_ = 	snop  }
0x24: {  	[tilespmem:s18], [sflag:$0x2] =	stream.indirect.gather [hbm4b:s4+s16], $0x80, s16, s16, $0xb8;
	[tilespmem:$0x1F000] =	vst v63  }
0x25: {  	_ = 	snop  }
0x26: {  	[tilespmem:s20], [sflag:$0x3] =	stream.indirect.gather [hbm4b:s4+s16], $0x80, s19, s16, $0xb8;
	[tilespmem:$0x1F000] =	vst v63  }
0x27: {  	_ = 	snop  }
0x28: {  	[tilespmem:s22], [sflag:$0x4] =	stream.indirect.gather [hbm4b:s4+s16], $0x80, s21, s16, $0xb8;
	[tilespmem:$0x1F000] =	vst v63  }
0x29: {  	_ =	swait.ge [sflag:s23], $0x4000  }
0x2a: {  	[sflag:s23] =	ssyncset.done $0x0  }
0x2b: {  	s12 =	simm.s32 $0x2800;
	[sflag:s23] =	ssyncadd.s32 $0xFFFFC000  }
0x2c: {  	[spmem:s2] =	stream.indirect.scatter.add.f32 [tilespmem:s17], [sflag:$0x5], $0x80, s12, s16, $0xb8;
	[tilespmem:$0x1F000] =	vst v63  }
0x2d: {  	_ =	swait.ge [sflag:s13], $0x4000  }
0x2e: {  	[sflag:s13] =	ssyncset.done $0x0  }
0x2f: {  	s6 =	simm.s32 $0x200;
	[sflag:s13] =	ssyncadd.s32 $0xFFFFC000  }
0x30: {  	[tilespmem:s17], [sflag:$0x1] =	stream.indirect.gather [hbm4b:s4+s16], $0x80, s6, s16, $0xb8;
	[tilespmem:$0x1F000] =	vst v63  }
0x31: {  	_ =	swait.ge [sflag:s24], $0x4000  }
0x32: {  	[sflag:s24] =	ssyncset.done $0x0  }
0x33: {  	s12 =	simm.s32 $0x2880;
	[sflag:s24] =	ssyncadd.s32 $0xFFFFC000  }
0x34: {  	[spmem:s2] =	stream.indirect.scatter.add.f32 [tilespmem:s18], [sflag:$0x5], $0x80, s12, s16, $0xb8;
	[tilespmem:$0x1F000] =	vst v63  }
0x35: {  	_ =	swait.ge [sflag:s13], $0x4000  }
0x36: {  	[sflag:s13] =	ssyncset.done $0x0  }
0x37: {  	s6 =	simm.s32 $0x280;
	[sflag:s13] =	ssyncadd.s32 $0xFFFFC000  }
0x38: {  	[tilespmem:s18], [sflag:$0x2] =	stream.indirect.gather [hbm4b:s4+s16], $0x80, s6, s16, $0xb8;
	[tilespmem:$0x1F000] =	vst v63  }
0x39: {  	_ =	swait.ge [sflag:s25], $0x4000  }
0x3a: {  	[sflag:s25] =	ssyncset.done $0x0  }
0x3b: {  	s12 =	simm.s32 $0x2900;
	[sflag:s25] =	ssyncadd.s32 $0xFFFFC000  }
0x3c: {  	[spmem:s2] =	stream.indirect.scatter.add.f32 [tilespmem:s20], [sflag:$0x5], $0x80, s12, s16, $0xb8;
	[tilespmem:$0x1F000] =	vst v63  }
0x3d: {  	_ =	swait.ge [sflag:s13], $0x4000  }
0x3e: {  	[sflag:s13] =	ssyncset.done $0x0  }
0x3f: {  	s6 =	simm.s32 $0x300;
	[sflag:s13] =	ssyncadd.s32 $0xFFFFC000  }
0x40: {  	[tilespmem:s20], [sflag:$0x3] =	stream.indirect.gather [hbm4b:s4+s16], $0x80, s6, s16, $0xb8;
	[tilespmem:$0x1F000] =	vst v63  }
0x41: {  	_ =	swait.ge [sflag:s26], $0x4000  }
0x42: {  	[sflag:s26] =	ssyncset.done $0x0  }
0x43: {  	s12 =	simm.s32 $0x2980;
	[sflag:s26] =	ssyncadd.s32 $0xFFFFC000  }
0x44: {  	[spmem:s2] =	stream.indirect.scatter.add.f32 [tilespmem:s22], [sflag:$0x5], $0x80, s12, s16, $0xb8;
	[tilespmem:$0x1F000] =	vst v63  }
0x45: {  	_ =	swait.ge [sflag:s13], $0x4000  }
0x46: {  	[sflag:s13] =	ssyncset.done $0x0  }
0x47: {  	s0 =	simm.s32 $0x800;
	s12 =	simm.s32 $0x380;
	[sflag:s13] =	ssyncadd.s32 $0xFFFFC000  }
.LBB2_2:
0x48: {  	[tilespmem:s22], [sflag:$0x4] =	stream.indirect.gather [hbm4b:s4+s16], $0x80, s12, s16, $0xb8;
	[tilespmem:$0x1F000] =	vst v63  }
0x49: {  	s12 =	smov.u32 s0  }
0x4a: {  	p0 =	sne.s32 s0, $0x9000;
	s0 =	sadd.s32 $0x800, s0;
	_ =	swait.ge [sflag:s23], $0x4000  }
0x4b: {  	s12 =	sshra.s32 s12, $0x2;
	[sflag:s23] =	ssyncset.done $0x0  }
0x4c: {  	s6 =	sadd.s32 $0x2800, s12;
	[sflag:s23] =	ssyncadd.s32 $0xFFFFC000  }
0x4d: {  	[spmem:s2] =	stream.indirect.scatter.add.f32 [tilespmem:s17], [sflag:$0x5], $0x80, s6, s16, $0xb8;
	[tilespmem:$0x1F000] =	vst v63  }
0x4e: {  	_ =	swait.ge [sflag:s13], $0x4000  }
0x4f: {  	[sflag:s13] =	ssyncset.done $0x0  }
0x50: {  	s6 =	sadd.s32 $0x200, s12;
	[sflag:s13] =	ssyncadd.s32 $0xFFFFC000  }
0x51: {  	[tilespmem:s17], [sflag:$0x1] =	stream.indirect.gather [hbm4b:s4+s16], $0x80, s6, s16, $0xb8;
	[tilespmem:$0x1F000] =	vst v63  }
0x52: {  	_ =	swait.ge [sflag:s24], $0x4000  }
0x53: {  	[sflag:s24] =	ssyncset.done $0x0  }
0x54: {  	s6 =	sadd.s32 $0x2880, s12;
	[sflag:s24] =	ssyncadd.s32 $0xFFFFC000  }
0x55: {  	[spmem:s2] =	stream.indirect.scatter.add.f32 [tilespmem:s18], [sflag:$0x5], $0x80, s6, s16, $0xb8;
	[tilespmem:$0x1F000] =	vst v63  }
0x56: {  	_ =	swait.ge [sflag:s13], $0x4000  }
0x57: {  	[sflag:s13] =	ssyncset.done $0x0  }
0x58: {  	s6 =	sadd.s32 $0x280, s12;
	[sflag:s13] =	ssyncadd.s32 $0xFFFFC000  }
0x59: {  	[tilespmem:s18], [sflag:$0x2] =	stream.indirect.gather [hbm4b:s4+s16], $0x80, s6, s16, $0xb8;
	[tilespmem:$0x1F000] =	vst v63  }
0x5a: {  	_ =	swait.ge [sflag:s25], $0x4000  }
0x5b: {  	[sflag:s25] =	ssyncset.done $0x0  }
0x5c: {  	s6 =	sadd.s32 $0x2900, s12;
	[sflag:s25] =	ssyncadd.s32 $0xFFFFC000  }
0x5d: {  	[spmem:s2] =	stream.indirect.scatter.add.f32 [tilespmem:s20], [sflag:$0x5], $0x80, s6, s16, $0xb8;
	[tilespmem:$0x1F000] =	vst v63  }
0x5e: {  	_ =	swait.ge [sflag:s13], $0x4000  }
0x5f: {  	[sflag:s13] =	ssyncset.done $0x0  }
0x60: {  	s6 =	sadd.s32 $0x300, s12;
	[sflag:s13] =	ssyncadd.s32 $0xFFFFC000  }
0x61: {  	[tilespmem:s20], [sflag:$0x3] =	stream.indirect.gather [hbm4b:s4+s16], $0x80, s6, s16, $0xb8;
	[tilespmem:$0x1F000] =	vst v63  }
0x62: {  	_ =	swait.ge [sflag:s26], $0x4000  }
0x63: {  	[sflag:s26] =	ssyncset.done $0x0  }
.Ltmp0:
0x64: {  	s6 =	sadd.s32 $0x2980, s12;
	[sflag:s26] =	ssyncadd.s32 $0xFFFFC000;
	(pc) =	sbr.rel @p0 .LBB2_2-.Ltmp0, $4  }
0x65: {  	[spmem:s2] =	stream.indirect.scatter.add.f32 [tilespmem:s22], [sflag:$0x5], $0x80, s6, s16, $0xb8;
	[tilespmem:$0x1F000] =	vst v63  }
0x66: {  	_ =	swait.ge [sflag:s13], $0x4000  }
0x67: {  	[sflag:s13] =	ssyncset.done $0x0  }
0x68: {  	s12 =	sadd.s32 $0x380, s12;
	[sflag:s13] =	ssyncadd.s32 $0xFFFFC000  }
0x69: {  	[tilespmem:s22], [sflag:$0x4] =	stream.indirect.gather [hbm4b:s4+s16], $0x80, s12, s16, $0xb8;
	[tilespmem:$0x1F000] =	vst v63  }
0x6a: {  	_ =	swait.ge [sflag:s23], $0x4000  }
0x6b: {  	[sflag:s23] =	ssyncset.done $0x0  }
0x6c: {  	[sflag:s23] =	ssyncadd.s32 $0xFFFFC000  }
0x6d: {  	[spmem:s2] =	stream.indirect.scatter.add.f32 [tilespmem:s17], [sflag:$0x5], $0x80, s28, s16, $0xb8;
	[tilespmem:$0x1F000] =	vst v63  }
0x6e: {  	_ =	swait.ge [sflag:s13], $0x4000  }
0x6f: {  	[sflag:s13] =	ssyncset.done $0x0  }
0x70: {  	[sflag:s13] =	ssyncadd.s32 $0xFFFFC000  }
0x71: {  	_ =	swait.ge [sflag:s24], $0x4000  }
0x72: {  	[sflag:s24] =	ssyncset.done $0x0  }
0x73: {  	[sflag:s24] =	ssyncadd.s32 $0xFFFFC000  }
0x74: {  	[spmem:s2] =	stream.indirect.scatter.add.f32 [tilespmem:s18], [sflag:$0x5], $0x80, s29, s16, $0xb8;
	[tilespmem:$0x1F000] =	vst v63  }
0x75: {  	_ =	swait.ge [sflag:s13], $0x4000  }
0x76: {  	[sflag:s13] =	ssyncset.done $0x0  }
0x77: {  	[sflag:s13] =	ssyncadd.s32 $0xFFFFC000  }
0x78: {  	_ =	swait.ge [sflag:s25], $0x4000  }
0x79: {  	[sflag:s25] =	ssyncset.done $0x0  }
0x7a: {  	[sflag:s25] =	ssyncadd.s32 $0xFFFFC000  }
0x7b: {  	[spmem:s2] =	stream.indirect.scatter.add.f32 [tilespmem:s20], [sflag:$0x5], $0x80, s30, s16, $0xb8;
	[tilespmem:$0x1F000] =	vst v63  }
0x7c: {  	_ =	swait.ge [sflag:s13], $0x4000  }
0x7d: {  	[sflag:s13] =	ssyncset.done $0x0  }
0x7e: {  	[sflag:s13] =	ssyncadd.s32 $0xFFFFC000  }
0x7f: {  	_ =	swait.ge [sflag:s26], $0x4000  }
0x80: {  	[sflag:s26] =	ssyncset.done $0x0  }
0x81: {  	[sflag:s26] =	ssyncadd.s32 $0xFFFFC000  }
0x82: {  	[spmem:s2] =	stream.indirect.scatter.add.f32 [tilespmem:s22], [sflag:$0x5], $0x80, s31, s16, $0xb8;
	[tilespmem:$0x1F000] =	vst v63  }
0x83: {  	_ =	swait.ge [sflag:s13], $0x4000  }
0x84: {  	[sflag:s13] =	ssyncset.done $0x0  }
0x85: {  	[sflag:s13] =	ssyncadd.s32 $0xFFFFC000  }
0x86: {  	[bflag:$0x0] =	sbarrier.arrive $0xFFFF  }
0x87: {  	[hbm:s8], [sflag:s14] =	dma.local [spmem:s15], $0x1400  }
0x88: {  	_ =	swait.ge [sflag:s13], $0x1400  }
0x89: {  	[sflag:s13] =	ssyncset.done $0x0  }
0x8a: {  	[sflag:s13] =	ssyncadd.s32 $0xFFFFEC00  }
0x8b: {  	[spmem:s15], [sflag:s14] =	dma.local [hbm:s5], $0x1400  }
0x8c: {  	_ =	swait.ge [sflag:s13], $0x1400  }
0x8d: {  	[sflag:s13] =	ssyncset.done $0x0  }
0x8e: {  	s0 =	simm.s32 $0x0;
	[sflag:s13] =	ssyncadd.s32 $0xFFFFEC00  }
0x8f: {  	[tilespmem:s0], [sflag:$0x5] =	stream.linear.gather [hbm4b:s9+s0], $0x2800, $0x38;
	[tilespmem:$0x1F000] =	vst v63  }
0x90: {  	_ =	swait.ge [sflag:s13], $0x2800  }
0x91: {  	[sflag:s13] =	ssyncset.done $0x0  }
0x92: {  	[sflag:s13] =	ssyncadd.s32 $0xFFFFD800  }
0x93: {  	[bflag:$0x0] =	sbarrier.arrive $0xFFFF  }
0x94: {  	[tilespmem:s17], [sflag:$0x1] =	stream.indirect.gather [hbm4b:s4+s16], $0x80, s0, s16, $0xb8;
	[tilespmem:$0x1F000] =	vst v63  }
0x95: {  	_ = 	snop  }
0x96: {  	[tilespmem:s18], [sflag:$0x2] =	stream.indirect.gather [hbm4b:s4+s16], $0x80, s16, s16, $0xb8;
	[tilespmem:$0x1F000] =	vst v63  }
0x97: {  	_ = 	snop  }
0x98: {  	[tilespmem:s20], [sflag:$0x3] =	stream.indirect.gather [hbm4b:s4+s16], $0x80, s19, s16, $0xb8;
	[tilespmem:$0x1F000] =	vst v63  }
0x99: {  	_ = 	snop  }
0x9a: {  	[tilespmem:s22], [sflag:$0x4] =	stream.indirect.gather [hbm4b:s4+s16], $0x80, s21, s16, $0xb8;
	[tilespmem:$0x1F000] =	vst v63  }
0x9b: {  	_ =	swait.ge [sflag:s23], $0x4000  }
0x9c: {  	[sflag:s23] =	ssyncset.done $0x0  }
0x9d: {  	s12 =	simm.s32 $0x2800;
	[sflag:s23] =	ssyncadd.s32 $0xFFFFC000  }
0x9e: {  	[spmem:s2] =	stream.indirect.scatter.add.f32 [tilespmem:s17], [sflag:$0x5], $0x80, s12, s16, $0xb8;
	[tilespmem:$0x1F000] =	vst v63  }
0x9f: {  	_ =	swait.ge [sflag:s13], $0x4000  }
0xa0: {  	[sflag:s13] =	ssyncset.done $0x0  }
0xa1: {  	s6 =	simm.s32 $0x200;
	[sflag:s13] =	ssyncadd.s32 $0xFFFFC000  }
0xa2: {  	[tilespmem:s17], [sflag:$0x1] =	stream.indirect.gather [hbm4b:s4+s16], $0x80, s6, s16, $0xb8;
	[tilespmem:$0x1F000] =	vst v63  }
0xa3: {  	_ =	swait.ge [sflag:s24], $0x4000  }
0xa4: {  	[sflag:s24] =	ssyncset.done $0x0  }
0xa5: {  	s12 =	simm.s32 $0x2880;
	[sflag:s24] =	ssyncadd.s32 $0xFFFFC000  }
0xa6: {  	[spmem:s2] =	stream.indirect.scatter.add.f32 [tilespmem:s18], [sflag:$0x5], $0x80, s12, s16, $0xb8;
	[tilespmem:$0x1F000] =	vst v63  }
0xa7: {  	_ =	swait.ge [sflag:s13], $0x4000  }
0xa8: {  	[sflag:s13] =	ssyncset.done $0x0  }
0xa9: {  	s6 =	simm.s32 $0x280;
	[sflag:s13] =	ssyncadd.s32 $0xFFFFC000  }
0xaa: {  	[tilespmem:s18], [sflag:$0x2] =	stream.indirect.gather [hbm4b:s4+s16], $0x80, s6, s16, $0xb8;
	[tilespmem:$0x1F000] =	vst v63  }
0xab: {  	_ =	swait.ge [sflag:s25], $0x4000  }
0xac: {  	[sflag:s25] =	ssyncset.done $0x0  }
0xad: {  	s12 =	simm.s32 $0x2900;
	[sflag:s25] =	ssyncadd.s32 $0xFFFFC000  }
0xae: {  	[spmem:s2] =	stream.indirect.scatter.add.f32 [tilespmem:s20], [sflag:$0x5], $0x80, s12, s16, $0xb8;
	[tilespmem:$0x1F000] =	vst v63  }
0xaf: {  	_ =	swait.ge [sflag:s13], $0x4000  }
0xb0: {  	[sflag:s13] =	ssyncset.done $0x0  }
0xb1: {  	s6 =	simm.s32 $0x300;
	[sflag:s13] =	ssyncadd.s32 $0xFFFFC000  }
0xb2: {  	[tilespmem:s20], [sflag:$0x3] =	stream.indirect.gather [hbm4b:s4+s16], $0x80, s6, s16, $0xb8;
	[tilespmem:$0x1F000] =	vst v63  }
0xb3: {  	_ =	swait.ge [sflag:s26], $0x4000  }
0xb4: {  	[sflag:s26] =	ssyncset.done $0x0  }
0xb5: {  	s12 =	simm.s32 $0x2980;
	[sflag:s26] =	ssyncadd.s32 $0xFFFFC000  }
0xb6: {  	[spmem:s2] =	stream.indirect.scatter.add.f32 [tilespmem:s22], [sflag:$0x5], $0x80, s12, s16, $0xb8;
	[tilespmem:$0x1F000] =	vst v63  }
0xb7: {  	_ =	swait.ge [sflag:s13], $0x4000  }
0xb8: {  	[sflag:s13] =	ssyncset.done $0x0  }
0xb9: {  	s0 =	simm.s32 $0x800;
	s12 =	simm.s32 $0x380;
	[sflag:s13] =	ssyncadd.s32 $0xFFFFC000  }
.LBB2_4:
0xba: {  	[tilespmem:s22], [sflag:$0x4] =	stream.indirect.gather [hbm4b:s4+s16], $0x80, s12, s16, $0xb8;
	[tilespmem:$0x1F000] =	vst v63  }
0xbb: {  	s6 =	smov.u32 s0  }
0xbc: {  	p0 =	sne.s32 s0, $0x9000;
	s0 =	sadd.s32 $0x800, s0;
	_ =	swait.ge [sflag:s23], $0x4000  }
0xbd: {  	s12 =	sshra.s32 s6, $0x2;
	[sflag:s23] =	ssyncset.done $0x0  }
0xbe: {  	s6 =	sadd.s32 $0x2800, s12;
	[sflag:s23] =	ssyncadd.s32 $0xFFFFC000  }
0xbf: {  	[spmem:s2] =	stream.indirect.scatter.add.f32 [tilespmem:s17], [sflag:$0x5], $0x80, s6, s16, $0xb8;
	[tilespmem:$0x1F000] =	vst v63  }
0xc0: {  	_ =	swait.ge [sflag:s13], $0x4000  }
0xc1: {  	[sflag:s13] =	ssyncset.done $0x0  }
0xc2: {  	s6 =	sadd.s32 $0x200, s12;
	[sflag:s13] =	ssyncadd.s32 $0xFFFFC000  }
0xc3: {  	[tilespmem:s17], [sflag:$0x1] =	stream.indirect.gather [hbm4b:s4+s16], $0x80, s6, s16, $0xb8;
	[tilespmem:$0x1F000] =	vst v63  }
0xc4: {  	_ =	swait.ge [sflag:s24], $0x4000  }
0xc5: {  	[sflag:s24] =	ssyncset.done $0x0  }
0xc6: {  	s6 =	sadd.s32 $0x2880, s12;
	[sflag:s24] =	ssyncadd.s32 $0xFFFFC000  }
0xc7: {  	[spmem:s2] =	stream.indirect.scatter.add.f32 [tilespmem:s18], [sflag:$0x5], $0x80, s6, s16, $0xb8;
	[tilespmem:$0x1F000] =	vst v63  }
0xc8: {  	_ =	swait.ge [sflag:s13], $0x4000  }
0xc9: {  	[sflag:s13] =	ssyncset.done $0x0  }
0xca: {  	s6 =	sadd.s32 $0x280, s12;
	[sflag:s13] =	ssyncadd.s32 $0xFFFFC000  }
0xcb: {  	[tilespmem:s18], [sflag:$0x2] =	stream.indirect.gather [hbm4b:s4+s16], $0x80, s6, s16, $0xb8;
	[tilespmem:$0x1F000] =	vst v63  }
0xcc: {  	_ =	swait.ge [sflag:s25], $0x4000  }
0xcd: {  	[sflag:s25] =	ssyncset.done $0x0  }
0xce: {  	s6 =	sadd.s32 $0x2900, s12;
	[sflag:s25] =	ssyncadd.s32 $0xFFFFC000  }
0xcf: {  	[spmem:s2] =	stream.indirect.scatter.add.f32 [tilespmem:s20], [sflag:$0x5], $0x80, s6, s16, $0xb8;
	[tilespmem:$0x1F000] =	vst v63  }
0xd0: {  	_ =	swait.ge [sflag:s13], $0x4000  }
0xd1: {  	[sflag:s13] =	ssyncset.done $0x0  }
0xd2: {  	s6 =	sadd.s32 $0x300, s12;
	[sflag:s13] =	ssyncadd.s32 $0xFFFFC000  }
0xd3: {  	[tilespmem:s20], [sflag:$0x3] =	stream.indirect.gather [hbm4b:s4+s16], $0x80, s6, s16, $0xb8;
	[tilespmem:$0x1F000] =	vst v63  }
0xd4: {  	_ =	swait.ge [sflag:s26], $0x4000  }
0xd5: {  	[sflag:s26] =	ssyncset.done $0x0  }
.Ltmp1:
0xd6: {  	s6 =	sadd.s32 $0x2980, s12;
	[sflag:s26] =	ssyncadd.s32 $0xFFFFC000;
	(pc) =	sbr.rel @p0 .LBB2_4-.Ltmp1, $4  }
0xd7: {  	[spmem:s2] =	stream.indirect.scatter.add.f32 [tilespmem:s22], [sflag:$0x5], $0x80, s6, s16, $0xb8;
	[tilespmem:$0x1F000] =	vst v63  }
0xd8: {  	_ =	swait.ge [sflag:s13], $0x4000  }
0xd9: {  	[sflag:s13] =	ssyncset.done $0x0  }
0xda: {  	s12 =	sadd.s32 $0x380, s12;
	[sflag:s13] =	ssyncadd.s32 $0xFFFFC000  }
0xdb: {  	[tilespmem:s22], [sflag:$0x4] =	stream.indirect.gather [hbm4b:s4+s16], $0x80, s12, s16, $0xb8;
	[tilespmem:$0x1F000] =	vst v63  }
0xdc: {  	_ =	swait.ge [sflag:s23], $0x4000  }
0xdd: {  	[sflag:s23] =	ssyncset.done $0x0  }
0xde: {  	[sflag:s23] =	ssyncadd.s32 $0xFFFFC000  }
0xdf: {  	[spmem:s2] =	stream.indirect.scatter.add.f32 [tilespmem:s17], [sflag:$0x5], $0x80, s28, s16, $0xb8;
	[tilespmem:$0x1F000] =	vst v63  }
0xe0: {  	_ =	swait.ge [sflag:s13], $0x4000  }
0xe1: {  	[sflag:s13] =	ssyncset.done $0x0  }
0xe2: {  	[sflag:s13] =	ssyncadd.s32 $0xFFFFC000  }
0xe3: {  	_ =	swait.ge [sflag:s24], $0x4000  }
0xe4: {  	[sflag:s24] =	ssyncset.done $0x0  }
0xe5: {  	[sflag:s24] =	ssyncadd.s32 $0xFFFFC000  }
0xe6: {  	[spmem:s2] =	stream.indirect.scatter.add.f32 [tilespmem:s18], [sflag:$0x5], $0x80, s29, s16, $0xb8;
	[tilespmem:$0x1F000] =	vst v63  }
0xe7: {  	_ =	swait.ge [sflag:s13], $0x4000  }
0xe8: {  	[sflag:s13] =	ssyncset.done $0x0  }
0xe9: {  	[sflag:s13] =	ssyncadd.s32 $0xFFFFC000  }
0xea: {  	_ =	swait.ge [sflag:s25], $0x4000  }
0xeb: {  	[sflag:s25] =	ssyncset.done $0x0  }
0xec: {  	[sflag:s25] =	ssyncadd.s32 $0xFFFFC000  }
0xed: {  	[spmem:s2] =	stream.indirect.scatter.add.f32 [tilespmem:s20], [sflag:$0x5], $0x80, s30, s16, $0xb8;
	[tilespmem:$0x1F000] =	vst v63  }
0xee: {  	_ =	swait.ge [sflag:s13], $0x4000  }
0xef: {  	[sflag:s13] =	ssyncset.done $0x0  }
0xf0: {  	[sflag:s13] =	ssyncadd.s32 $0xFFFFC000  }
0xf1: {  	_ =	swait.ge [sflag:s26], $0x4000  }
0xf2: {  	[sflag:s26] =	ssyncset.done $0x0  }
0xf3: {  	[sflag:s26] =	ssyncadd.s32 $0xFFFFC000  }
0xf4: {  	[spmem:s2] =	stream.indirect.scatter.add.f32 [tilespmem:s22], [sflag:$0x5], $0x80, s31, s16, $0xb8;
	[tilespmem:$0x1F000] =	vst v63  }
0xf5: {  	_ =	swait.ge [sflag:s13], $0x4000  }
0xf6: {  	s1 =	sadd.s32 $0x1, s1;
	[sflag:s13] =	ssyncset.done $0x0  }
0xf7: {  	p0 =	sne.s32 s1, s11;
	[sflag:s13] =	ssyncadd.s32 $0xFFFFC000  }
.Ltmp2:
0xf8: {  	[bflag:$0x0] =	sbarrier.arrive $0xFFFF;
	(pc) =	sbr.rel @p0 .LBB2_1-.Ltmp2, $4  }
0xf9: {  	[hbm:s10], [sflag:s14] =	dma.local [spmem:s15], $0x1400  }
0xfa: {  	_ =	swait.ge [sflag:s13], $0x1400  }
0xfb: {  	[sflag:s13] =	ssyncset.done $0x0  }
0xfc: {  	[sflag:s13] =	ssyncadd.s32 $0xFFFFEC00  }
0xfd: {  	_ =	sfence.sel $0x180000  }
0xfe: {  	[bflag:$0x0] =	sbarrier.arrive $0xFFFF  }
0xff: {  	_ =	strace $0x9000004A  }
0x100: {  	s0 =	stileid.u32;
	[bflag:$0x2] =	sbarrier.arrive $0xFFFF  }
0x101: {  	p0 =	sne.s32 s0, $0x0;
	s0 =	rddreg [dreg:$0x2]  }
0x102: {  	s0 =	sadd.s32 @!p0 $0x100000, s0  }
0x103: {  	[sflag:s0] =	ssyncadd.tile.s32 @!p0 $0x1;
	_ =	shalt  }
.Lfunc_end2:
_tile_overlayer_lowered:
.L_overlay_start_2:
0x104: {  	(tag) =	ssettag $0x2  }
0x105: {  	s0 =	rddreg [dreg:$0x0];
	s2 =	stileid.u32  }
0x106: {  	s1 =	rddreg [dreg:$0x1];
	p0 =	sne.s32 s2, $0x0  }
0x107: {  	s3 =	rddreg [dreg:$0x2];
	[bflag:$0x3] =	sbarrier.arrive $0xFFFF;
	s2 =	simm.s32 @!p0 $0x1C05  }
0x108: {  	[timem:s3], [sflag:s2] =	dma.local @!p0 [hbm:s0], s1  }
0x109: {  	s0 =	simm.s32 @!p0 $0x5  }
0x10a: {  	_ =	swait.ge @!p0 [sflag:s0], s1  }
0x10b: {  	s1 =	ssub.s32 @!p0 $0x0, s1;
	[sflag:s0] =	ssyncset.done @!p0 $0x0  }
0x10c: {  	[sflag:s0] =	ssyncadd.s32 @!p0 s1  }
0x10d: {  	[bflag:$0x3] =	sbarrier.arrive $0xFFFF  }
0x10e: {  	_ =	shalt  }

// kernel: kernel.13.cloned.1.call-start
scs
__scs_entry_jumppad:
0x0: {  	(pc) =	sbr.rel $0x88, $3  }
0x1: {  	(tag) =	ssettag $0x0;
	lr =	simm.s32 $0x1  }
0x2: {  	[smem:$0x3F90] =	sst lr;
	_ =	strace $0xD0000000  }
0x3: {  	_ = 	snop  }
0x4: {  	_ = 	snop  }
0x5: {  	_ = 	snop  }
0x6: {  	_ = 	snop  }
0x7: {  	_ = 	snop  }
__scs_overlays_trampoline_lowered:
0x8: {  	[smem:$0x3F9F] =	sst s0  }
0x9: {  	[smem:$0x3FA0] =	sst s1  }
0xa: {  	[smem:$0x3FA1] =	sst s2  }
0xb: {  	[smem:$0x3FA2] =	sst s3  }
0xc: {  	[smem:$0x3FA3] =	sst s4  }
0xd: {  	[smem:$0x3FA4] =	sst s5  }
0xe: {  	[smem:$0x3FA5] =	sst s6  }
0xf: {  	[smem:$0x3FA6] =	sst s7  }
0x10: {  	[smem:$0x3FA7] =	sst s8  }
0x11: {  	[smem:$0x3FA8] =	sst s9;
	s0 =	simm.s32 @!p0 $0x0  }
0x12: {  	s1 =	sld [smem:$0x3F8E];
	s0 =	simm.s32 @p0 $0x1  }
0x13: {  	[smem:$0x3FA9] =	sst s0;
	s0 =	simm.s32 @!p1 $0x0  }
0x14: {  	s2 =	sld [smem:$0x3F8D];
	s0 =	simm.s32 @p1 $0x1  }
0x15: {  	[smem:$0x3FAA] =	sst s0;
	s0 =	simm.s32 @!p2 $0x0  }
0x16: {  	s3 =	sld [smem:$0x3FDB];
	s0 =	simm.s32 @p2 $0x1  }
0x17: {  	s4 =	simm.s32 $0x1BF5;
	[smem:$0x3FAC] =	sst s0  }
0x18: {  	s0 =	sld [smem:$0x3F8F];
	_ =	swait.ge [sflag:s4], $0x0  }
0x19: {  	s7 =	sld [smem:$0x3F90]  }
0x1a: {  	s8 =	sadd.s32 $0xFFFFE003, lr  }
0x1b: {  	s9 =	sadd.s32 $0xFFFFFEF7, lr;
	s5 =	simm.s32 $0xFFFFFFFF;
	p2 =	slt.u32 s8, $0xFFFFF086  }
0x1c: {  	p1 =	slt.u32 s9, $0xF7A;
	s5 =	simm.s32 @!p2 $0x0  }
0x1d: {  	s5 =	simm.s32 @p1 $0x1;
	p0 =	seq.s32 s7, s2  }
0x1e: {  	s7 =	smul.u32 @!p0 $0xF7A, s2;
	p2 =	seq.s32 @!p0 s5, $0x0  }
0x1f: {  	s9 =	smul.u32 $0xF7A, s1;
	s8 =	simm.s32 @!p0 $0x1BF5;
	p2 =	por !p2, p0  }
0x20: {  	[sflag:s8] =	ssyncset.s32 @!p0 $0xFFFFF086;
	s6 =	sadd.s32 @!p0 s3, s7;
	s7 =	simm.s32 @!p0 $0x108  }
0x21: {  	s3 =	sadd.s32 s3, s9;
	s6 =	sadd.s32 @!p0 $0x88, s6;
	s7 =	simm.s32 @p2 $0x1082  }
0x22: {  	[simem:s7], [sflag:s8] =	dma.local @!p0 [hbm:s6], $0xF7A  }
0x23: {  	s9 =	sor.u32 $0xD0000000, s2;
	s6 =	simm.s32 $0x108;
	_ =	swait.ge @!p0 [sflag:s8], $0x0  }
0x24: {  	s3 =	sadd.s32 $0x88, s3;
	s6 =	simm.s32 @!p1 $0x1082;
	[sflag:s4] =	ssyncset.s32 $0xFFFFF086  }
0x25: {  	[simem:s6], [sflag:s4] =	dma.local [hbm:s3], $0xF7A  }
0x26: {  	[smem:$0x3F90] =	sst s1;
	(tag) =	ssettag s2;
	_ =	strace s9  }
0x27: {  	s1 =	sld [smem:$0x3FA0]  }
0x28: {  	s2 =	sld [smem:$0x3FA1]  }
0x29: {  	s4 =	sld [smem:$0x3FA3]  }
0x2a: {  	p0 =	seq.s32 s5, $0x0;
	s5 =	sld [smem:$0x3FA4]  }
0x2b: {  	s6 =	sld [smem:$0x3FA5]  }
0x2c: {  	s7 =	sld [smem:$0x3FA6]  }
0x2d: {  	s3 =	simm.s32 $0x108;
	s8 =	sld [smem:$0x3FA7]  }
0x2e: {  	s3 =	simm.s32 @!p0 $0x1082;
	s9 =	sld [smem:$0x3FA8]  }
0x2f: {  	lr =	sadd.s32 s0, s3;
	s0 =	sld [smem:$0x3F9F]  }
0x30: {  	s3 =	sld [smem:$0x3FA2]  }
0x31: {  	[smem:$0x3FAB] =	sst s10  }
0x32: {  	s10 =	sld [smem:$0x3FA9];
	_ =	sdelay $0x3  }
0x33: {  	p0 =	seq.s32 s10, $0x1;
	s10 =	sld [smem:$0x3FAB];
	_ =	sdelay $0x3  }
0x34: {  	[smem:$0x3FAB] =	sst s10  }
0x35: {  	s10 =	sld [smem:$0x3FAA];
	_ =	sdelay $0x3  }
0x36: {  	p1 =	seq.s32 s10, $0x1;
	s10 =	sld [smem:$0x3FAB];
	_ =	sdelay $0x3  }
0x37: {  	[smem:$0x3FAB] =	sst s10  }
0x38: {  	s10 =	sld [smem:$0x3FAC]  }
0x39: {  	_ = 	snop;
	(pc) =	sbr.ind lr, $3  }
0x3a: {  	_ = 	snop  }
0x3b: {  	_ = 	snop  }
0x3c: {  	p2 =	seq.s32 s10, $0x1;
	s10 =	sld [smem:$0x3FAB]  }
0x3d: {  	_ =	shalt  }
0x3e: {  	_ =	shalt  }
0x3f: {  	_ =	shalt  }
0x40: {  	_ =	shalt  }
0x41: {  	_ =	shalt  }
0x42: {  	_ =	shalt  }
0x43: {  	_ =	shalt  }
0x44: {  	_ =	shalt  }
0x45: {  	_ =	shalt  }
0x46: {  	_ =	shalt  }
0x47: {  	_ =	shalt  }
0x48: {  	_ =	shalt  }
0x49: {  	_ =	shalt  }
0x4a: {  	_ =	shalt  }
0x4b: {  	_ =	shalt  }
0x4c: {  	_ =	shalt  }
0x4d: {  	_ =	shalt  }
0x4e: {  	_ =	shalt  }
0x4f: {  	_ =	shalt  }
0x50: {  	_ =	shalt  }
0x51: {  	_ =	shalt  }
0x52: {  	_ =	shalt  }
0x53: {  	_ =	shalt  }
0x54: {  	_ =	shalt  }
0x55: {  	_ =	shalt  }
0x56: {  	_ =	shalt  }
0x57: {  	_ =	shalt  }
0x58: {  	_ =	shalt  }
0x59: {  	_ =	shalt  }
0x5a: {  	_ =	shalt  }
0x5b: {  	_ =	shalt  }
0x5c: {  	_ =	shalt  }
0x5d: {  	_ =	shalt  }
0x5e: {  	_ =	shalt  }
0x5f: {  	_ =	shalt  }
0x60: {  	_ =	shalt  }
0x61: {  	_ =	shalt  }
0x62: {  	_ =	shalt  }
0x63: {  	_ =	shalt  }
0x64: {  	_ =	shalt  }
0x65: {  	_ =	shalt  }
0x66: {  	_ =	shalt  }
0x67: {  	_ =	shalt  }
0x68: {  	_ =	shalt  }
0x69: {  	_ =	shalt  }
0x6a: {  	_ =	shalt  }
0x6b: {  	_ =	shalt  }
0x6c: {  	_ =	shalt  }
0x6d: {  	_ =	shalt  }
0x6e: {  	_ =	shalt  }
0x6f: {  	_ =	shalt  }
0x70: {  	_ =	shalt  }
0x71: {  	_ =	shalt  }
0x72: {  	_ =	shalt  }
0x73: {  	_ =	shalt  }
0x74: {  	_ =	shalt  }
0x75: {  	_ =	shalt  }
0x76: {  	_ =	shalt  }
0x77: {  	_ =	shalt  }
0x78: {  	_ =	shalt  }
0x79: {  	_ =	shalt  }
0x7a: {  	_ =	shalt  }
0x7b: {  	_ =	shalt  }
0x7c: {  	_ =	shalt  }
0x7d: {  	_ =	shalt  }
0x7e: {  	_ =	shalt  }
0x7f: {  	_ =	shalt  }
0x80: {  	_ =	shalt  }
0x81: {  	_ =	shalt  }
0x82: {  	_ =	shalt  }
0x83: {  	_ =	shalt  }
0x84: {  	_ =	shalt  }
0x85: {  	_ =	shalt  }
0x86: {  	_ =	shalt  }
0x87: {  	_ =	shalt  }
.Lfunc_end0:
.L_simem_size_0:
called_computation.2_lowered:
.L_overlay_start_0:
0x88: {  	s2 =	sld [smem:$0x3FD9]  }
0x89: {  	s3 =	sld [smem:$0x3FFE];
	_ =	sdelay $0x1  }
0x8a: {  	s1 =	srdreg.scid  }
0x8b: {  	s0 =	sand.u32 $0x1, s1  }
0x8c: {  	s16 =	sshll.u32 s0, $0xA;
	s2 =	sadd.s32 s3, s2  }
0x8d: {  	s2 =	sadd.s32 s2, s16  }
0x8e: {  	[smem:$0x3FB7] =	sst s2  }
0x8f: {  	_ = 	snop  }
0x90: {  	(tm) =	ssettm $0x1  }
0x91: {  	s17 =	sld [smem:$0x3FFB];
	_ =	sdelay $0x3  }
0x92: {  	_ =	strace s17  }
0x93: {  	s2 =	sld [smem:$0x3FFC];
	_ =	sdelay $0x3  }
0x94: {  	_ =	strace s2  }
0x95: {  	s2 =	sld [smem:$0x3FFD];
	_ =	sdelay $0x3  }
0x96: {  	_ =	strace s2  }
0x97: {  	_ =	strace $0x8FFFFFFF  }
0x98: {  	s18 =	sld [smem:$0x3FDB];
	_ =	sdelay $0x1  }
0x99: {  	s19 =	simm.s32 $_scs_section_size  }
0x9a: {  	s4 =	simm.s32 $_size__tile_overlayer_lowered;
	s5 =	simm.s32 $_tile_overlayer_lowered  }
0x9b: {  	s22 =	simm.s32 $0x1BFF;
	s21 =	sshll.u32 s5, $0x1;
	s2 =	sadd.s32 s19, s18  }
0x9c: {  	s6 =	simm.s32 $0x0;
	s20 =	sshll.u32 s4, $0x1;
	s4 =	sadd.s32 s21, s2  }
0x9d: {  	[timem:s6], [sflag:s22] =	dma.local [hbm:s4], s20  }
0x9e: {  	_ =	swait.ge [sflag:s22], s20  }
0x9f: {  	s3 =	ssub.s32 $0x0, s20;
	[sflag:s22] =	ssyncset.done $0x0  }
0xa0: {  	[sflag:s22] =	ssyncadd.s32 s3;
	_ =	sdelay $0x1  }
0xa1: {  	s23 =	simm.s32 $0x1B8B  }
0xa2: {  	_ =	swait.ge [sflag:s23], $0x1  }
0xa3: {  	[sflag:s23] =	ssyncset.done $0x0  }
0xa4: {  	s25 =	simm.s32 $0x1B8E;
	s24 =	sld [smem:$0x3FFE];
	[sflag:s23] =	ssyncadd.s32 $0xFFFFFFFF  }
0xa5: {  	s26 =	simm.s32 $execute0_lowered;
	[smem:$0x3FD2] =	sst s25  }
0xa6: {  	s4 =	sshll.u32 s26, $0x1;
	_ =	strace $0x8000004C;
	[dreg:$0x1] =	wrdreg $0xFFFFFFFF  }
0xa7: {  	s28 =	simm.s32 $_size_execute0_lowered;
	s2 =	sadd.s32 s2, s4;
	[dreg:$0x0] =	wrdreg $0x0  }
0xa8: {  	s4 =	sshll.u32 s28, $0x1;
	[dreg:$0x2] =	wrdreg s2  }
0xa9: {  	[dreg:$0x3] =	wrdreg s4  }
0xaa: {  	[dreg:$0x4] =	wrdreg $0xC0  }
0xab: {  	_ =	task [dreg:s6], $0x5FFFF  }
0xac: {  	[dreg:$0x1] =	wrdreg $0xFFFFFFFF  }
0xad: {  	[dreg:$0x0] =	wrdreg $0x60  }
0xae: {  	[dreg:$0x2] =	wrdreg s24  }
0xaf: {  	[dreg:$0x3] =	wrdreg $0x150000  }
0xb0: {  	[dreg:$0x4] =	wrdreg $0x9  }
0xb1: {  	_ =	task.clear_ibuf [dreg:s6], $0x5FFFF;
	_ =	strace $0x9000004C  }
0xb2: {  	s29 =	simm.s32 $0x9;
	_ =	strace $0x8000004E  }
0xb3: {  	_ =	swait.ge [sflag:s29], $0x1  }
0xb4: {  	[sflag:s29] =	ssyncadd.s32 $0xFFFFFFFF  }
0xb5: {  	_ =	strace $0x9000004E  }
0xb6: {  	_ =	sfence  }
0xb7: {  	s30 =	sld [smem:$0x0];
	_ =	sdelay $0x2  }
0xb8: {  	s31 =	sshll.u32 s1, $0xD;
	s1 =	sshrl.u32 s1, $0x2  }
0xb9: {  	s3 =	sand.u32 $0x4000, s31;
	s1 =	sadd.s32 s1, s30  }
0xba: {  	s0 =	sor.u32 s3, s0;
	s1 =	sshll.u32 s1, $0x11  }
0xbb: {  	s0 =	sor.u32 s1, s0  }
0xbc: {  	s0 =	sadd.s32 $0x8F2B, s0  }
0xbd: {  	[sflag:s0] =	ssyncadd.remote.s32 $0x1  }
0xbe: {  	_ =	sfence.sel $0xFFFF  }
0xbf: {  	[dreg:$0x0] =	wrdreg $0xFFFFFFFF;
	(pc) =	sbr.abs _section_cstart, $3  }
0xc0: {  	[dreg:$0x1] =	wrdreg $0xFFFFFFFF  }
0xc1: {  	_ =	task.clear_ibuf [dreg:s6], $0x2FFFF;
	_ =	strace $0x9FFFFFFF  }
0xc2: {  	(tm) =	ssettm $0x7FFFFFFF  }
0xc3: {  	_ =	shalt  }
tec
execute0_lowered:
.L_overlay_start_1:
0x0: {  	(tag) =	ssettag $0x1  }
0x1: {  	s0 =	rddreg [dreg:$0x0];
	s14 =	stileid.u32  }
0x2: {  	s1 =	srdreg.scid;
	s2 =	rddreg [dreg:$0x1]  }
0x3: {  	s3 =	simm.s32 $0x0;
	s13 =	simm.s32 $0x5;
	s16 =	simm.s32 $0x80  }
0x4: {  	s17 =	simm.s32 $0x5000;
	s18 =	simm.s32 $0x9000;
	s19 =	simm.s32 $0x100  }
0x5: {  	s20 =	simm.s32 $0xD000;
	s28 =	simm.s32 $0x4E00;
	s5 =	smul.u32 $0x2800, s14  }
0x6: {  	s29 =	simm.s32 $0x4E80;
	s30 =	simm.s32 $0x4F00;
	s8 =	smul.u32 $0xA000, s14  }
0x7: {  	s31 =	simm.s32 $0x4F80;
	s1 =	sand.u32 $0x1, s1;
	s22 =	smul.u32 $0x28000, s14  }
0x8: {  	[smem:$0x7FF] =	sst s3;
	s26 =	sshll.u32 s14, $0x6;
	s4 =	smul.u32 $0x28000, s1  }
0x9: {  	s6 =	smul.u32 $0xA0000, s1;
	_ =	strace $0x8000004D;
	s1 =	ssub.s32 $0x2, s1  }
0xa: {  	s14 =	sor.u32 $0x1C05, s26;
	s26 =	simm.s32 $0x4;
	s23 =	sshrl.u32 s1, $0x1  }
0xb: {  	s25 =	sshrl.u32 s22, $0x2;
	s22 =	simm.s32 $0x11000;
	s7 =	sadd.s32 s5, s4  }
0xc: {  	s4 =	sadd.s32 $0x68800, s0;
	s5 =	sshrl.u32 s5, $0x3;
	s21 =	sadd.s32 s8, s6  }
0xd: {  	s1 =	ssub.s32 s1, s23;
	s12 =	sadd.s32 s25, s2;
	s23 =	simm.s32 $0x1  }
0xe: {  	s25 =	simm.s32 $0x3;
	s7 =	sshrl.u32 s7, $0x3;
	s9 =	sadd.s32 s5, s0  }
0xf: {  	s6 =	sshrl.u32 s21, $0x3;
	s5 =	sadd.s32 $0x16C00, s0;
	s11 =	smax.u32 s1, $0x1  }
0x10: {  	s15 =	sshrl.u32 s12, $0x3;
	s21 =	simm.s32 $0x180;
	s7 =	sadd.s32 s7, s0  }
0x11: {  	s1 =	simm.s32 $0x0;
	s0 =	sadd.s32 s6, s0;
	s24 =	sadd.s32 $0x2C00, s7  }
0x12: {  	s7 =	sadd.s32 $0xCC00, s9;
	s8 =	sadd.s32 $0xB6A00, s0;
	s9 =	sadd.s32 $0x11C00, s9  }
0x13: {  	s10 =	sadd.s32 $0xDEA00, s0;
	[dreg:$0x3] =	wrdreg s24;
	s24 =	simm.s32 $0x2  }
.LBB2_1:
0x14: {  	s0 =	rddreg [dreg:$0x3];
	s6 =	simm.s32 $0x2800  }
0x15: {  	[tilespmem:s6], [sflag:$0x5] =	stream.linear.gather [hbm4b:s0+s3], $0x2800, $0x38;
	[tilespmem:$0x1F000] =	vst v63  }
0x16: {  	_ =	swait.ge [sflag:s13], $0x2800  }
0x17: {  	[sflag:s13] =	ssyncset.done $0x0  }
0x18: {  	[sflag:s13] =	ssyncadd.s32 $0xFFFFD800  }
0x19: {  	[spmem:s15], [sflag:s14] =	dma.local [hbm:s5], $0x1400  }
0x1a: {  	_ =	swait.ge [sflag:s13], $0x1400  }
0x1b: {  	[sflag:s13] =	ssyncset.done $0x0  }
0x1c: {  	[sflag:s13] =	ssyncadd.s32 $0xFFFFEC00  }
0x1d: {  	[tilespmem:s3], [sflag:$0x5] =	stream.linear.gather [hbm4b:s7+s3], $0x2800, $0x38;
	[tilespmem:$0x1F000] =	vst v63  }
0x1e: {  	_ =	swait.ge [sflag:s13], $0x2800  }
0x1f: {  	[sflag:s13] =	ssyncset.done $0x0  }
0x20: {  	[sflag:s13] =	ssyncadd.s32 $0xFFFFD800  }
0x21: {  	[bflag:$0x0] =	sbarrier.arrive $0xFFFF  }
0x22: {  	[tilespmem:s17], [sflag:$0x1] =	stream.indirect.gather [hbm4b:s4+s16], $0x80, s3, s16, $0xb8;
	[tilespmem:$0x1F000] =	vst v63  }
0x23: {  	_ = 	snop  }
0x24: {  	[tilespmem:s18], [sflag:$0x2] =	stream.indirect.gather [hbm4b:s4+s16], $0x80, s16, s16, $0xb8;
	[tilespmem:$0x1F000] =	vst v63  }
0x25: {  	_ = 	snop  }
0x26: {  	[tilespmem:s20], [sflag:$0x3] =	stream.indirect.gather [hbm4b:s4+s16], $0x80, s19, s16, $0xb8;
	[tilespmem:$0x1F000] =	vst v63  }
0x27: {  	_ = 	snop  }
0x28: {  	[tilespmem:s22], [sflag:$0x4] =	stream.indirect.gather [hbm4b:s4+s16], $0x80, s21, s16, $0xb8;
	[tilespmem:$0x1F000] =	vst v63  }
0x29: {  	_ =	swait.ge [sflag:s23], $0x4000  }
0x2a: {  	[sflag:s23] =	ssyncset.done $0x0  }
0x2b: {  	s12 =	simm.s32 $0x2800;
	[sflag:s23] =	ssyncadd.s32 $0xFFFFC000  }
0x2c: {  	[spmem:s2] =	stream.indirect.scatter.add.f32 [tilespmem:s17], [sflag:$0x5], $0x80, s12, s16, $0xb8;
	[tilespmem:$0x1F000] =	vst v63  }
0x2d: {  	_ =	swait.ge [sflag:s13], $0x4000  }
0x2e: {  	[sflag:s13] =	ssyncset.done $0x0  }
0x2f: {  	s6 =	simm.s32 $0x200;
	[sflag:s13] =	ssyncadd.s32 $0xFFFFC000  }
0x30: {  	[tilespmem:s17], [sflag:$0x1] =	stream.indirect.gather [hbm4b:s4+s16], $0x80, s6, s16, $0xb8;
	[tilespmem:$0x1F000] =	vst v63  }
0x31: {  	_ =	swait.ge [sflag:s24], $0x4000  }
0x32: {  	[sflag:s24] =	ssyncset.done $0x0  }
0x33: {  	s12 =	simm.s32 $0x2880;
	[sflag:s24] =	ssyncadd.s32 $0xFFFFC000  }
0x34: {  	[spmem:s2] =	stream.indirect.scatter.add.f32 [tilespmem:s18], [sflag:$0x5], $0x80, s12, s16, $0xb8;
	[tilespmem:$0x1F000] =	vst v63  }
0x35: {  	_ =	swait.ge [sflag:s13], $0x4000  }
0x36: {  	[sflag:s13] =	ssyncset.done $0x0  }
0x37: {  	s6 =	simm.s32 $0x280;
	[sflag:s13] =	ssyncadd.s32 $0xFFFFC000  }
0x38: {  	[tilespmem:s18], [sflag:$0x2] =	stream.indirect.gather [hbm4b:s4+s16], $0x80, s6, s16, $0xb8;
	[tilespmem:$0x1F000] =	vst v63  }
0x39: {  	_ =	swait.ge [sflag:s25], $0x4000  }
0x3a: {  	[sflag:s25] =	ssyncset.done $0x0  }
0x3b: {  	s12 =	simm.s32 $0x2900;
	[sflag:s25] =	ssyncadd.s32 $0xFFFFC000  }
0x3c: {  	[spmem:s2] =	stream.indirect.scatter.add.f32 [tilespmem:s20], [sflag:$0x5], $0x80, s12, s16, $0xb8;
	[tilespmem:$0x1F000] =	vst v63  }
0x3d: {  	_ =	swait.ge [sflag:s13], $0x4000  }
0x3e: {  	[sflag:s13] =	ssyncset.done $0x0  }
0x3f: {  	s6 =	simm.s32 $0x300;
	[sflag:s13] =	ssyncadd.s32 $0xFFFFC000  }
0x40: {  	[tilespmem:s20], [sflag:$0x3] =	stream.indirect.gather [hbm4b:s4+s16], $0x80, s6, s16, $0xb8;
	[tilespmem:$0x1F000] =	vst v63  }
0x41: {  	_ =	swait.ge [sflag:s26], $0x4000  }
0x42: {  	[sflag:s26] =	ssyncset.done $0x0  }
0x43: {  	s12 =	simm.s32 $0x2980;
	[sflag:s26] =	ssyncadd.s32 $0xFFFFC000  }
0x44: {  	[spmem:s2] =	stream.indirect.scatter.add.f32 [tilespmem:s22], [sflag:$0x5], $0x80, s12, s16, $0xb8;
	[tilespmem:$0x1F000] =	vst v63  }
0x45: {  	_ =	swait.ge [sflag:s13], $0x4000  }
0x46: {  	[sflag:s13] =	ssyncset.done $0x0  }
0x47: {  	s0 =	simm.s32 $0x800;
	s12 =	simm.s32 $0x380;
	[sflag:s13] =	ssyncadd.s32 $0xFFFFC000  }
.LBB2_2:
0x48: {  	[tilespmem:s22], [sflag:$0x4] =	stream.indirect.gather [hbm4b:s4+s16], $0x80, s12, s16, $0xb8;
	[tilespmem:$0x1F000] =	vst v63  }
0x49: {  	s12 =	smov.u32 s0  }
0x4a: {  	p0 =	sne.s32 s0, $0x9000;
	s0 =	sadd.s32 $0x800, s0;
	_ =	swait.ge [sflag:s23], $0x4000  }
0x4b: {  	s12 =	sshra.s32 s12, $0x2;
	[sflag:s23] =	ssyncset.done $0x0  }
0x4c: {  	s6 =	sadd.s32 $0x2800, s12;
	[sflag:s23] =	ssyncadd.s32 $0xFFFFC000  }
0x4d: {  	[spmem:s2] =	stream.indirect.scatter.add.f32 [tilespmem:s17], [sflag:$0x5], $0x80, s6, s16, $0xb8;
	[tilespmem:$0x1F000] =	vst v63  }
0x4e: {  	_ =	swait.ge [sflag:s13], $0x4000  }
0x4f: {  	[sflag:s13] =	ssyncset.done $0x0  }
0x50: {  	s6 =	sadd.s32 $0x200, s12;
	[sflag:s13] =	ssyncadd.s32 $0xFFFFC000  }
0x51: {  	[tilespmem:s17], [sflag:$0x1] =	stream.indirect.gather [hbm4b:s4+s16], $0x80, s6, s16, $0xb8;
	[tilespmem:$0x1F000] =	vst v63  }
0x52: {  	_ =	swait.ge [sflag:s24], $0x4000  }
0x53: {  	[sflag:s24] =	ssyncset.done $0x0  }
0x54: {  	s6 =	sadd.s32 $0x2880, s12;
	[sflag:s24] =	ssyncadd.s32 $0xFFFFC000  }
0x55: {  	[spmem:s2] =	stream.indirect.scatter.add.f32 [tilespmem:s18], [sflag:$0x5], $0x80, s6, s16, $0xb8;
	[tilespmem:$0x1F000] =	vst v63  }
0x56: {  	_ =	swait.ge [sflag:s13], $0x4000  }
0x57: {  	[sflag:s13] =	ssyncset.done $0x0  }
0x58: {  	s6 =	sadd.s32 $0x280, s12;
	[sflag:s13] =	ssyncadd.s32 $0xFFFFC000  }
0x59: {  	[tilespmem:s18], [sflag:$0x2] =	stream.indirect.gather [hbm4b:s4+s16], $0x80, s6, s16, $0xb8;
	[tilespmem:$0x1F000] =	vst v63  }
0x5a: {  	_ =	swait.ge [sflag:s25], $0x4000  }
0x5b: {  	[sflag:s25] =	ssyncset.done $0x0  }
0x5c: {  	s6 =	sadd.s32 $0x2900, s12;
	[sflag:s25] =	ssyncadd.s32 $0xFFFFC000  }
0x5d: {  	[spmem:s2] =	stream.indirect.scatter.add.f32 [tilespmem:s20], [sflag:$0x5], $0x80, s6, s16, $0xb8;
	[tilespmem:$0x1F000] =	vst v63  }
0x5e: {  	_ =	swait.ge [sflag:s13], $0x4000  }
0x5f: {  	[sflag:s13] =	ssyncset.done $0x0  }
0x60: {  	s6 =	sadd.s32 $0x300, s12;
	[sflag:s13] =	ssyncadd.s32 $0xFFFFC000  }
0x61: {  	[tilespmem:s20], [sflag:$0x3] =	stream.indirect.gather [hbm4b:s4+s16], $0x80, s6, s16, $0xb8;
	[tilespmem:$0x1F000] =	vst v63  }
0x62: {  	_ =	swait.ge [sflag:s26], $0x4000  }
0x63: {  	[sflag:s26] =	ssyncset.done $0x0  }
.Ltmp0:
0x64: {  	s6 =	sadd.s32 $0x2980, s12;
	[sflag:s26] =	ssyncadd.s32 $0xFFFFC000;
	(pc) =	sbr.rel @p0 .LBB2_2-.Ltmp0, $4  }
0x65: {  	[spmem:s2] =	stream.indirect.scatter.add.f32 [tilespmem:s22], [sflag:$0x5], $0x80, s6, s16, $0xb8;
	[tilespmem:$0x1F000] =	vst v63  }
0x66: {  	_ =	swait.ge [sflag:s13], $0x4000  }
0x67: {  	[sflag:s13] =	ssyncset.done $0x0  }
0x68: {  	s12 =	sadd.s32 $0x380, s12;
	[sflag:s13] =	ssyncadd.s32 $0xFFFFC000  }
0x69: {  	[tilespmem:s22], [sflag:$0x4] =	stream.indirect.gather [hbm4b:s4+s16], $0x80, s12, s16, $0xb8;
	[tilespmem:$0x1F000] =	vst v63  }
0x6a: {  	_ =	swait.ge [sflag:s23], $0x4000  }
0x6b: {  	[sflag:s23] =	ssyncset.done $0x0  }
0x6c: {  	[sflag:s23] =	ssyncadd.s32 $0xFFFFC000  }
0x6d: {  	[spmem:s2] =	stream.indirect.scatter.add.f32 [tilespmem:s17], [sflag:$0x5], $0x80, s28, s16, $0xb8;
	[tilespmem:$0x1F000] =	vst v63  }
0x6e: {  	_ =	swait.ge [sflag:s13], $0x4000  }
0x6f: {  	[sflag:s13] =	ssyncset.done $0x0  }
0x70: {  	[sflag:s13] =	ssyncadd.s32 $0xFFFFC000  }
0x71: {  	_ =	swait.ge [sflag:s24], $0x4000  }
0x72: {  	[sflag:s24] =	ssyncset.done $0x0  }
0x73: {  	[sflag:s24] =	ssyncadd.s32 $0xFFFFC000  }
0x74: {  	[spmem:s2] =	stream.indirect.scatter.add.f32 [tilespmem:s18], [sflag:$0x5], $0x80, s29, s16, $0xb8;
	[tilespmem:$0x1F000] =	vst v63  }
0x75: {  	_ =	swait.ge [sflag:s13], $0x4000  }
0x76: {  	[sflag:s13] =	ssyncset.done $0x0  }
0x77: {  	[sflag:s13] =	ssyncadd.s32 $0xFFFFC000  }
0x78: {  	_ =	swait.ge [sflag:s25], $0x4000  }
0x79: {  	[sflag:s25] =	ssyncset.done $0x0  }
0x7a: {  	[sflag:s25] =	ssyncadd.s32 $0xFFFFC000  }
0x7b: {  	[spmem:s2] =	stream.indirect.scatter.add.f32 [tilespmem:s20], [sflag:$0x5], $0x80, s30, s16, $0xb8;
	[tilespmem:$0x1F000] =	vst v63  }
0x7c: {  	_ =	swait.ge [sflag:s13], $0x4000  }
0x7d: {  	[sflag:s13] =	ssyncset.done $0x0  }
0x7e: {  	[sflag:s13] =	ssyncadd.s32 $0xFFFFC000  }
0x7f: {  	_ =	swait.ge [sflag:s26], $0x4000  }
0x80: {  	[sflag:s26] =	ssyncset.done $0x0  }
0x81: {  	[sflag:s26] =	ssyncadd.s32 $0xFFFFC000  }
0x82: {  	[spmem:s2] =	stream.indirect.scatter.add.f32 [tilespmem:s22], [sflag:$0x5], $0x80, s31, s16, $0xb8;
	[tilespmem:$0x1F000] =	vst v63  }
0x83: {  	_ =	swait.ge [sflag:s13], $0x4000  }
0x84: {  	[sflag:s13] =	ssyncset.done $0x0  }
0x85: {  	[sflag:s13] =	ssyncadd.s32 $0xFFFFC000  }
0x86: {  	[bflag:$0x0] =	sbarrier.arrive $0xFFFF  }
0x87: {  	[hbm:s8], [sflag:s14] =	dma.local [spmem:s15], $0x1400  }
0x88: {  	_ =	swait.ge [sflag:s13], $0x1400  }
0x89: {  	[sflag:s13] =	ssyncset.done $0x0  }
0x8a: {  	[sflag:s13] =	ssyncadd.s32 $0xFFFFEC00  }
0x8b: {  	[spmem:s15], [sflag:s14] =	dma.local [hbm:s5], $0x1400  }
0x8c: {  	_ =	swait.ge [sflag:s13], $0x1400  }
0x8d: {  	[sflag:s13] =	ssyncset.done $0x0  }
0x8e: {  	s0 =	simm.s32 $0x0;
	[sflag:s13] =	ssyncadd.s32 $0xFFFFEC00  }
0x8f: {  	[tilespmem:s0], [sflag:$0x5] =	stream.linear.gather [hbm4b:s9+s0], $0x2800, $0x38;
	[tilespmem:$0x1F000] =	vst v63  }
0x90: {  	_ =	swait.ge [sflag:s13], $0x2800  }
0x91: {  	[sflag:s13] =	ssyncset.done $0x0  }
0x92: {  	[sflag:s13] =	ssyncadd.s32 $0xFFFFD800  }
0x93: {  	[bflag:$0x0] =	sbarrier.arrive $0xFFFF  }
0x94: {  	[tilespmem:s17], [sflag:$0x1] =	stream.indirect.gather [hbm4b:s4+s16], $0x80, s0, s16, $0xb8;
	[tilespmem:$0x1F000] =	vst v63  }
0x95: {  	_ = 	snop  }
0x96: {  	[tilespmem:s18], [sflag:$0x2] =	stream.indirect.gather [hbm4b:s4+s16], $0x80, s16, s16, $0xb8;
	[tilespmem:$0x1F000] =	vst v63  }
0x97: {  	_ = 	snop  }
0x98: {  	[tilespmem:s20], [sflag:$0x3] =	stream.indirect.gather [hbm4b:s4+s16], $0x80, s19, s16, $0xb8;
	[tilespmem:$0x1F000] =	vst v63  }
0x99: {  	_ = 	snop  }
0x9a: {  	[tilespmem:s22], [sflag:$0x4] =	stream.indirect.gather [hbm4b:s4+s16], $0x80, s21, s16, $0xb8;
	[tilespmem:$0x1F000] =	vst v63  }
0x9b: {  	_ =	swait.ge [sflag:s23], $0x4000  }
0x9c: {  	[sflag:s23] =	ssyncset.done $0x0  }
0x9d: {  	s12 =	simm.s32 $0x2800;
	[sflag:s23] =	ssyncadd.s32 $0xFFFFC000  }
0x9e: {  	[spmem:s2] =	stream.indirect.scatter.add.f32 [tilespmem:s17], [sflag:$0x5], $0x80, s12, s16, $0xb8;
	[tilespmem:$0x1F000] =	vst v63  }
0x9f: {  	_ =	swait.ge [sflag:s13], $0x4000  }
0xa0: {  	[sflag:s13] =	ssyncset.done $0x0  }
0xa1: {  	s6 =	simm.s32 $0x200;
	[sflag:s13] =	ssyncadd.s32 $0xFFFFC000  }
0xa2: {  	[tilespmem:s17], [sflag:$0x1] =	stream.indirect.gather [hbm4b:s4+s16], $0x80, s6, s16, $0xb8;
	[tilespmem:$0x1F000] =	vst v63  }
0xa3: {  	_ =	swait.ge [sflag:s24], $0x4000  }
0xa4: {  	[sflag:s24] =	ssyncset.done $0x0  }
0xa5: {  	s12 =	simm.s32 $0x2880;
	[sflag:s24] =	ssyncadd.s32 $0xFFFFC000  }
0xa6: {  	[spmem:s2] =	stream.indirect.scatter.add.f32 [tilespmem:s18], [sflag:$0x5], $0x80, s12, s16, $0xb8;
	[tilespmem:$0x1F000] =	vst v63  }
0xa7: {  	_ =	swait.ge [sflag:s13], $0x4000  }
0xa8: {  	[sflag:s13] =	ssyncset.done $0x0  }
0xa9: {  	s6 =	simm.s32 $0x280;
	[sflag:s13] =	ssyncadd.s32 $0xFFFFC000  }
0xaa: {  	[tilespmem:s18], [sflag:$0x2] =	stream.indirect.gather [hbm4b:s4+s16], $0x80, s6, s16, $0xb8;
	[tilespmem:$0x1F000] =	vst v63  }
0xab: {  	_ =	swait.ge [sflag:s25], $0x4000  }
0xac: {  	[sflag:s25] =	ssyncset.done $0x0  }
0xad: {  	s12 =	simm.s32 $0x2900;
	[sflag:s25] =	ssyncadd.s32 $0xFFFFC000  }
0xae: {  	[spmem:s2] =	stream.indirect.scatter.add.f32 [tilespmem:s20], [sflag:$0x5], $0x80, s12, s16, $0xb8;
	[tilespmem:$0x1F000] =	vst v63  }
0xaf: {  	_ =	swait.ge [sflag:s13], $0x4000  }
0xb0: {  	[sflag:s13] =	ssyncset.done $0x0  }
0xb1: {  	s6 =	simm.s32 $0x300;
	[sflag:s13] =	ssyncadd.s32 $0xFFFFC000  }
0xb2: {  	[tilespmem:s20], [sflag:$0x3] =	stream.indirect.gather [hbm4b:s4+s16], $0x80, s6, s16, $0xb8;
	[tilespmem:$0x1F000] =	vst v63  }
0xb3: {  	_ =	swait.ge [sflag:s26], $0x4000  }
0xb4: {  	[sflag:s26] =	ssyncset.done $0x0  }
0xb5: {  	s12 =	simm.s32 $0x2980;
	[sflag:s26] =	ssyncadd.s32 $0xFFFFC000  }
0xb6: {  	[spmem:s2] =	stream.indirect.scatter.add.f32 [tilespmem:s22], [sflag:$0x5], $0x80, s12, s16, $0xb8;
	[tilespmem:$0x1F000] =	vst v63  }
0xb7: {  	_ =	swait.ge [sflag:s13], $0x4000  }
0xb8: {  	[sflag:s13] =	ssyncset.done $0x0  }
0xb9: {  	s0 =	simm.s32 $0x800;
	s12 =	simm.s32 $0x380;
	[sflag:s13] =	ssyncadd.s32 $0xFFFFC000  }
.LBB2_4:
0xba: {  	[tilespmem:s22], [sflag:$0x4] =	stream.indirect.gather [hbm4b:s4+s16], $0x80, s12, s16, $0xb8;
	[tilespmem:$0x1F000] =	vst v63  }
0xbb: {  	s6 =	smov.u32 s0  }
0xbc: {  	p0 =	sne.s32 s0, $0x9000;
	s0 =	sadd.s32 $0x800, s0;
	_ =	swait.ge [sflag:s23], $0x4000  }
0xbd: {  	s12 =	sshra.s32 s6, $0x2;
	[sflag:s23] =	ssyncset.done $0x0  }
0xbe: {  	s6 =	sadd.s32 $0x2800, s12;
	[sflag:s23] =	ssyncadd.s32 $0xFFFFC000  }
0xbf: {  	[spmem:s2] =	stream.indirect.scatter.add.f32 [tilespmem:s17], [sflag:$0x5], $0x80, s6, s16, $0xb8;
	[tilespmem:$0x1F000] =	vst v63  }
0xc0: {  	_ =	swait.ge [sflag:s13], $0x4000  }
0xc1: {  	[sflag:s13] =	ssyncset.done $0x0  }
0xc2: {  	s6 =	sadd.s32 $0x200, s12;
	[sflag:s13] =	ssyncadd.s32 $0xFFFFC000  }
0xc3: {  	[tilespmem:s17], [sflag:$0x1] =	stream.indirect.gather [hbm4b:s4+s16], $0x80, s6, s16, $0xb8;
	[tilespmem:$0x1F000] =	vst v63  }
0xc4: {  	_ =	swait.ge [sflag:s24], $0x4000  }
0xc5: {  	[sflag:s24] =	ssyncset.done $0x0  }
0xc6: {  	s6 =	sadd.s32 $0x2880, s12;
	[sflag:s24] =	ssyncadd.s32 $0xFFFFC000  }
0xc7: {  	[spmem:s2] =	stream.indirect.scatter.add.f32 [tilespmem:s18], [sflag:$0x5], $0x80, s6, s16, $0xb8;
	[tilespmem:$0x1F000] =	vst v63  }
0xc8: {  	_ =	swait.ge [sflag:s13], $0x4000  }
0xc9: {  	[sflag:s13] =	ssyncset.done $0x0  }
0xca: {  	s6 =	sadd.s32 $0x280, s12;
	[sflag:s13] =	ssyncadd.s32 $0xFFFFC000  }
0xcb: {  	[tilespmem:s18], [sflag:$0x2] =	stream.indirect.gather [hbm4b:s4+s16], $0x80, s6, s16, $0xb8;
	[tilespmem:$0x1F000] =	vst v63  }
0xcc: {  	_ =	swait.ge [sflag:s25], $0x4000  }
0xcd: {  	[sflag:s25] =	ssyncset.done $0x0  }
0xce: {  	s6 =	sadd.s32 $0x2900, s12;
	[sflag:s25] =	ssyncadd.s32 $0xFFFFC000  }
0xcf: {  	[spmem:s2] =	stream.indirect.scatter.add.f32 [tilespmem:s20], [sflag:$0x5], $0x80, s6, s16, $0xb8;
	[tilespmem:$0x1F000] =	vst v63  }
0xd0: {  	_ =	swait.ge [sflag:s13], $0x4000  }
0xd1: {  	[sflag:s13] =	ssyncset.done $0x0  }
0xd2: {  	s6 =	sadd.s32 $0x300, s12;
	[sflag:s13] =	ssyncadd.s32 $0xFFFFC000  }
0xd3: {  	[tilespmem:s20], [sflag:$0x3] =	stream.indirect.gather [hbm4b:s4+s16], $0x80, s6, s16, $0xb8;
	[tilespmem:$0x1F000] =	vst v63  }
0xd4: {  	_ =	swait.ge [sflag:s26], $0x4000  }
0xd5: {  	[sflag:s26] =	ssyncset.done $0x0  }
.Ltmp1:
0xd6: {  	s6 =	sadd.s32 $0x2980, s12;
	[sflag:s26] =	ssyncadd.s32 $0xFFFFC000;
	(pc) =	sbr.rel @p0 .LBB2_4-.Ltmp1, $4  }
0xd7: {  	[spmem:s2] =	stream.indirect.scatter.add.f32 [tilespmem:s22], [sflag:$0x5], $0x80, s6, s16, $0xb8;
	[tilespmem:$0x1F000] =	vst v63  }
0xd8: {  	_ =	swait.ge [sflag:s13], $0x4000  }
0xd9: {  	[sflag:s13] =	ssyncset.done $0x0  }
0xda: {  	s12 =	sadd.s32 $0x380, s12;
	[sflag:s13] =	ssyncadd.s32 $0xFFFFC000  }
0xdb: {  	[tilespmem:s22], [sflag:$0x4] =	stream.indirect.gather [hbm4b:s4+s16], $0x80, s12, s16, $0xb8;
	[tilespmem:$0x1F000] =	vst v63  }
0xdc: {  	_ =	swait.ge [sflag:s23], $0x4000  }
0xdd: {  	[sflag:s23] =	ssyncset.done $0x0  }
0xde: {  	[sflag:s23] =	ssyncadd.s32 $0xFFFFC000  }
0xdf: {  	[spmem:s2] =	stream.indirect.scatter.add.f32 [tilespmem:s17], [sflag:$0x5], $0x80, s28, s16, $0xb8;
	[tilespmem:$0x1F000] =	vst v63  }
0xe0: {  	_ =	swait.ge [sflag:s13], $0x4000  }
0xe1: {  	[sflag:s13] =	ssyncset.done $0x0  }
0xe2: {  	[sflag:s13] =	ssyncadd.s32 $0xFFFFC000  }
0xe3: {  	_ =	swait.ge [sflag:s24], $0x4000  }
0xe4: {  	[sflag:s24] =	ssyncset.done $0x0  }
0xe5: {  	[sflag:s24] =	ssyncadd.s32 $0xFFFFC000  }
0xe6: {  	[spmem:s2] =	stream.indirect.scatter.add.f32 [tilespmem:s18], [sflag:$0x5], $0x80, s29, s16, $0xb8;
	[tilespmem:$0x1F000] =	vst v63  }
0xe7: {  	_ =	swait.ge [sflag:s13], $0x4000  }
0xe8: {  	[sflag:s13] =	ssyncset.done $0x0  }
0xe9: {  	[sflag:s13] =	ssyncadd.s32 $0xFFFFC000  }
0xea: {  	_ =	swait.ge [sflag:s25], $0x4000  }
0xeb: {  	[sflag:s25] =	ssyncset.done $0x0  }
0xec: {  	[sflag:s25] =	ssyncadd.s32 $0xFFFFC000  }
0xed: {  	[spmem:s2] =	stream.indirect.scatter.add.f32 [tilespmem:s20], [sflag:$0x5], $0x80, s30, s16, $0xb8;
	[tilespmem:$0x1F000] =	vst v63  }
0xee: {  	_ =	swait.ge [sflag:s13], $0x4000  }
0xef: {  	[sflag:s13] =	ssyncset.done $0x0  }
0xf0: {  	[sflag:s13] =	ssyncadd.s32 $0xFFFFC000  }
0xf1: {  	_ =	swait.ge [sflag:s26], $0x4000  }
0xf2: {  	[sflag:s26] =	ssyncset.done $0x0  }
0xf3: {  	[sflag:s26] =	ssyncadd.s32 $0xFFFFC000  }
0xf4: {  	[spmem:s2] =	stream.indirect.scatter.add.f32 [tilespmem:s22], [sflag:$0x5], $0x80, s31, s16, $0xb8;
	[tilespmem:$0x1F000] =	vst v63  }
0xf5: {  	_ =	swait.ge [sflag:s13], $0x4000  }
0xf6: {  	s1 =	sadd.s32 $0x1, s1;
	[sflag:s13] =	ssyncset.done $0x0  }
0xf7: {  	p0 =	sne.s32 s1, s11;
	[sflag:s13] =	ssyncadd.s32 $0xFFFFC000  }
.Ltmp2:
0xf8: {  	[bflag:$0x0] =	sbarrier.arrive $0xFFFF;
	(pc) =	sbr.rel @p0 .LBB2_1-.Ltmp2, $4  }
0xf9: {  	[hbm:s10], [sflag:s14] =	dma.local [spmem:s15], $0x1400  }
0xfa: {  	_ =	swait.ge [sflag:s13], $0x1400  }
0xfb: {  	[sflag:s13] =	ssyncset.done $0x0  }
0xfc: {  	[sflag:s13] =	ssyncadd.s32 $0xFFFFEC00  }
0xfd: {  	_ =	sfence.sel $0x180000  }
0xfe: {  	[bflag:$0x0] =	sbarrier.arrive $0xFFFF  }
0xff: {  	_ =	strace $0x9000004D  }
0x100: {  	s0 =	stileid.u32;
	[bflag:$0x2] =	sbarrier.arrive $0xFFFF  }
0x101: {  	p0 =	sne.s32 s0, $0x0;
	s0 =	rddreg [dreg:$0x2]  }
0x102: {  	s0 =	sadd.s32 @!p0 $0x100000, s0  }
0x103: {  	[sflag:s0] =	ssyncadd.tile.s32 @!p0 $0x1;
	_ =	shalt  }
.Lfunc_end2:
_tile_overlayer_lowered:
.L_overlay_start_2:
0x104: {  	(tag) =	ssettag $0x2  }
0x105: {  	s0 =	rddreg [dreg:$0x0];
	s2 =	stileid.u32  }
0x106: {  	s1 =	rddreg [dreg:$0x1];
	p0 =	sne.s32 s2, $0x0  }
0x107: {  	s3 =	rddreg [dreg:$0x2];
	[bflag:$0x3] =	sbarrier.arrive $0xFFFF;
	s2 =	simm.s32 @!p0 $0x1C05  }
0x108: {  	[timem:s3], [sflag:s2] =	dma.local @!p0 [hbm:s0], s1  }
0x109: {  	s0 =	simm.s32 @!p0 $0x5  }
0x10a: {  	_ =	swait.ge @!p0 [sflag:s0], s1  }
0x10b: {  	s1 =	ssub.s32 @!p0 $0x0, s1;
	[sflag:s0] =	ssyncset.done @!p0 $0x0  }
0x10c: {  	[sflag:s0] =	ssyncadd.s32 @!p0 s1  }
0x10d: {  	[bflag:$0x3] =	sbarrier.arrive $0xFFFF  }
0x10e: {  	_ =	shalt  }

// kernel: kernel.7.cloned.1.call-start
scs
__scs_entry_jumppad:
0x0: {  	(pc) =	sbr.rel $0x88, $3  }
0x1: {  	(tag) =	ssettag $0x0;
	lr =	simm.s32 $0x1  }
0x2: {  	[smem:$0x3F90] =	sst lr;
	_ =	strace $0xD0000000  }
0x3: {  	_ = 	snop  }
0x4: {  	_ = 	snop  }
0x5: {  	_ = 	snop  }
0x6: {  	_ = 	snop  }
0x7: {  	_ = 	snop  }
__scs_overlays_trampoline_lowered:
0x8: {  	[smem:$0x3F9F] =	sst s0  }
0x9: {  	[smem:$0x3FA0] =	sst s1  }
0xa: {  	[smem:$0x3FA1] =	sst s2  }
0xb: {  	[smem:$0x3FA2] =	sst s3  }
0xc: {  	[smem:$0x3FA3] =	sst s4  }
0xd: {  	[smem:$0x3FA4] =	sst s5  }
0xe: {  	[smem:$0x3FA5] =	sst s6  }
0xf: {  	[smem:$0x3FA6] =	sst s7  }
0x10: {  	[smem:$0x3FA7] =	sst s8  }
0x11: {  	[smem:$0x3FA8] =	sst s9;
	s0 =	simm.s32 @!p0 $0x0  }
0x12: {  	s1 =	sld [smem:$0x3F8E];
	s0 =	simm.s32 @p0 $0x1  }
0x13: {  	[smem:$0x3FA9] =	sst s0;
	s0 =	simm.s32 @!p1 $0x0  }
0x14: {  	s2 =	sld [smem:$0x3F8D];
	s0 =	simm.s32 @p1 $0x1  }
0x15: {  	[smem:$0x3FAA] =	sst s0;
	s0 =	simm.s32 @!p2 $0x0  }
0x16: {  	s3 =	sld [smem:$0x3FDB];
	s0 =	simm.s32 @p2 $0x1  }
0x17: {  	s4 =	simm.s32 $0x1BF5;
	[smem:$0x3FAC] =	sst s0  }
0x18: {  	s0 =	sld [smem:$0x3F8F];
	_ =	swait.ge [sflag:s4], $0x0  }
0x19: {  	s7 =	sld [smem:$0x3F90]  }
0x1a: {  	s8 =	sadd.s32 $0xFFFFE003, lr  }
0x1b: {  	s9 =	sadd.s32 $0xFFFFFEF7, lr;
	s5 =	simm.s32 $0xFFFFFFFF;
	p2 =	slt.u32 s8, $0xFFFFF086  }
0x1c: {  	p1 =	slt.u32 s9, $0xF7A;
	s5 =	simm.s32 @!p2 $0x0  }
0x1d: {  	s5 =	simm.s32 @p1 $0x1;
	p0 =	seq.s32 s7, s2  }
0x1e: {  	s7 =	smul.u32 @!p0 $0xF7A, s2;
	p2 =	seq.s32 @!p0 s5, $0x0  }
0x1f: {  	s9 =	smul.u32 $0xF7A, s1;
	s8 =	simm.s32 @!p0 $0x1BF5;
	p2 =	por !p2, p0  }
0x20: {  	[sflag:s8] =	ssyncset.s32 @!p0 $0xFFFFF086;
	s6 =	sadd.s32 @!p0 s3, s7;
	s7 =	simm.s32 @!p0 $0x108  }
0x21: {  	s3 =	sadd.s32 s3, s9;
	s6 =	sadd.s32 @!p0 $0x88, s6;
	s7 =	simm.s32 @p2 $0x1082  }
0x22: {  	[simem:s7], [sflag:s8] =	dma.local @!p0 [hbm:s6], $0xF7A  }
0x23: {  	s9 =	sor.u32 $0xD0000000, s2;
	s6 =	simm.s32 $0x108;
	_ =	swait.ge @!p0 [sflag:s8], $0x0  }
0x24: {  	s3 =	sadd.s32 $0x88, s3;
	s6 =	simm.s32 @!p1 $0x1082;
	[sflag:s4] =	ssyncset.s32 $0xFFFFF086  }
0x25: {  	[simem:s6], [sflag:s4] =	dma.local [hbm:s3], $0xF7A  }
0x26: {  	[smem:$0x3F90] =	sst s1;
	(tag) =	ssettag s2;
	_ =	strace s9  }
0x27: {  	s1 =	sld [smem:$0x3FA0]  }
0x28: {  	s2 =	sld [smem:$0x3FA1]  }
0x29: {  	s4 =	sld [smem:$0x3FA3]  }
0x2a: {  	p0 =	seq.s32 s5, $0x0;
	s5 =	sld [smem:$0x3FA4]  }
0x2b: {  	s6 =	sld [smem:$0x3FA5]  }
0x2c: {  	s7 =	sld [smem:$0x3FA6]  }
0x2d: {  	s3 =	simm.s32 $0x108;
	s8 =	sld [smem:$0x3FA7]  }
0x2e: {  	s3 =	simm.s32 @!p0 $0x1082;
	s9 =	sld [smem:$0x3FA8]  }
0x2f: {  	lr =	sadd.s32 s0, s3;
	s0 =	sld [smem:$0x3F9F]  }
0x30: {  	s3 =	sld [smem:$0x3FA2]  }
0x31: {  	[smem:$0x3FAB] =	sst s10  }
0x32: {  	s10 =	sld [smem:$0x3FA9];
	_ =	sdelay $0x3  }
0x33: {  	p0 =	seq.s32 s10, $0x1;
	s10 =	sld [smem:$0x3FAB];
	_ =	sdelay $0x3  }
0x34: {  	[smem:$0x3FAB] =	sst s10  }
0x35: {  	s10 =	sld [smem:$0x3FAA];
	_ =	sdelay $0x3  }
0x36: {  	p1 =	seq.s32 s10, $0x1;
	s10 =	sld [smem:$0x3FAB];
	_ =	sdelay $0x3  }
0x37: {  	[smem:$0x3FAB] =	sst s10  }
0x38: {  	s10 =	sld [smem:$0x3FAC]  }
0x39: {  	_ = 	snop;
	(pc) =	sbr.ind lr, $3  }
0x3a: {  	_ = 	snop  }
0x3b: {  	_ = 	snop  }
0x3c: {  	p2 =	seq.s32 s10, $0x1;
	s10 =	sld [smem:$0x3FAB]  }
0x3d: {  	_ =	shalt  }
0x3e: {  	_ =	shalt  }
0x3f: {  	_ =	shalt  }
0x40: {  	_ =	shalt  }
0x41: {  	_ =	shalt  }
0x42: {  	_ =	shalt  }
0x43: {  	_ =	shalt  }
0x44: {  	_ =	shalt  }
0x45: {  	_ =	shalt  }
0x46: {  	_ =	shalt  }
0x47: {  	_ =	shalt  }
0x48: {  	_ =	shalt  }
0x49: {  	_ =	shalt  }
0x4a: {  	_ =	shalt  }
0x4b: {  	_ =	shalt  }
0x4c: {  	_ =	shalt  }
0x4d: {  	_ =	shalt  }
0x4e: {  	_ =	shalt  }
0x4f: {  	_ =	shalt  }
0x50: {  	_ =	shalt  }
0x51: {  	_ =	shalt  }
0x52: {  	_ =	shalt  }
0x53: {  	_ =	shalt  }
0x54: {  	_ =	shalt  }
0x55: {  	_ =	shalt  }
0x56: {  	_ =	shalt  }
0x57: {  	_ =	shalt  }
0x58: {  	_ =	shalt  }
0x59: {  	_ =	shalt  }
0x5a: {  	_ =	shalt  }
0x5b: {  	_ =	shalt  }
0x5c: {  	_ =	shalt  }
0x5d: {  	_ =	shalt  }
0x5e: {  	_ =	shalt  }
0x5f: {  	_ =	shalt  }
0x60: {  	_ =	shalt  }
0x61: {  	_ =	shalt  }
0x62: {  	_ =	shalt  }
0x63: {  	_ =	shalt  }
0x64: {  	_ =	shalt  }
0x65: {  	_ =	shalt  }
0x66: {  	_ =	shalt  }
0x67: {  	_ =	shalt  }
0x68: {  	_ =	shalt  }
0x69: {  	_ =	shalt  }
0x6a: {  	_ =	shalt  }
0x6b: {  	_ =	shalt  }
0x6c: {  	_ =	shalt  }
0x6d: {  	_ =	shalt  }
0x6e: {  	_ =	shalt  }
0x6f: {  	_ =	shalt  }
0x70: {  	_ =	shalt  }
0x71: {  	_ =	shalt  }
0x72: {  	_ =	shalt  }
0x73: {  	_ =	shalt  }
0x74: {  	_ =	shalt  }
0x75: {  	_ =	shalt  }
0x76: {  	_ =	shalt  }
0x77: {  	_ =	shalt  }
0x78: {  	_ =	shalt  }
0x79: {  	_ =	shalt  }
0x7a: {  	_ =	shalt  }
0x7b: {  	_ =	shalt  }
0x7c: {  	_ =	shalt  }
0x7d: {  	_ =	shalt  }
0x7e: {  	_ =	shalt  }
0x7f: {  	_ =	shalt  }
0x80: {  	_ =	shalt  }
0x81: {  	_ =	shalt  }
0x82: {  	_ =	shalt  }
0x83: {  	_ =	shalt  }
0x84: {  	_ =	shalt  }
0x85: {  	_ =	shalt  }
0x86: {  	_ =	shalt  }
0x87: {  	_ =	shalt  }
.Lfunc_end0:
.L_simem_size_0:
called_computation_lowered:
.L_overlay_start_0:
0x88: {  	s2 =	sld [smem:$0x3FD9]  }
0x89: {  	s3 =	sld [smem:$0x3FFE];
	_ =	sdelay $0x1  }
0x8a: {  	s1 =	srdreg.scid  }
0x8b: {  	s0 =	sand.u32 $0x1, s1  }
0x8c: {  	s16 =	sshll.u32 s0, $0xA;
	s2 =	sadd.s32 s3, s2  }
0x8d: {  	s2 =	sadd.s32 s2, s16  }
0x8e: {  	[smem:$0x3FB7] =	sst s2  }
0x8f: {  	_ = 	snop  }
0x90: {  	(tm) =	ssettm $0x1  }
0x91: {  	s17 =	sld [smem:$0x3FFB];
	_ =	sdelay $0x3  }
0x92: {  	_ =	strace s17  }
0x93: {  	s2 =	sld [smem:$0x3FFC];
	_ =	sdelay $0x3  }
0x94: {  	_ =	strace s2  }
0x95: {  	s2 =	sld [smem:$0x3FFD];
	_ =	sdelay $0x3  }
0x96: {  	_ =	strace s2  }
0x97: {  	_ =	strace $0x8FFFFFFF  }
0x98: {  	s18 =	sld [smem:$0x3FDB];
	_ =	sdelay $0x1  }
0x99: {  	s19 =	simm.s32 $_scs_section_size  }
0x9a: {  	s4 =	simm.s32 $_size__tile_overlayer_lowered;
	s5 =	simm.s32 $_tile_overlayer_lowered  }
0x9b: {  	s22 =	simm.s32 $0x1BFF;
	s21 =	sshll.u32 s5, $0x1;
	s2 =	sadd.s32 s19, s18  }
0x9c: {  	s6 =	simm.s32 $0x0;
	s20 =	sshll.u32 s4, $0x1;
	s4 =	sadd.s32 s21, s2  }
0x9d: {  	[timem:s6], [sflag:s22] =	dma.local [hbm:s4], s20  }
0x9e: {  	_ =	swait.ge [sflag:s22], s20  }
0x9f: {  	s3 =	ssub.s32 $0x0, s20;
	[sflag:s22] =	ssyncset.done $0x0  }
0xa0: {  	[sflag:s22] =	ssyncadd.s32 s3;
	_ =	sdelay $0x1  }
0xa1: {  	s23 =	simm.s32 $0x1B8B  }
0xa2: {  	_ =	swait.ge [sflag:s23], $0x1  }
0xa3: {  	[sflag:s23] =	ssyncset.done $0x0  }
0xa4: {  	s25 =	simm.s32 $0x1B8E;
	s24 =	sld [smem:$0x3FFE];
	[sflag:s23] =	ssyncadd.s32 $0xFFFFFFFF  }
0xa5: {  	s26 =	simm.s32 $execute0_lowered;
	[smem:$0x3FD2] =	sst s25  }
0xa6: {  	s4 =	sshll.u32 s26, $0x1;
	_ =	strace $0x80000046;
	[dreg:$0x1] =	wrdreg $0xFFFFFFFF  }
0xa7: {  	s28 =	simm.s32 $_size_execute0_lowered;
	s2 =	sadd.s32 s2, s4;
	[dreg:$0x0] =	wrdreg $0x0  }
0xa8: {  	s4 =	sshll.u32 s28, $0x1;
	[dreg:$0x2] =	wrdreg s2  }
0xa9: {  	[dreg:$0x3] =	wrdreg s4  }
0xaa: {  	[dreg:$0x4] =	wrdreg $0xC0  }
0xab: {  	_ =	task [dreg:s6], $0x5FFFF  }
0xac: {  	[dreg:$0x1] =	wrdreg $0xFFFFFFFF  }
0xad: {  	[dreg:$0x0] =	wrdreg $0x60  }
0xae: {  	[dreg:$0x2] =	wrdreg s24  }
0xaf: {  	[dreg:$0x3] =	wrdreg $0x68000  }
0xb0: {  	[dreg:$0x4] =	wrdreg $0x9  }
0xb1: {  	_ =	task.clear_ibuf [dreg:s6], $0x5FFFF;
	_ =	strace $0x90000046  }
0xb2: {  	s29 =	simm.s32 $0x9;
	_ =	strace $0x80000048  }
0xb3: {  	_ =	swait.ge [sflag:s29], $0x1  }
0xb4: {  	[sflag:s29] =	ssyncadd.s32 $0xFFFFFFFF  }
0xb5: {  	_ =	strace $0x90000048  }
0xb6: {  	_ =	sfence  }
0xb7: {  	s30 =	sld [smem:$0x0];
	_ =	sdelay $0x2  }
0xb8: {  	s31 =	sshll.u32 s1, $0xD;
	s1 =	sshrl.u32 s1, $0x2  }
0xb9: {  	s3 =	sand.u32 $0x4000, s31;
	s1 =	sadd.s32 s1, s30  }
0xba: {  	s0 =	sor.u32 s3, s0;
	s1 =	sshll.u32 s1, $0x11  }
0xbb: {  	s0 =	sor.u32 s1, s0  }
0xbc: {  	s0 =	sadd.s32 $0x8F2B, s0  }
0xbd: {  	[sflag:s0] =	ssyncadd.remote.s32 $0x1  }
0xbe: {  	_ =	sfence.sel $0xFFFF  }
0xbf: {  	[dreg:$0x0] =	wrdreg $0xFFFFFFFF;
	(pc) =	sbr.abs _section_cstart, $3  }
0xc0: {  	[dreg:$0x1] =	wrdreg $0xFFFFFFFF  }
0xc1: {  	_ =	task.clear_ibuf [dreg:s6], $0x2FFFF;
	_ =	strace $0x9FFFFFFF  }
0xc2: {  	(tm) =	ssettm $0x7FFFFFFF  }
0xc3: {  	_ =	shalt  }
tec
execute0_lowered:
.L_overlay_start_1:
0x0: {  	(tag) =	ssettag $0x1  }
0x1: {  	s0 =	srdreg.scid;
	s6 =	rddreg [dreg:$0x0]  }
0x2: {  	s2 =	rddreg [dreg:$0x1];
	s7 =	sand.u32 $0x1, s0  }
0x3: {  	s0 =	stileid.u32;
	s4 =	smul.u32 $0x28000, s7  }
0x4: {  	s1 =	rddreg [dreg:$0x2];
	s3 =	simm.s32 $0x0;
	s5 =	smul.u32 $0x2800, s0  }
0x5: {  	s15 =	simm.s32 $0x80;
	[smem:$0x7FF] =	sst s3;
	s8 =	smul.u32 $0xA0000, s7  }
0x6: {  	s16 =	simm.s32 $0x0;
	_ =	strace $0x80000047;
	s9 =	smul.u32 $0xA000, s0  }
0x7: {  	s11 =	smul.u32 $0x28000, s0;
	s7 =	ssub.s32 $0x2, s7;
	s31 =	sshll.u32 s0, $0x6  }
0x8: {  	s30 =	sshrl.u32 s7, $0x1;
	s4 =	sadd.s32 s5, s4;
	s5 =	sadd.s32 $0x16C00, s6  }
0x9: {  	s8 =	sadd.s32 s9, s8;
	s11 =	sshrl.u32 s11, $0x2;
	s13 =	ssub.s32 s7, s30  }
0xa: {  	s4 =	sshrl.u32 s4, $0x3;
	s8 =	sshrl.u32 s8, $0x3;
	s14 =	sadd.s32 s11, s2  }
0xb: {  	s11 =	simm.s32 $0x2800;
	s10 =	sadd.s32 s4, s6;
	s4 =	sadd.s32 $0x18000, s6  }
0xc: {  	s12 =	sadd.s32 s8, s6;
	s14 =	sshrl.u32 s14, $0x3;
	s6 =	sadd.s32 $0x2C00, s10  }
0xd: {  	s7 =	sadd.s32 $0x18800, s12;
	s8 =	sadd.s32 $0xCC00, s10;
	s9 =	sadd.s32 $0x40800, s12  }
0xe: {  	s10 =	smax.u32 s13, $0x1;
	s12 =	simm.s32 $0x1;
	s13 =	sor.u32 $0x1C01, s31  }
.LBB2_1:
0xf: {  	[tilespmem:s11], [sflag:$0x1] =	stream.linear.gather [hbm4b:s4+s3], $0x4000, $0x38;
	[tilespmem:$0x10800] =	vst v63  }
0x10: {  	_ =	swait.ge [sflag:s12], $0x4000  }
0x11: {  	[sflag:s12] =	ssyncset.done $0x0  }
0x12: {  	[sflag:s12] =	ssyncadd.s32 $0xFFFFC000  }
0x13: {  	[spmem:s14], [sflag:s13] =	dma.local [hbm:s5], $0x1400  }
0x14: {  	_ =	swait.ge [sflag:s12], $0x1400  }
0x15: {  	[sflag:s12] =	ssyncset.done $0x0  }
0x16: {  	[sflag:s12] =	ssyncadd.s32 $0xFFFFEC00  }
0x17: {  	[tilespmem:s3], [sflag:$0x1] =	stream.linear.gather [hbm4b:s6+s3], $0x2800, $0x38;
	[tilespmem:$0x10800] =	vst v63  }
0x18: {  	_ =	swait.ge [sflag:s12], $0x2800  }
0x19: {  	[sflag:s12] =	ssyncset.done $0x0  }
0x1a: {  	[sflag:s12] =	ssyncadd.s32 $0xFFFFD800  }
0x1b: {  	s17 =	simm.s32 $0x0;
	[bflag:$0x0] =	sbarrier.arrive $0xFFFF  }
0x1c: {  	[spmem:s2] =	stream.indirect.scatter.add.f32 [tilespmem:s11], [sflag:$0x1], $0x80, s17, s15, $0xb8;
	[tilespmem:$0x10800] =	vst v63  }
0x1d: {  	_ =	swait.ge [sflag:s12], $0x4000  }
0x1e: {  	s17 =	simm.s32 $0x200;
	[sflag:s12] =	ssyncset.done $0x0  }
.LBB2_2:
0x1f: {  	s18 =	sshra.s32 s17, $0x2;
	[sflag:s12] =	ssyncadd.s32 $0xFFFFC000;
	p0 =	sne.s32 s17, $0x9E00  }
0x20: {  	[spmem:s2] =	stream.indirect.scatter.add.f32 [tilespmem:s11], [sflag:$0x1], $0x80, s18, s15, $0xb8;
	[tilespmem:$0x10800] =	vst v63  }
.Ltmp0:
0x21: {  	_ = 	snop;
	(pc) =	sbr.rel @p0 .LBB2_2-.Ltmp0, $4  }
0x22: {  	_ = 	snop  }
0x23: {  	s17 =	sadd.s32 $0x200, s17  }
0x24: {  	_ =	swait.ge [sflag:s12], $0x4000  }
0x25: {  	[sflag:s12] =	ssyncset.done $0x0  }
0x26: {  	[sflag:s12] =	ssyncadd.s32 $0xFFFFC000  }
0x27: {  	[bflag:$0x0] =	sbarrier.arrive $0xFFFF  }
0x28: {  	[hbm:s7], [sflag:s13] =	dma.local [spmem:s14], $0x1400  }
0x29: {  	_ =	swait.ge [sflag:s12], $0x1400  }
0x2a: {  	[sflag:s12] =	ssyncset.done $0x0  }
0x2b: {  	[sflag:s12] =	ssyncadd.s32 $0xFFFFEC00  }
0x2c: {  	[spmem:s14], [sflag:s13] =	dma.local [hbm:s5], $0x1400  }
0x2d: {  	_ =	swait.ge [sflag:s12], $0x1400  }
0x2e: {  	[sflag:s12] =	ssyncset.done $0x0  }
0x2f: {  	s17 =	simm.s32 $0x0;
	[sflag:s12] =	ssyncadd.s32 $0xFFFFEC00  }
0x30: {  	[tilespmem:s17], [sflag:$0x1] =	stream.linear.gather [hbm4b:s8+s17], $0x2800, $0x38;
	[tilespmem:$0x10800] =	vst v63  }
0x31: {  	_ =	swait.ge [sflag:s12], $0x2800  }
0x32: {  	[sflag:s12] =	ssyncset.done $0x0  }
0x33: {  	[sflag:s12] =	ssyncadd.s32 $0xFFFFD800  }
0x34: {  	s31 =	simm.s32 $0x0;
	[bflag:$0x0] =	sbarrier.arrive $0xFFFF  }
0x35: {  	[spmem:s2] =	stream.indirect.scatter.add.f32 [tilespmem:s11], [sflag:$0x1], $0x80, s31, s15, $0xb8;
	[tilespmem:$0x10800] =	vst v63  }
0x36: {  	_ =	swait.ge [sflag:s12], $0x4000  }
0x37: {  	s17 =	simm.s32 $0x200;
	[sflag:s12] =	ssyncset.done $0x0  }
.LBB2_4:
0x38: {  	s18 =	sshra.s32 s17, $0x2;
	[sflag:s12] =	ssyncadd.s32 $0xFFFFC000;
	p0 =	sne.s32 s17, $0x9E00  }
0x39: {  	[spmem:s2] =	stream.indirect.scatter.add.f32 [tilespmem:s11], [sflag:$0x1], $0x80, s18, s15, $0xb8;
	[tilespmem:$0x10800] =	vst v63  }
.Ltmp1:
0x3a: {  	_ = 	snop;
	(pc) =	sbr.rel @p0 .LBB2_4-.Ltmp1, $4  }
0x3b: {  	_ = 	snop  }
0x3c: {  	s17 =	sadd.s32 $0x200, s17  }
0x3d: {  	_ =	swait.ge [sflag:s12], $0x4000  }
0x3e: {  	[sflag:s12] =	ssyncset.done $0x0  }
0x3f: {  	s16 =	sadd.s32 $0x1, s16  }
0x40: {  	[sflag:s12] =	ssyncadd.s32 $0xFFFFC000;
	p0 =	sne.s32 s16, s10  }
.Ltmp2:
0x41: {  	[bflag:$0x0] =	sbarrier.arrive $0xFFFF;
	(pc) =	sbr.rel @p0 .LBB2_1-.Ltmp2, $4  }
0x42: {  	[hbm:s9], [sflag:s13] =	dma.local [spmem:s14], $0x1400  }
0x43: {  	_ =	swait.ge [sflag:s12], $0x1400  }
0x44: {  	[sflag:s12] =	ssyncset.done $0x0  }
0x45: {  	[sflag:s12] =	ssyncadd.s32 $0xFFFFEC00  }
0x46: {  	_ =	sfence.sel $0x180000  }
0x47: {  	[bflag:$0x0] =	sbarrier.arrive $0xFFFF  }
0x48: {  	p0 =	sne.s32 s0, $0x0;
	_ =	strace $0x90000047  }
0x49: {  	s0 =	sadd.s32 @!p0 $0x100000, s1;
	[bflag:$0x2] =	sbarrier.arrive $0xFFFF  }
0x4a: {  	[sflag:s0] =	ssyncadd.tile.s32 @!p0 $0x1;
	_ =	shalt  }
.Lfunc_end2:
_tile_overlayer_lowered:
.L_overlay_start_2:
0x4b: {  	(tag) =	ssettag $0x2  }
0x4c: {  	s0 =	rddreg [dreg:$0x0];
	s2 =	stileid.u32  }
0x4d: {  	s1 =	rddreg [dreg:$0x1];
	p0 =	sne.s32 s2, $0x0  }
0x4e: {  	s3 =	rddreg [dreg:$0x2];
	[bflag:$0x3] =	sbarrier.arrive $0xFFFF;
	s2 =	simm.s32 @!p0 $0x1C01  }
0x4f: {  	[timem:s3], [sflag:s2] =	dma.local @!p0 [hbm:s0], s1  }
0x50: {  	s0 =	simm.s32 @!p0 $0x1  }
0x51: {  	_ =	swait.ge @!p0 [sflag:s0], s1  }
0x52: {  	s1 =	ssub.s32 @!p0 $0x0, s1;
	[sflag:s0] =	ssyncset.done @!p0 $0x0  }
0x53: {  	[sflag:s0] =	ssyncadd.s32 @!p0 s1  }
0x54: {  	[bflag:$0x3] =	sbarrier.arrive $0xFFFF  }
0x55: {  	_ =	shalt  }

</sc_bundles>
